<compile_context>
chip_gen: v7x
topology: tpu7x:2x2x1
jax: 0.10.2.dev20260603
libtpu: 0.0.44.dev20260713+nightly
codegen_flags: <defaults>
</compile_context>

<pallas_src>
import functools

import jax
import jax.numpy as jnp
from jax import lax
from jax.experimental import pallas as pl
from jax.experimental.pallas import tpu as pltpu
from jax.experimental.pallas import tpu_sc as plsc

N = 50000
M = 16
ORIG = 92
NBR = 16
ATOM = 64
F2 = 2 * ATOM
H = 128
N0 = 1000
APC = 50
E = N * M
EPS = 1e-5

NW = 32
EPW = E // NW
CHUNK = 128
NFULL = EPW // CHUNK
TAIL = EPW - NFULL * CHUNK
NBUF = 2


def _sc_gather_body(table_hbm, idx_hbm, out_hbm, idx_v, rows_v, *sems):
    gsems = sems[:NBUF]
    wsems = sems[NBUF:2 * NBUF]
    isems = sems[2 * NBUF:]
    wid = lax.axis_index("s") * 2 + lax.axis_index("c")
    base = wid * EPW

    def fire_idx(g, b, n=CHUNK):
        pltpu.async_copy(
            idx_hbm.at[pl.ds(base + g * CHUNK, n)],
            idx_v.at[b].at[pl.ds(0, n)], isems[b])

    def wait_idx(b, n=CHUNK):
        pltpu.make_async_copy(
            idx_hbm.at[pl.ds(base, n)],
            idx_v.at[b].at[pl.ds(0, n)], isems[b]).wait()

    def fire_gather(b, n=CHUNK):
        pltpu.async_copy(
            table_hbm.at[idx_v.at[b].at[pl.ds(0, n)]],
            rows_v.at[b].at[pl.ds(0, n)], gsems[b])

    def drain_gather(b, n=CHUNK):
        pltpu.make_async_copy(
            rows_v.at[b].at[pl.ds(0, n)],
            out_hbm.at[pl.ds(base, n)], gsems[b]).wait()

    def fire_write(g, b, n=CHUNK):
        pltpu.async_copy(
            rows_v.at[b].at[pl.ds(0, n)],
            out_hbm.at[pl.ds(base + g * CHUNK, n)], wsems[b])

    def wait_write(b, n=CHUNK):
        pltpu.make_async_copy(
            rows_v.at[b].at[pl.ds(0, n)],
            out_hbm.at[pl.ds(base, n)], wsems[b]).wait()

    fire_idx(0, 0)
    fire_idx(1, 1)
    wait_idx(0)
    fire_gather(0)
    wait_idx(1)
    fire_gather(1)

    def body(i, carry):
        for b in range(NBUF):
            g = i * NBUF + b
            drain_gather(b)

            @pl.when(g + NBUF < NFULL)
            def _():
                fire_idx(g + NBUF, b)

            fire_write(g, b)

            @pl.when(g + NBUF < NFULL)
            def _():
                wait_write(b)
                wait_idx(b)
                fire_gather(b)
        return carry

    lax.fori_loop(0, (NFULL - 1) // NBUF, body, None)
    drain_gather(0)
    fire_write(NFULL - 1, 0)
    wait_write(1)
    fire_idx(NFULL, 1, TAIL)
    wait_idx(1, TAIL)
    fire_gather(1, TAIL)
    drain_gather(1, TAIL)
    fire_write(NFULL, 1, TAIL)
    wait_write(1, TAIL)
    wait_write(0)


def _sc_gather(table, idx_flat):
    mesh = plsc.VectorSubcoreMesh(core_axis_name="c", subcore_axis_name="s")
    return pl.kernel(
        _sc_gather_body,
        out_type=jax.ShapeDtypeStruct((E, F2), jnp.float32),
        mesh=mesh,
        scratch_types=(
            [pltpu.VMEM((NBUF, CHUNK), jnp.int32),
             pltpu.VMEM((NBUF, CHUNK, F2), jnp.float32)]
            + [pltpu.SemaphoreType.DMA] * (3 * NBUF)
        ),
    )(table, idx_flat)



def _embed_body(af_ref, mask_ref, w_ref, b_ref, am_ref, x_ref):
    am = af_ref[...] * mask_ref[...]
    am_ref[...] = am
    x_ref[...] = jnp.dot(am, w_ref[...],
                         preferred_element_type=jnp.float32,
                         precision=lax.Precision.HIGHEST) + b_ref[...]


def _embed(atom_fea, mask, emb_W, emb_b):
    RB = 2000
    grid = N // RB
    return pl.pallas_call(
        _embed_body,
        grid=(grid,),
        in_specs=[
            pl.BlockSpec((RB, ORIG), lambda i: (i, 0)),
            pl.BlockSpec((1, ORIG), lambda i: (0, 0)),
            pl.BlockSpec((ORIG, ATOM), lambda i: (0, 0)),
            pl.BlockSpec((1, ATOM), lambda i: (0, 0)),
        ],
        out_specs=[
            pl.BlockSpec((RB, ORIG), lambda i: (i, 0)),
            pl.BlockSpec((RB, ATOM), lambda i: (i, 0)),
        ],
        out_shape=[
            jax.ShapeDtypeStruct((N, ORIG), jnp.float32),
            jax.ShapeDtypeStruct((N, ATOM), jnp.float32),
        ],
    )(atom_fea, mask, emb_W, emb_b)


def _dense_body(x_ref, ws_ref, wn_ref, b_ref, ys_ref, yn_ref):
    x = x_ref[...]
    ys_ref[...] = jnp.dot(x, ws_ref[...],
                          preferred_element_type=jnp.float32,
                          precision=lax.Precision.HIGHEST) + b_ref[...]
    yn_ref[...] = jnp.dot(x, wn_ref[...],
                          preferred_element_type=jnp.float32,
                          precision=lax.Precision.HIGHEST)


def _dense(x, Ws, Wn, b):
    RB = 2000
    return pl.pallas_call(
        _dense_body,
        grid=(N // RB,),
        in_specs=[
            pl.BlockSpec((RB, ATOM), lambda i: (i, 0)),
            pl.BlockSpec((ATOM, F2), lambda i: (0, 0)),
            pl.BlockSpec((ATOM, F2), lambda i: (0, 0)),
            pl.BlockSpec((1, F2), lambda i: (0, 0)),
        ],
        out_specs=[
            pl.BlockSpec((RB, F2), lambda i: (i, 0)),
            pl.BlockSpec((RB, F2), lambda i: (i, 0)),
        ],
        out_shape=[
            jax.ShapeDtypeStruct((N, F2), jnp.float32),
            jax.ShapeDtypeStruct((N, F2), jnp.float32),
        ],
    )(x, Ws, Wn, b)


AB = 400
EB = AB * M
EGRID = N // AB


def _stats_body(edges_ref, nbr_ref, ys_ref, we_ref, sum_ref, sq_ref):
    v = jnp.dot(nbr_ref[...], we_ref[...],
                preferred_element_type=jnp.float32,
                precision=lax.Precision.HIGHEST)
    g = edges_ref[...] + v
    g = g.reshape(AB, M, F2) + ys_ref[...][:, None, :]

    @pl.when(pl.program_id(0) == 0)
    def _():
        sum_ref[...] = jnp.zeros_like(sum_ref)
        sq_ref[...] = jnp.zeros_like(sq_ref)

    sum_ref[...] += jnp.sum(g, axis=(0, 1))[None, :]
    sq_ref[...] += jnp.sum(g * g, axis=(0, 1))[None, :]


def _stats(edges, nbr2, ys, We):
    return pl.pallas_call(
        _stats_body,
        grid=(EGRID,),
        in_specs=[
            pl.BlockSpec((EB, F2), lambda i: (i, 0)),
            pl.BlockSpec((EB, NBR), lambda i: (i, 0)),
            pl.BlockSpec((AB, F2), lambda i: (i, 0)),
            pl.BlockSpec((NBR, F2), lambda i: (0, 0)),
        ],
        out_specs=[
            pl.BlockSpec((1, F2), lambda i: (0, 0)),
            pl.BlockSpec((1, F2), lambda i: (0, 0)),
        ],
        out_shape=[
            jax.ShapeDtypeStruct((1, F2), jnp.float32),
            jax.ShapeDtypeStruct((1, F2), jnp.float32),
        ],
    )(edges, nbr2, ys, We)


def _gate_body(edges_ref, nbr_ref, ys_ref, we_ref, sc_ref, sh_ref,
               s_ref, sum_ref, sq_ref):
    v = jnp.dot(nbr_ref[...], we_ref[...],
                preferred_element_type=jnp.float32,
                precision=lax.Precision.HIGHEST)
    g = edges_ref[...] + v
    g = g.reshape(AB, M, F2) + ys_ref[...][:, None, :]
    g = g * sc_ref[...][None, :, :] + sh_ref[...][None, :, :]
    filt = jax.nn.sigmoid(g[:, :, :ATOM])
    core = jax.nn.softplus(g[:, :, ATOM:])
    s = jnp.sum(filt * core, axis=1)
    s_ref[...] = s

    @pl.when(pl.program_id(0) == 0)
    def _():
        sum_ref[...] = jnp.zeros_like(sum_ref)
        sq_ref[...] = jnp.zeros_like(sq_ref)

    sum_ref[...] += jnp.sum(s, axis=0)[None, :]
    sq_ref[...] += jnp.sum(s * s, axis=0)[None, :]


def _gate(edges, nbr2, ys, We, scale1, shift1):
    return pl.pallas_call(
        _gate_body,
        grid=(EGRID,),
        in_specs=[
            pl.BlockSpec((EB, F2), lambda i: (i, 0)),
            pl.BlockSpec((EB, NBR), lambda i: (i, 0)),
            pl.BlockSpec((AB, F2), lambda i: (i, 0)),
            pl.BlockSpec((NBR, F2), lambda i: (0, 0)),
            pl.BlockSpec((1, F2), lambda i: (0, 0)),
            pl.BlockSpec((1, F2), lambda i: (0, 0)),
        ],
        out_specs=[
            pl.BlockSpec((AB, ATOM), lambda i: (i, 0)),
            pl.BlockSpec((1, ATOM), lambda i: (0, 0)),
            pl.BlockSpec((1, ATOM), lambda i: (0, 0)),
        ],
        out_shape=[
            jax.ShapeDtypeStruct((N, ATOM), jnp.float32),
            jax.ShapeDtypeStruct((1, ATOM), jnp.float32),
            jax.ShapeDtypeStruct((1, ATOM), jnp.float32),
        ],
    )(edges, nbr2, ys, We, scale1, shift1)


def _update_body(x_ref, s_ref, sc_ref, sh_ref, o_ref):
    o_ref[...] = jax.nn.softplus(
        x_ref[...] + s_ref[...] * sc_ref[...] + sh_ref[...])


def _update(x, s, scale2, shift2):
    RB = 2000
    return pl.pallas_call(
        _update_body,
        grid=(N // RB,),
        in_specs=[
            pl.BlockSpec((RB, ATOM), lambda i: (i, 0)),
            pl.BlockSpec((RB, ATOM), lambda i: (i, 0)),
            pl.BlockSpec((1, ATOM), lambda i: (0, 0)),
            pl.BlockSpec((1, ATOM), lambda i: (0, 0)),
        ],
        out_specs=pl.BlockSpec((RB, ATOM), lambda i: (i, 0)),
        out_shape=jax.ShapeDtypeStruct((N, ATOM), jnp.float32),
    )(x, s, scale2, shift2)


def _head_body(x_ref, cw_ref, cb_ref, ow_ref, ob_ref, o_ref):
    xm = jnp.mean(x_ref[...].reshape(N0, APC, ATOM), axis=1)
    a = jnp.dot(jax.nn.softplus(xm), cw_ref[...],
                preferred_element_type=jnp.float32,
                precision=lax.Precision.HIGHEST) + cb_ref[...]
    a = jax.nn.softplus(a)
    o_ref[...] = jnp.dot(a, ow_ref[...],
                         preferred_element_type=jnp.float32,
                         precision=lax.Precision.HIGHEST) + ob_ref[...]


def _head(x, ctf_W, ctf_b, out_W, out_b):
    return pl.pallas_call(
        _head_body,
        in_specs=[
            pl.BlockSpec((N, ATOM), lambda: (0, 0)),
            pl.BlockSpec((ATOM, H), lambda: (0, 0)),
            pl.BlockSpec((1, H), lambda: (0, 0)),
            pl.BlockSpec((H, 1), lambda: (0, 0)),
            pl.BlockSpec((1, 1), lambda: (0, 0)),
        ],
        out_specs=pl.BlockSpec((N0, 1), lambda: (0, 0)),
        out_shape=jax.ShapeDtypeStruct((N0, 1), jnp.float32),
    )(x, ctf_W, ctf_b, out_W, out_b)


def kernel(atom_fea, nbr_fea, nbr_fea_idx, crystal_atom_idx, params):
    mask = params['mask'].reshape(1, ORIG)
    emb_b = params['emb_b'].reshape(1, ATOM)
    am, x = _embed(atom_fea, mask, params['emb_W'], emb_b)

    idx_flat = nbr_fea_idx.reshape(E).astype(jnp.int32)
    nbr2 = nbr_fea.reshape(E, NBR)

    for p in params['convs']:
        W = p['W']
        Ws, Wn, We = W[:ATOM], W[ATOM:2 * ATOM], W[2 * ATOM:]
        b = p['b'].reshape(1, F2)
        ys, yn = _dense(x, Ws, Wn, b)
        edges = _sc_gather(yn, idx_flat)
        gsum, gsq = _stats(edges, nbr2, ys, We)
        mean = gsum / E
        var = gsq / E - mean * mean
        rsig = lax.rsqrt(var + EPS)
        scale1 = p['g1'].reshape(1, F2) * rsig
        shift1 = p['b1'].reshape(1, F2) - mean * scale1
        s, ssum, ssq = _gate(edges, nbr2, ys, We, scale1, shift1)
        mean2 = ssum / N
        var2 = ssq / N - mean2 * mean2
        rsig2 = lax.rsqrt(var2 + EPS)
        scale2 = p['g2'].reshape(1, ATOM) * rsig2
        shift2 = p['b2'].reshape(1, ATOM) - mean2 * scale2
        x = _update(x, s, scale2, shift2)

    out = _head(x, params['ctf_W'], params['ctf_b'].reshape(1, H),
                params['out_W'], params['out_b'].reshape(1, 1))
    return out, am

# --- scband reference (transcript-rebuilt; emitter-appended) ---
"""Pipeline reference for scband-crystal-graph-conv-net-29042568856221 (READ-ONLY COPY).

The authoritative reference and input builder live on the scoring server;
editing this copy changes nothing except your own understanding.
"""

import jax, jax.numpy as jnp
import numpy as np

N = 50000
M = 16
ORIG = 92
NBR = 16
ATOM = 64
H = 128
N0 = 1000
APC = 50

def _bn(x, g, b, eps=1e-5):
    m = jnp.mean(x, axis=0)
    v = jnp.var(x, axis=0)
    return g * (x - m) / jnp.sqrt(v + eps) + b

def _conv_layer(atom_fea, nbr_fea, nbr_fea_idx, p):
    n, m = nbr_fea_idx.shape
    atom_nbr_fea = atom_fea[nbr_fea_idx, :]
    self_fea = jnp.broadcast_to(atom_fea[:, None, :], (n, m, ATOM))
    total_nbr_fea = jnp.concatenate([self_fea, atom_nbr_fea, nbr_fea], axis=2)
    total_gated = total_nbr_fea @ p['W'] + p['b']
    total_gated = _bn(total_gated.reshape(-1, 2 * ATOM), p['g1'], p['b1']).reshape(n, m, 2 * ATOM)
    nbr_filter = jax.nn.sigmoid(total_gated[:, :, :ATOM])
    nbr_core = jax.nn.softplus(total_gated[:, :, ATOM:])
    nbr_sumed = jnp.sum(nbr_filter * nbr_core, axis=1)
    nbr_sumed = _bn(nbr_sumed, p['g2'], p['b2'])
    return jax.nn.softplus(atom_fea + nbr_sumed)

def _forward(atom_fea, nbr_fea, nbr_fea_idx, crystal_atom_idx, params):
    atom_fea = atom_fea * params['mask'][None, :]
    atom_mask_feature = atom_fea
    x = atom_fea @ params['emb_W'] + params['emb_b']
    for p in params['convs']:
        x = _conv_layer(x, nbr_fea, nbr_fea_idx, p)
    crys = jnp.mean(x[crystal_atom_idx], axis=1)
    crys = jax.nn.softplus(crys) @ params['ctf_W'] + params['ctf_b']
    crys = jax.nn.softplus(crys)
    out = crys @ params['out_W'] + params['out_b']
    return out, atom_mask_feature

def setup_inputs(seed: int = 0):
    key = jax.random.key(seed)
    ks = jax.random.split(key, 16)
    atom_fea = jax.random.normal(ks[0], (N, ORIG), dtype=jnp.float32)
    nbr_fea = jax.random.normal(ks[1], (N, M, NBR), dtype=jnp.float32)
    nbr_fea_idx = jax.random.randint(ks[2], (N, M), 0, N)
    crystal_atom_idx = jnp.arange(N0 * APC).reshape(N0, APC)

    def lin(k, fin, fout):
        bound = 1.0 / np.sqrt(fin)
        return jax.random.uniform(k, (fin, fout), minval=-bound, maxval=bound, dtype=jnp.float32)

    convs = []
    for i in range(3):
        kk = jax.random.fold_in(ks[4], i)
        convs.append({'W': lin(kk, 2 * ATOM + NBR, 2 * ATOM),
                      'b': jnp.zeros((2 * ATOM,), jnp.float32),
                      'g1': jnp.ones((2 * ATOM,), jnp.float32),
                      'b1': jnp.zeros((2 * ATOM,), jnp.float32),
                      'g2': jnp.ones((ATOM,), jnp.float32),
                      'b2': jnp.zeros((ATOM,), jnp.float32)})
    params = {'mask': jnp.ones((ORIG,), jnp.float32),
              'emb_W': lin(ks[3], ORIG, ATOM),
              'emb_b': jnp.zeros((ATOM,), jnp.float32),
              'convs': convs,
              'ctf_W': lin(ks[8], ATOM, H),
              'ctf_b': jnp.zeros((H,), jnp.float32),
              'out_W': lin(ks[9], H, 1),
              'out_b': jnp.zeros((1,), jnp.float32)}
    return {'atom_fea': atom_fea, 'nbr_fea': nbr_fea, 'nbr_fea_idx': nbr_fea_idx,
            'crystal_atom_idx': crystal_atom_idx, 'params': params}

def reference(atom_fea, nbr_fea, nbr_fea_idx, crystal_atom_idx, params):
    return _forward(atom_fea, nbr_fea, nbr_fea_idx, crystal_atom_idx, params)

if __name__ == "__main__":
    import jax
    _d = setup_inputs()
    print(jax.jit(kernel)(*tuple(_d.values())))

</pallas_src>

<mosaic_0001>
#map = affine_map<(d0, d1) -> (0, 0)>
#map1 = affine_map<(d0, d1) -> (0)>
module attributes {stable_mosaic.version = 14 : i64} {
  func.func @_sc_gather_body(%arg0: i32, %arg1: i32, %arg2: memref<50000x128xf32, #tpu.memory_space<hbm>>, %arg3: memref<800000xi32, #tpu.memory_space<hbm>>, %arg4: memref<800000x128xf32, #tpu.memory_space<hbm>>, %arg5: memref<2x128xi32, #tpu.memory_space<vmem>>, %arg6: memref<2x128x128xf32, #tpu.memory_space<vmem>>, %arg7: memref<!tpu.dma_semaphore, #tpu.memory_space<semaphore_mem>>, %arg8: memref<!tpu.dma_semaphore, #tpu.memory_space<semaphore_mem>>, %arg9: memref<!tpu.dma_semaphore, #tpu.memory_space<semaphore_mem>>, %arg10: memref<!tpu.dma_semaphore, #tpu.memory_space<semaphore_mem>>, %arg11: memref<!tpu.dma_semaphore, #tpu.memory_space<semaphore_mem>>, %arg12: memref<!tpu.dma_semaphore, #tpu.memory_space<semaphore_mem>>) attributes {dimension_semantics = [#tpu.dimension_semantics<core_parallel>, #tpu.dimension_semantics<subcore_parallel>], iteration_bounds = array<i64: 2, 16>, scalar_prefetch = 0 : i64, scratch_operands = 8 : i64, tpu.core_type = #tpu.core_type<sc_vector_subcore>, window_params = [{transform_indices = #map}, {transform_indices = #map1}, {transform_indices = #map}]} {
    %mul3A = arith.constant 2 : i32
    %mul3A_0 = arith.muli %arg1, %mul3A : i32
    %add3A = arith.addi %mul3A_0, %arg0 : i32
    %mul3A_1 = arith.constant 25000 : i32
    %mul3A_2 = arith.muli %add3A, %mul3A_1 : i32
    %add3A_3 = arith.constant 0 : i32
    %add3A_4 = arith.addi %mul3A_2, %add3A_3 : i32
    %dma_start3A = arith.constant 0 : i32
    %dma_start3A_5 = arith.constant 0 : i32
    %dma_start3A_6 = tpu.memref_slice %arg5[%dma_start3A, %dma_start3A_5] : memref<2x128xi32, #tpu.memory_space<vmem>> -> memref<1x128xi32, #tpu.memory_space<vmem>>
    %dma_start3A_7 = tpu.memref_squeeze %dma_start3A_6 : memref<1x128xi32, #tpu.memory_space<vmem>> -> memref<128xi32, #tpu.memory_space<vmem>>
    %dma_start3A_8 = arith.constant 0 : i32
    %dma_start3A_9 = tpu.memref_slice %dma_start3A_7[%dma_start3A_8] : memref<128xi32, #tpu.memory_space<vmem>> -> memref<128xi32, #tpu.memory_space<vmem>>
    %dma_start3A_10 = tpu.memref_slice %arg3[%add3A_4] : memref<800000xi32, #tpu.memory_space<hbm>> -> memref<128xi32, #tpu.memory_space<hbm>>
    %dma_start3A_11 = arith.constant 0 : i32
    %dma_start3A_12 = tpu.memref_slice %arg5[%dma_start3A, %dma_start3A_11] : memref<2x128xi32, #tpu.memory_space<vmem>> -> memref<1x128xi32, #tpu.memory_space<vmem>>
    %dma_start3A_13 = tpu.memref_squeeze %dma_start3A_12 : memref<1x128xi32, #tpu.memory_space<vmem>> -> memref<128xi32, #tpu.memory_space<vmem>>
    %dma_start3A_14 = arith.constant 0 : i32
    %dma_start3A_15 = tpu.memref_slice %dma_start3A_13[%dma_start3A_14] : memref<128xi32, #tpu.memory_space<vmem>> -> memref<128xi32, #tpu.memory_space<vmem>>
    %dma_start3A_16 = tpu.memref_slice %arg3[%add3A_4] : memref<800000xi32, #tpu.memory_space<hbm>> -> memref<128xi32, #tpu.memory_space<hbm>>
    tpu.enqueue_dma source(%dma_start3A_16 : memref<128xi32, #tpu.memory_space<hbm>>) target(%dma_start3A_15 : memref<128xi32, #tpu.memory_space<vmem>>) target_semaphore(%arg11 : memref<!tpu.dma_semaphore, #tpu.memory_space<semaphore_mem>>)
    %add3A_17 = arith.constant 128 : i32
    %add3A_18 = arith.addi %mul3A_2, %add3A_17 : i32
    %dma_start3A_19 = arith.constant 1 : i32
    %dma_start3A_20 = arith.constant 0 : i32
    %dma_start3A_21 = tpu.memref_slice %arg5[%dma_start3A_19, %dma_start3A_20] : memref<2x128xi32, #tpu.memory_space<vmem>> -> memref<1x128xi32, #tpu.memory_space<vmem>>
    %dma_start3A_22 = tpu.memref_squeeze %dma_start3A_21 : memref<1x128xi32, #tpu.memory_space<vmem>> -> memref<128xi32, #tpu.memory_space<vmem>>
    %dma_start3A_23 = arith.constant 0 : i32
    %dma_start3A_24 = tpu.memref_slice %dma_start3A_22[%dma_start3A_23] : memref<128xi32, #tpu.memory_space<vmem>> -> memref<128xi32, #tpu.memory_space<vmem>>
    %dma_start3A_25 = tpu.memref_slice %arg3[%add3A_18] : memref<800000xi32, #tpu.memory_space<hbm>> -> memref<128xi32, #tpu.memory_space<hbm>>
    %dma_start3A_26 = arith.constant 0 : i32
    %dma_start3A_27 = tpu.memref_slice %arg5[%dma_start3A_19, %dma_start3A_26] : memref<2x128xi32, #tpu.memory_space<vmem>> -> memref<1x128xi32, #tpu.memory_space<vmem>>
    %dma_start3A_28 = tpu.memref_squeeze %dma_start3A_27 : memref<1x128xi32, #tpu.memory_space<vmem>> -> memref<128xi32, #tpu.memory_space<vmem>>
    %dma_start3A_29 = arith.constant 0 : i32
    %dma_start3A_30 = tpu.memref_slice %dma_start3A_28[%dma_start3A_29] : memref<128xi32, #tpu.memory_space<vmem>> -> memref<128xi32, #tpu.memory_space<vmem>>
    %dma_start3A_31 = tpu.memref_slice %arg3[%add3A_18] : memref<800000xi32, #tpu.memory_space<hbm>> -> memref<128xi32, #tpu.memory_space<hbm>>
    tpu.enqueue_dma source(%dma_start3A_31 : memref<128xi32, #tpu.memory_space<hbm>>) target(%dma_start3A_30 : memref<128xi32, #tpu.memory_space<vmem>>) target_semaphore(%arg12 : memref<!tpu.dma_semaphore, #tpu.memory_space<semaphore_mem>>)
    %dma_wait3A = arith.constant 0 : i32
    %dma_wait3A_32 = arith.constant 0 : i32
    %dma_wait3A_33 = tpu.memref_slice %arg5[%dma_wait3A, %dma_wait3A_32] : memref<2x128xi32, #tpu.memory_space<vmem>> -> memref<1x128xi32, #tpu.memory_space<vmem>>
    %dma_wait3A_34 = tpu.memref_squeeze %dma_wait3A_33 : memref<1x128xi32, #tpu.memory_space<vmem>> -> memref<128xi32, #tpu.memory_space<vmem>>
    %dma_wait3A_35 = arith.constant 0 : i32
    %dma_wait3A_36 = tpu.memref_slice %dma_wait3A_34[%dma_wait3A_35] : memref<128xi32, #tpu.memory_space<vmem>> -> memref<128xi32, #tpu.memory_space<vmem>>
    %dma_wait3A_37 = tpu.memref_slice %arg3[%mul3A_2] : memref<800000xi32, #tpu.memory_space<hbm>> -> memref<128xi32, #tpu.memory_space<hbm>>
    %dma_wait3A_38 = arith.constant 0 : i32
    %dma_wait3A_39 = tpu.memref_slice %arg5[%dma_wait3A, %dma_wait3A_38] : memref<2x128xi32, #tpu.memory_space<vmem>> -> memref<1x128xi32, #tpu.memory_space<vmem>>
    %dma_wait3A_40 = tpu.memref_squeeze %dma_wait3A_39 : memref<1x128xi32, #tpu.memory_space<vmem>> -> memref<128xi32, #tpu.memory_space<vmem>>
    %dma_wait3A_41 = arith.constant 0 : i32
    %dma_wait3A_42 = tpu.memref_slice %dma_wait3A_40[%dma_wait3A_41] : memref<128xi32, #tpu.memory_space<vmem>> -> memref<128xi32, #tpu.memory_space<vmem>>
    %dma_wait3A_43 = tpu.memref_slice %arg3[%mul3A_2] : memref<800000xi32, #tpu.memory_space<hbm>> -> memref<128xi32, #tpu.memory_space<hbm>>
    tpu.wait_dma2 semaphore(%arg11 : memref<!tpu.dma_semaphore, #tpu.memory_space<semaphore_mem>>) src(%dma_wait3A_43 : memref<128xi32, #tpu.memory_space<hbm>>) dst(%dma_wait3A_42 : memref<128xi32, #tpu.memory_space<vmem>>)
    %dma_start3A_44 = arith.constant 0 : i32
    %dma_start3A_45 = arith.constant 0 : i32
    %dma_start3A_46 = arith.constant 0 : i32
    %dma_start3A_47 = arith.constant 0 : i32
    %dma_start3A_48 = tpu.memref_slice %arg6[%dma_start3A_45, %dma_start3A_46, %dma_start3A_47] : memref<2x128x128xf32, #tpu.memory_space<vmem>> -> memref<1x128x128xf32, #tpu.memory_space<vmem>>
    %dma_start3A_49 = tpu.memref_squeeze %dma_start3A_48 : memref<1x128x128xf32, #tpu.memory_space<vmem>> -> memref<128x128xf32, #tpu.memory_space<vmem>>
    %dma_start3A_50 = arith.constant 0 : i32
    %dma_start3A_51 = arith.constant 0 : i32
    %dma_start3A_52 = tpu.memref_slice %dma_start3A_49[%dma_start3A_50, %dma_start3A_51] : memref<128x128xf32, #tpu.memory_space<vmem>> -> memref<128x128xf32, #tpu.memory_space<vmem>>
    %dma_start3A_53 = arith.constant 0 : i32
    %dma_start3A_54 = tpu.memref_slice %arg5[%dma_start3A_44, %dma_start3A_53] : memref<2x128xi32, #tpu.memory_space<vmem>> -> memref<1x128xi32, #tpu.memory_space<vmem>>
    %dma_start3A_55 = tpu.memref_squeeze %dma_start3A_54 : memref<1x128xi32, #tpu.memory_space<vmem>> -> memref<128xi32, #tpu.memory_space<vmem>>
    %dma_start3A_56 = arith.constant 0 : i32
    %dma_start3A_57 = tpu.memref_slice %dma_start3A_55[%dma_start3A_56] : memref<128xi32, #tpu.memory_space<vmem>> -> memref<128xi32, #tpu.memory_space<vmem>>
    %dma_start3A_58 = arith.constant 0 : i32
    %dma_start3A_59 = arith.constant 0 : i32
    %dma_start3A_60 = tpu.memref_slice %arg2[%dma_start3A_58, %dma_start3A_59] : memref<50000x128xf32, #tpu.memory_space<hbm>> -> memref<50000x128xf32, #tpu.memory_space<hbm>>
    tpu.enqueue_indirect_dma source(%dma_start3A_60 : memref<50000x128xf32, #tpu.memory_space<hbm>>) target(%dma_start3A_52 : memref<128x128xf32, #tpu.memory_space<vmem>>) offsets(%dma_start3A_57 : memref<128xi32, #tpu.memory_space<vmem>>) semaphore(%arg7 : memref<!tpu.dma_semaphore, #tpu.memory_space<semaphore_mem>>)
    %dma_wait3A_61 = arith.constant 1 : i32
    %dma_wait3A_62 = arith.constant 0 : i32
    %dma_wait3A_63 = tpu.memref_slice %arg5[%dma_wait3A_61, %dma_wait3A_62] : memref<2x128xi32, #tpu.memory_space<vmem>> -> memref<1x128xi32, #tpu.memory_space<vmem>>
    %dma_wait3A_64 = tpu.memref_squeeze %dma_wait3A_63 : memref<1x128xi32, #tpu.memory_space<vmem>> -> memref<128xi32, #tpu.memory_space<vmem>>
    %dma_wait3A_65 = arith.constant 0 : i32
    %dma_wait3A_66 = tpu.memref_slice %dma_wait3A_64[%dma_wait3A_65] : memref<128xi32, #tpu.memory_space<vmem>> -> memref<128xi32, #tpu.memory_space<vmem>>
    %dma_wait3A_67 = tpu.memref_slice %arg3[%mul3A_2] : memref<800000xi32, #tpu.memory_space<hbm>> -> memref<128xi32, #tpu.memory_space<hbm>>
    %dma_wait3A_68 = arith.constant 0 : i32
    %dma_wait3A_69 = tpu.memref_slice %arg5[%dma_wait3A_61, %dma_wait3A_68] : memref<2x128xi32, #tpu.memory_space<vmem>> -> memref<1x128xi32, #tpu.memory_space<vmem>>
    %dma_wait3A_70 = tpu.memref_squeeze %dma_wait3A_69 : memref<1x128xi32, #tpu.memory_space<vmem>> -> memref<128xi32, #tpu.memory_space<vmem>>
    %dma_wait3A_71 = arith.constant 0 : i32
    %dma_wait3A_72 = tpu.memref_slice %dma_wait3A_70[%dma_wait3A_71] : memref<128xi32, #tpu.memory_space<vmem>> -> memref<128xi32, #tpu.memory_space<vmem>>
    %dma_wait3A_73 = tpu.memref_slice %arg3[%mul3A_2] : memref<800000xi32, #tpu.memory_space<hbm>> -> memref<128xi32, #tpu.memory_space<hbm>>
    tpu.wait_dma2 semaphore(%arg12 : memref<!tpu.dma_semaphore, #tpu.memory_space<semaphore_mem>>) src(%dma_wait3A_73 : memref<128xi32, #tpu.memory_space<hbm>>) dst(%dma_wait3A_72 : memref<128xi32, #tpu.memory_space<vmem>>)
    %dma_start3A_74 = arith.constant 1 : i32
    %dma_start3A_75 = arith.constant 1 : i32
    %dma_start3A_76 = arith.constant 0 : i32
    %dma_start3A_77 = arith.constant 0 : i32
    %dma_start3A_78 = tpu.memref_slice %arg6[%dma_start3A_75, %dma_start3A_76, %dma_start3A_77] : memref<2x128x128xf32, #tpu.memory_space<vmem>> -> memref<1x128x128xf32, #tpu.memory_space<vmem>>
    %dma_start3A_79 = tpu.memref_squeeze %dma_start3A_78 : memref<1x128x128xf32, #tpu.memory_space<vmem>> -> memref<128x128xf32, #tpu.memory_space<vmem>>
    %dma_start3A_80 = arith.constant 0 : i32
    %dma_start3A_81 = arith.constant 0 : i32
    %dma_start3A_82 = tpu.memref_slice %dma_start3A_79[%dma_start3A_80, %dma_start3A_81] : memref<128x128xf32, #tpu.memory_space<vmem>> -> memref<128x128xf32, #tpu.memory_space<vmem>>
    %dma_start3A_83 = arith.constant 0 : i32
    %dma_start3A_84 = tpu.memref_slice %arg5[%dma_start3A_74, %dma_start3A_83] : memref<2x128xi32, #tpu.memory_space<vmem>> -> memref<1x128xi32, #tpu.memory_space<vmem>>
    %dma_start3A_85 = tpu.memref_squeeze %dma_start3A_84 : memref<1x128xi32, #tpu.memory_space<vmem>> -> memref<128xi32, #tpu.memory_space<vmem>>
    %dma_start3A_86 = arith.constant 0 : i32
    %dma_start3A_87 = tpu.memref_slice %dma_start3A_85[%dma_start3A_86] : memref<128xi32, #tpu.memory_space<vmem>> -> memref<128xi32, #tpu.memory_space<vmem>>
    %dma_start3A_88 = arith.constant 0 : i32
    %dma_start3A_89 = arith.constant 0 : i32
    %dma_start3A_90 = tpu.memref_slice %arg2[%dma_start3A_88, %dma_start3A_89] : memref<50000x128xf32, #tpu.memory_space<hbm>> -> memref<50000x128xf32, #tpu.memory_space<hbm>>
    tpu.enqueue_indirect_dma source(%dma_start3A_90 : memref<50000x128xf32, #tpu.memory_space<hbm>>) target(%dma_start3A_82 : memref<128x128xf32, #tpu.memory_space<vmem>>) offsets(%dma_start3A_87 : memref<128xi32, #tpu.memory_space<vmem>>) semaphore(%arg8 : memref<!tpu.dma_semaphore, #tpu.memory_space<semaphore_mem>>)
    %scan3A = arith.constant 0 : i32
    %scan3A_91 = arith.constant 97 : i32
    %scan3A_92 = arith.addi %scan3A, %scan3A_91 : i32
    %scan3A_93 = arith.constant 1 : i32
    scf.for %scan3A_277 = %scan3A to %scan3A_92 step %scan3A_93  : i32 {
      %mul3A_278 = arith.constant 2 : i32
      %mul3A_279 = arith.muli %scan3A_277, %mul3A_278 : i32
      %add3A_280 = arith.constant 0 : i32
      %add3A_281 = arith.addi %mul3A_279, %add3A_280 : i32
      %dma_wait3A_282 = arith.constant 0 : i32
      %dma_wait3A_283 = arith.constant 0 : i32
      %dma_wait3A_284 = arith.constant 0 : i32
      %dma_wait3A_285 = tpu.memref_slice %arg6[%dma_wait3A_282, %dma_wait3A_283, %dma_wait3A_284] : memref<2x128x128xf32, #tpu.memory_space<vmem>> -> memref<1x128x128xf32, #tpu.memory_space<vmem>>
      %dma_wait3A_286 = tpu.memref_squeeze %dma_wait3A_285 : memref<1x128x128xf32, #tpu.memory_space<vmem>> -> memref<128x128xf32, #tpu.memory_space<vmem>>
      %dma_wait3A_287 = arith.constant 0 : i32
      %dma_wait3A_288 = arith.constant 0 : i32
      %dma_wait3A_289 = tpu.memref_slice %dma_wait3A_286[%dma_wait3A_287, %dma_wait3A_288] : memref<128x128xf32, #tpu.memory_space<vmem>> -> memref<128x128xf32, #tpu.memory_space<vmem>>
      %dma_wait3A_290 = arith.constant 0 : i32
      %dma_wait3A_291 = tpu.memref_slice %arg4[%mul3A_2, %dma_wait3A_290] : memref<800000x128xf32, #tpu.memory_space<hbm>> -> memref<128x128xf32, #tpu.memory_space<hbm>>
      %dma_wait3A_292 = arith.constant 0 : i32
      %dma_wait3A_293 = tpu.memref_slice %arg4[%mul3A_2, %dma_wait3A_292] : memref<800000x128xf32, #tpu.memory_space<hbm>> -> memref<128x128xf32, #tpu.memory_space<hbm>>
      %dma_wait3A_294 = arith.constant 0 : i32
      %dma_wait3A_295 = arith.constant 0 : i32
      %dma_wait3A_296 = tpu.memref_slice %arg6[%dma_wait3A_282, %dma_wait3A_294, %dma_wait3A_295] : memref<2x128x128xf32, #tpu.memory_space<vmem>> -> memref<1x128x128xf32, #tpu.memory_space<vmem>>
      %dma_wait3A_297 = tpu.memref_squeeze %dma_wait3A_296 : memref<1x128x128xf32, #tpu.memory_space<vmem>> -> memref<128x128xf32, #tpu.memory_space<vmem>>
      %dma_wait3A_298 = arith.constant 0 : i32
      %dma_wait3A_299 = arith.constant 0 : i32
      %dma_wait3A_300 = tpu.memref_slice %dma_wait3A_297[%dma_wait3A_298, %dma_wait3A_299] : memref<128x128xf32, #tpu.memory_space<vmem>> -> memref<128x128xf32, #tpu.memory_space<vmem>>
      tpu.wait_dma2 semaphore(%arg7 : memref<!tpu.dma_semaphore, #tpu.memory_space<semaphore_mem>>) src(%dma_wait3A_300 : memref<128x128xf32, #tpu.memory_space<vmem>>) dst(%dma_wait3A_293 : memref<128x128xf32, #tpu.memory_space<hbm>>)
      %add3A_301 = arith.constant 2 : i32
      %add3A_302 = arith.addi %add3A_281, %add3A_301 : i32
      %lt3A = arith.constant 195 : i32
      %lt3A_303 = arith.cmpi slt, %add3A_302, %lt3A : i32
      %convert_element_type3A = arith.extui %lt3A_303 : i1 to i32
      %cond3A = arith.constant 0 : i32
      %cond3A_304 = arith.cmpi ne, %convert_element_type3A, %cond3A : i32
      scf.if %cond3A_304 {
        %add3A_393 = arith.constant 2 : i32
        %add3A_394 = arith.addi %add3A_281, %add3A_393 : i32
        %mul3A_395 = arith.constant 128 : i32
        %mul3A_396 = arith.muli %add3A_394, %mul3A_395 : i32
        %add3A_397 = arith.addi %mul3A_2, %mul3A_396 : i32
        %dma_start3A_398 = arith.constant 0 : i32
        %dma_start3A_399 = arith.constant 0 : i32
        %dma_start3A_400 = tpu.memref_slice %arg5[%dma_start3A_398, %dma_start3A_399] : memref<2x128xi32, #tpu.memory_space<vmem>> -> memref<1x128xi32, #tpu.memory_space<vmem>>
        %dma_start3A_401 = tpu.memref_squeeze %dma_start3A_400 : memref<1x128xi32, #tpu.memory_space<vmem>> -> memref<128xi32, #tpu.memory_space<vmem>>
        %dma_start3A_402 = arith.constant 0 : i32
        %dma_start3A_403 = tpu.memref_slice %dma_start3A_401[%dma_start3A_402] : memref<128xi32, #tpu.memory_space<vmem>> -> memref<128xi32, #tpu.memory_space<vmem>>
        %dma_start3A_404 = tpu.memref_slice %arg3[%add3A_397] : memref<800000xi32, #tpu.memory_space<hbm>> -> memref<128xi32, #tpu.memory_space<hbm>>
        %dma_start3A_405 = arith.constant 0 : i32
        %dma_start3A_406 = tpu.memref_slice %arg5[%dma_start3A_398, %dma_start3A_405] : memref<2x128xi32, #tpu.memory_space<vmem>> -> memref<1x128xi32, #tpu.memory_space<vmem>>
        %dma_start3A_407 = tpu.memref_squeeze %dma_start3A_406 : memref<1x128xi32, #tpu.memory_space<vmem>> -> memref<128xi32, #tpu.memory_space<vmem>>
        %dma_start3A_408 = arith.constant 0 : i32
        %dma_start3A_409 = tpu.memref_slice %dma_start3A_407[%dma_start3A_408] : memref<128xi32, #tpu.memory_space<vmem>> -> memref<128xi32, #tpu.memory_space<vmem>>
        %dma_start3A_410 = tpu.memref_slice %arg3[%add3A_397] : memref<800000xi32, #tpu.memory_space<hbm>> -> memref<128xi32, #tpu.memory_space<hbm>>
        tpu.enqueue_dma source(%dma_start3A_410 : memref<128xi32, #tpu.memory_space<hbm>>) target(%dma_start3A_409 : memref<128xi32, #tpu.memory_space<vmem>>) target_semaphore(%arg11 : memref<!tpu.dma_semaphore, #tpu.memory_space<semaphore_mem>>)
      } else {
      }
      %mul3A_305 = arith.constant 128 : i32
      %mul3A_306 = arith.muli %add3A_281, %mul3A_305 : i32
      %add3A_307 = arith.addi %mul3A_2, %mul3A_306 : i32
      %dma_start3A_308 = arith.constant 0 : i32
      %dma_start3A_309 = arith.constant 0 : i32
      %dma_start3A_310 = arith.constant 0 : i32
      %dma_start3A_311 = tpu.memref_slice %arg6[%dma_start3A_308, %dma_start3A_309, %dma_start3A_310] : memref<2x128x128xf32, #tpu.memory_space<vmem>> -> memref<1x128x128xf32, #tpu.memory_space<vmem>>
      %dma_start3A_312 = tpu.memref_squeeze %dma_start3A_311 : memref<1x128x128xf32, #tpu.memory_space<vmem>> -> memref<128x128xf32, #tpu.memory_space<vmem>>
      %dma_start3A_313 = arith.constant 0 : i32
      %dma_start3A_314 = arith.constant 0 : i32
      %dma_start3A_315 = tpu.memref_slice %dma_start3A_312[%dma_start3A_313, %dma_start3A_314] : memref<128x128xf32, #tpu.memory_space<vmem>> -> memref<128x128xf32, #tpu.memory_space<vmem>>
      %dma_start3A_316 = arith.constant 0 : i32
      %dma_start3A_317 = tpu.memref_slice %arg4[%add3A_307, %dma_start3A_316] : memref<800000x128xf32, #tpu.memory_space<hbm>> -> memref<128x128xf32, #tpu.memory_space<hbm>>
      %dma_start3A_318 = arith.constant 0 : i32
      %dma_start3A_319 = tpu.memref_slice %arg4[%add3A_307, %dma_start3A_318] : memref<800000x128xf32, #tpu.memory_space<hbm>> -> memref<128x128xf32, #tpu.memory_space<hbm>>
      %dma_start3A_320 = arith.constant 0 : i32
      %dma_start3A_321 = arith.constant 0 : i32
      %dma_start3A_322 = tpu.memref_slice %arg6[%dma_start3A_308, %dma_start3A_320, %dma_start3A_321] : memref<2x128x128xf32, #tpu.memory_space<vmem>> -> memref<1x128x128xf32, #tpu.memory_space<vmem>>
      %dma_start3A_323 = tpu.memref_squeeze %dma_start3A_322 : memref<1x128x128xf32, #tpu.memory_space<vmem>> -> memref<128x128xf32, #tpu.memory_space<vmem>>
      %dma_start3A_324 = arith.constant 0 : i32
      %dma_start3A_325 = arith.constant 0 : i32
      %dma_start3A_326 = tpu.memref_slice %dma_start3A_323[%dma_start3A_324, %dma_start3A_325] : memref<128x128xf32, #tpu.memory_space<vmem>> -> memref<128x128xf32, #tpu.memory_space<vmem>>
      tpu.enqueue_dma source(%dma_start3A_326 : memref<128x128xf32, #tpu.memory_space<vmem>>) target(%dma_start3A_319 : memref<128x128xf32, #tpu.memory_space<hbm>>) target_semaphore(%arg9 : memref<!tpu.dma_semaphore, #tpu.memory_space<semaphore_mem>>)
      %add3A_327 = arith.constant 2 : i32
      %add3A_328 = arith.addi %add3A_281, %add3A_327 : i32
      %lt3A_329 = arith.constant 195 : i32
      %lt3A_330 = arith.cmpi slt, %add3A_328, %lt3A_329 : i32
      %convert_element_type3A_331 = arith.extui %lt3A_330 : i1 to i32
      %cond3A_332 = arith.constant 0 : i32
      %cond3A_333 = arith.cmpi ne, %convert_element_type3A_331, %cond3A_332 : i32
      scf.if %cond3A_333 {
        %dma_wait3A_393 = arith.constant 0 : i32
        %dma_wait3A_394 = arith.constant 0 : i32
        %dma_wait3A_395 = arith.constant 0 : i32
        %dma_wait3A_396 = tpu.memref_slice %arg6[%dma_wait3A_393, %dma_wait3A_394, %dma_wait3A_395] : memref<2x128x128xf32, #tpu.memory_space<vmem>> -> memref<1x128x128xf32, #tpu.memory_space<vmem>>
        %dma_wait3A_397 = tpu.memref_squeeze %dma_wait3A_396 : memref<1x128x128xf32, #tpu.memory_space<vmem>> -> memref<128x128xf32, #tpu.memory_space<vmem>>
        %dma_wait3A_398 = arith.constant 0 : i32
        %dma_wait3A_399 = arith.constant 0 : i32
        %dma_wait3A_400 = tpu.memref_slice %dma_wait3A_397[%dma_wait3A_398, %dma_wait3A_399] : memref<128x128xf32, #tpu.memory_space<vmem>> -> memref<128x128xf32, #tpu.memory_space<vmem>>
        %dma_wait3A_401 = arith.constant 0 : i32
        %dma_wait3A_402 = tpu.memref_slice %arg4[%mul3A_2, %dma_wait3A_401] : memref<800000x128xf32, #tpu.memory_space<hbm>> -> memref<128x128xf32, #tpu.memory_space<hbm>>
        %dma_wait3A_403 = arith.constant 0 : i32
        %dma_wait3A_404 = tpu.memref_slice %arg4[%mul3A_2, %dma_wait3A_403] : memref<800000x128xf32, #tpu.memory_space<hbm>> -> memref<128x128xf32, #tpu.memory_space<hbm>>
        %dma_wait3A_405 = arith.constant 0 : i32
        %dma_wait3A_406 = arith.constant 0 : i32
        %dma_wait3A_407 = tpu.memref_slice %arg6[%dma_wait3A_393, %dma_wait3A_405, %dma_wait3A_406] : memref<2x128x128xf32, #tpu.memory_space<vmem>> -> memref<1x128x128xf32, #tpu.memory_space<vmem>>
        %dma_wait3A_408 = tpu.memref_squeeze %dma_wait3A_407 : memref<1x128x128xf32, #tpu.memory_space<vmem>> -> memref<128x128xf32, #tpu.memory_space<vmem>>
        %dma_wait3A_409 = arith.constant 0 : i32
        %dma_wait3A_410 = arith.constant 0 : i32
        %dma_wait3A_411 = tpu.memref_slice %dma_wait3A_408[%dma_wait3A_409, %dma_wait3A_410] : memref<128x128xf32, #tpu.memory_space<vmem>> -> memref<128x128xf32, #tpu.memory_space<vmem>>
        tpu.wait_dma2 semaphore(%arg9 : memref<!tpu.dma_semaphore, #tpu.memory_space<semaphore_mem>>) src(%dma_wait3A_411 : memref<128x128xf32, #tpu.memory_space<vmem>>) dst(%dma_wait3A_404 : memref<128x128xf32, #tpu.memory_space<hbm>>)
        %dma_wait3A_412 = arith.constant 0 : i32
        %dma_wait3A_413 = arith.constant 0 : i32
        %dma_wait3A_414 = tpu.memref_slice %arg5[%dma_wait3A_412, %dma_wait3A_413] : memref<2x128xi32, #tpu.memory_space<vmem>> -> memref<1x128xi32, #tpu.memory_space<vmem>>
        %dma_wait3A_415 = tpu.memref_squeeze %dma_wait3A_414 : memref<1x128xi32, #tpu.memory_space<vmem>> -> memref<128xi32, #tpu.memory_space<vmem>>
        %dma_wait3A_416 = arith.constant 0 : i32
        %dma_wait3A_417 = tpu.memref_slice %dma_wait3A_415[%dma_wait3A_416] : memref<128xi32, #tpu.memory_space<vmem>> -> memref<128xi32, #tpu.memory_space<vmem>>
        %dma_wait3A_418 = tpu.memref_slice %arg3[%mul3A_2] : memref<800000xi32, #tpu.memory_space<hbm>> -> memref<128xi32, #tpu.memory_space<hbm>>
        %dma_wait3A_419 = arith.constant 0 : i32
        %dma_wait3A_420 = tpu.memref_slice %arg5[%dma_wait3A_412, %dma_wait3A_419] : memref<2x128xi32, #tpu.memory_space<vmem>> -> memref<1x128xi32, #tpu.memory_space<vmem>>
        %dma_wait3A_421 = tpu.memref_squeeze %dma_wait3A_420 : memref<1x128xi32, #tpu.memory_space<vmem>> -> memref<128xi32, #tpu.memory_space<vmem>>
        %dma_wait3A_422 = arith.constant 0 : i32
        %dma_wait3A_423 = tpu.memref_slice %dma_wait3A_421[%dma_wait3A_422] : memref<128xi32, #tpu.memory_space<vmem>> -> memref<128xi32, #tpu.memory_space<vmem>>
        %dma_wait3A_424 = tpu.memref_slice %arg3[%mul3A_2] : memref<800000xi32, #tpu.memory_space<hbm>> -> memref<128xi32, #tpu.memory_space<hbm>>
        tpu.wait_dma2 semaphore(%arg11 : memref<!tpu.dma_semaphore, #tpu.memory_space<semaphore_mem>>) src(%dma_wait3A_424 : memref<128xi32, #tpu.memory_space<hbm>>) dst(%dma_wait3A_423 : memref<128xi32, #tpu.memory_space<vmem>>)
        %dma_start3A_425 = arith.constant 0 : i32
        %dma_start3A_426 = arith.constant 0 : i32
        %dma_start3A_427 = arith.constant 0 : i32
        %dma_start3A_428 = arith.constant 0 : i32
        %dma_start3A_429 = tpu.memref_slice %arg6[%dma_start3A_426, %dma_start3A_427, %dma_start3A_428] : memref<2x128x128xf32, #tpu.memory_space<vmem>> -> memref<1x128x128xf32, #tpu.memory_space<vmem>>
        %dma_start3A_430 = tpu.memref_squeeze %dma_start3A_429 : memref<1x128x128xf32, #tpu.memory_space<vmem>> -> memref<128x128xf32, #tpu.memory_space<vmem>>
        %dma_start3A_431 = arith.constant 0 : i32
        %dma_start3A_432 = arith.constant 0 : i32
        %dma_start3A_433 = tpu.memref_slice %dma_start3A_430[%dma_start3A_431, %dma_start3A_432] : memref<128x128xf32, #tpu.memory_space<vmem>> -> memref<128x128xf32, #tpu.memory_space<vmem>>
        %dma_start3A_434 = arith.constant 0 : i32
        %dma_start3A_435 = tpu.memref_slice %arg5[%dma_start3A_425, %dma_start3A_434] : memref<2x128xi32, #tpu.memory_space<vmem>> -> memref<1x128xi32, #tpu.memory_space<vmem>>
        %dma_start3A_436 = tpu.memref_squeeze %dma_start3A_435 : memref<1x128xi32, #tpu.memory_space<vmem>> -> memref<128xi32, #tpu.memory_space<vmem>>
        %dma_start3A_437 = arith.constant 0 : i32
        %dma_start3A_438 = tpu.memref_slice %dma_start3A_436[%dma_start3A_437] : memref<128xi32, #tpu.memory_space<vmem>> -> memref<128xi32, #tpu.memory_space<vmem>>
        %dma_start3A_439 = arith.constant 0 : i32
        %dma_start3A_440 = arith.constant 0 : i32
        %dma_start3A_441 = tpu.memref_slice %arg2[%dma_start3A_439, %dma_start3A_440] : memref<50000x128xf32, #tpu.memory_space<hbm>> -> memref<50000x128xf32, #tpu.memory_space<hbm>>
        tpu.enqueue_indirect_dma source(%dma_start3A_441 : memref<50000x128xf32, #tpu.memory_space<hbm>>) target(%dma_start3A_433 : memref<128x128xf32, #tpu.memory_space<vmem>>) offsets(%dma_start3A_438 : memref<128xi32, #tpu.memory_space<vmem>>) semaphore(%arg7 : memref<!tpu.dma_semaphore, #tpu.memory_space<semaphore_mem>>)
      } else {
      }
      %mul3A_334 = arith.constant 2 : i32
      %mul3A_335 = arith.muli %scan3A_277, %mul3A_334 : i32
      %add3A_336 = arith.constant 1 : i32
      %add3A_337 = arith.addi %mul3A_335, %add3A_336 : i32
      %dma_wait3A_338 = arith.constant 1 : i32
      %dma_wait3A_339 = arith.constant 0 : i32
      %dma_wait3A_340 = arith.constant 0 : i32
      %dma_wait3A_341 = tpu.memref_slice %arg6[%dma_wait3A_338, %dma_wait3A_339, %dma_wait3A_340] : memref<2x128x128xf32, #tpu.memory_space<vmem>> -> memref<1x128x128xf32, #tpu.memory_space<vmem>>
      %dma_wait3A_342 = tpu.memref_squeeze %dma_wait3A_341 : memref<1x128x128xf32, #tpu.memory_space<vmem>> -> memref<128x128xf32, #tpu.memory_space<vmem>>
      %dma_wait3A_343 = arith.constant 0 : i32
      %dma_wait3A_344 = arith.constant 0 : i32
      %dma_wait3A_345 = tpu.memref_slice %dma_wait3A_342[%dma_wait3A_343, %dma_wait3A_344] : memref<128x128xf32, #tpu.memory_space<vmem>> -> memref<128x128xf32, #tpu.memory_space<vmem>>
      %dma_wait3A_346 = arith.constant 0 : i32
      %dma_wait3A_347 = tpu.memref_slice %arg4[%mul3A_2, %dma_wait3A_346] : memref<800000x128xf32, #tpu.memory_space<hbm>> -> memref<128x128xf32, #tpu.memory_space<hbm>>
      %dma_wait3A_348 = arith.constant 0 : i32
      %dma_wait3A_349 = tpu.memref_slice %arg4[%mul3A_2, %dma_wait3A_348] : memref<800000x128xf32, #tpu.memory_space<hbm>> -> memref<128x128xf32, #tpu.memory_space<hbm>>
      %dma_wait3A_350 = arith.constant 0 : i32
      %dma_wait3A_351 = arith.constant 0 : i32
      %dma_wait3A_352 = tpu.memref_slice %arg6[%dma_wait3A_338, %dma_wait3A_350, %dma_wait3A_351] : memref<2x128x128xf32, #tpu.memory_space<vmem>> -> memref<1x128x128xf32, #tpu.memory_space<vmem>>
      %dma_wait3A_353 = tpu.memref_squeeze %dma_wait3A_352 : memref<1x128x128xf32, #tpu.memory_space<vmem>> -> memref<128x128xf32, #tpu.memory_space<vmem>>
      %dma_wait3A_354 = arith.constant 0 : i32
      %dma_wait3A_355 = arith.constant 0 : i32
      %dma_wait3A_356 = tpu.memref_slice %dma_wait3A_353[%dma_wait3A_354, %dma_wait3A_355] : memref<128x128xf32, #tpu.memory_space<vmem>> -> memref<128x128xf32, #tpu.memory_space<vmem>>
      tpu.wait_dma2 semaphore(%arg8 : memref<!tpu.dma_semaphore, #tpu.memory_space<semaphore_mem>>) src(%dma_wait3A_356 : memref<128x128xf32, #tpu.memory_space<vmem>>) dst(%dma_wait3A_349 : memref<128x128xf32, #tpu.memory_space<hbm>>)
      %add3A_357 = arith.constant 2 : i32
      %add3A_358 = arith.addi %add3A_337, %add3A_357 : i32
      %lt3A_359 = arith.constant 195 : i32
      %lt3A_360 = arith.cmpi slt, %add3A_358, %lt3A_359 : i32
      %convert_element_type3A_361 = arith.extui %lt3A_360 : i1 to i32
      %cond3A_362 = arith.constant 0 : i32
      %cond3A_363 = arith.cmpi ne, %convert_element_type3A_361, %cond3A_362 : i32
      scf.if %cond3A_363 {
        %add3A_393 = arith.constant 2 : i32
        %add3A_394 = arith.addi %add3A_337, %add3A_393 : i32
        %mul3A_395 = arith.constant 128 : i32
        %mul3A_396 = arith.muli %add3A_394, %mul3A_395 : i32
        %add3A_397 = arith.addi %mul3A_2, %mul3A_396 : i32
        %dma_start3A_398 = arith.constant 1 : i32
        %dma_start3A_399 = arith.constant 0 : i32
        %dma_start3A_400 = tpu.memref_slice %arg5[%dma_start3A_398, %dma_start3A_399] : memref<2x128xi32, #tpu.memory_space<vmem>> -> memref<1x128xi32, #tpu.memory_space<vmem>>
        %dma_start3A_401 = tpu.memref_squeeze %dma_start3A_400 : memref<1x128xi32, #tpu.memory_space<vmem>> -> memref<128xi32, #tpu.memory_space<vmem>>
        %dma_start3A_402 = arith.constant 0 : i32
        %dma_start3A_403 = tpu.memref_slice %dma_start3A_401[%dma_start3A_402] : memref<128xi32, #tpu.memory_space<vmem>> -> memref<128xi32, #tpu.memory_space<vmem>>
        %dma_start3A_404 = tpu.memref_slice %arg3[%add3A_397] : memref<800000xi32, #tpu.memory_space<hbm>> -> memref<128xi32, #tpu.memory_space<hbm>>
        %dma_start3A_405 = arith.constant 0 : i32
        %dma_start3A_406 = tpu.memref_slice %arg5[%dma_start3A_398, %dma_start3A_405] : memref<2x128xi32, #tpu.memory_space<vmem>> -> memref<1x128xi32, #tpu.memory_space<vmem>>
        %dma_start3A_407 = tpu.memref_squeeze %dma_start3A_406 : memref<1x128xi32, #tpu.memory_space<vmem>> -> memref<128xi32, #tpu.memory_space<vmem>>
        %dma_start3A_408 = arith.constant 0 : i32
        %dma_start3A_409 = tpu.memref_slice %dma_start3A_407[%dma_start3A_408] : memref<128xi32, #tpu.memory_space<vmem>> -> memref<128xi32, #tpu.memory_space<vmem>>
        %dma_start3A_410 = tpu.memref_slice %arg3[%add3A_397] : memref<800000xi32, #tpu.memory_space<hbm>> -> memref<128xi32, #tpu.memory_space<hbm>>
        tpu.enqueue_dma source(%dma_start3A_410 : memref<128xi32, #tpu.memory_space<hbm>>) target(%dma_start3A_409 : memref<128xi32, #tpu.memory_space<vmem>>) target_semaphore(%arg12 : memref<!tpu.dma_semaphore, #tpu.memory_space<semaphore_mem>>)
      } else {
      }
      %mul3A_364 = arith.constant 128 : i32
      %mul3A_365 = arith.muli %add3A_337, %mul3A_364 : i32
      %add3A_366 = arith.addi %mul3A_2, %mul3A_365 : i32
      %dma_start3A_367 = arith.constant 1 : i32
      %dma_start3A_368 = arith.constant 0 : i32
      %dma_start3A_369 = arith.constant 0 : i32
      %dma_start3A_370 = tpu.memref_slice %arg6[%dma_start3A_367, %dma_start3A_368, %dma_start3A_369] : memref<2x128x128xf32, #tpu.memory_space<vmem>> -> memref<1x128x128xf32, #tpu.memory_space<vmem>>
      %dma_start3A_371 = tpu.memref_squeeze %dma_start3A_370 : memref<1x128x128xf32, #tpu.memory_space<vmem>> -> memref<128x128xf32, #tpu.memory_space<vmem>>
      %dma_start3A_372 = arith.constant 0 : i32
      %dma_start3A_373 = arith.constant 0 : i32
      %dma_start3A_374 = tpu.memref_slice %dma_start3A_371[%dma_start3A_372, %dma_start3A_373] : memref<128x128xf32, #tpu.memory_space<vmem>> -> memref<128x128xf32, #tpu.memory_space<vmem>>
      %dma_start3A_375 = arith.constant 0 : i32
      %dma_start3A_376 = tpu.memref_slice %arg4[%add3A_366, %dma_start3A_375] : memref<800000x128xf32, #tpu.memory_space<hbm>> -> memref<128x128xf32, #tpu.memory_space<hbm>>
      %dma_start3A_377 = arith.constant 0 : i32
      %dma_start3A_378 = tpu.memref_slice %arg4[%add3A_366, %dma_start3A_377] : memref<800000x128xf32, #tpu.memory_space<hbm>> -> memref<128x128xf32, #tpu.memory_space<hbm>>
      %dma_start3A_379 = arith.constant 0 : i32
      %dma_start3A_380 = arith.constant 0 : i32
      %dma_start3A_381 = tpu.memref_slice %arg6[%dma_start3A_367, %dma_start3A_379, %dma_start3A_380] : memref<2x128x128xf32, #tpu.memory_space<vmem>> -> memref<1x128x128xf32, #tpu.memory_space<vmem>>
      %dma_start3A_382 = tpu.memref_squeeze %dma_start3A_381 : memref<1x128x128xf32, #tpu.memory_space<vmem>> -> memref<128x128xf32, #tpu.memory_space<vmem>>
      %dma_start3A_383 = arith.constant 0 : i32
      %dma_start3A_384 = arith.constant 0 : i32
      %dma_start3A_385 = tpu.memref_slice %dma_start3A_382[%dma_start3A_383, %dma_start3A_384] : memref<128x128xf32, #tpu.memory_space<vmem>> -> memref<128x128xf32, #tpu.memory_space<vmem>>
      tpu.enqueue_dma source(%dma_start3A_385 : memref<128x128xf32, #tpu.memory_space<vmem>>) target(%dma_start3A_378 : memref<128x128xf32, #tpu.memory_space<hbm>>) target_semaphore(%arg10 : memref<!tpu.dma_semaphore, #tpu.memory_space<semaphore_mem>>)
      %add3A_386 = arith.constant 2 : i32
      %add3A_387 = arith.addi %add3A_337, %add3A_386 : i32
      %lt3A_388 = arith.constant 195 : i32
      %lt3A_389 = arith.cmpi slt, %add3A_387, %lt3A_388 : i32
      %convert_element_type3A_390 = arith.extui %lt3A_389 : i1 to i32
      %cond3A_391 = arith.constant 0 : i32
      %cond3A_392 = arith.cmpi ne, %convert_element_type3A_390, %cond3A_391 : i32
      scf.if %cond3A_392 {
        %dma_wait3A_393 = arith.constant 1 : i32
        %dma_wait3A_394 = arith.constant 0 : i32
        %dma_wait3A_395 = arith.constant 0 : i32
        %dma_wait3A_396 = tpu.memref_slice %arg6[%dma_wait3A_393, %dma_wait3A_394, %dma_wait3A_395] : memref<2x128x128xf32, #tpu.memory_space<vmem>> -> memref<1x128x128xf32, #tpu.memory_space<vmem>>
        %dma_wait3A_397 = tpu.memref_squeeze %dma_wait3A_396 : memref<1x128x128xf32, #tpu.memory_space<vmem>> -> memref<128x128xf32, #tpu.memory_space<vmem>>
        %dma_wait3A_398 = arith.constant 0 : i32
        %dma_wait3A_399 = arith.constant 0 : i32
        %dma_wait3A_400 = tpu.memref_slice %dma_wait3A_397[%dma_wait3A_398, %dma_wait3A_399] : memref<128x128xf32, #tpu.memory_space<vmem>> -> memref<128x128xf32, #tpu.memory_space<vmem>>
        %dma_wait3A_401 = arith.constant 0 : i32
        %dma_wait3A_402 = tpu.memref_slice %arg4[%mul3A_2, %dma_wait3A_401] : memref<800000x128xf32, #tpu.memory_space<hbm>> -> memref<128x128xf32, #tpu.memory_space<hbm>>
        %dma_wait3A_403 = arith.constant 0 : i32
        %dma_wait3A_404 = tpu.memref_slice %arg4[%mul3A_2, %dma_wait3A_403] : memref<800000x128xf32, #tpu.memory_space<hbm>> -> memref<128x128xf32, #tpu.memory_space<hbm>>
        %dma_wait3A_405 = arith.constant 0 : i32
        %dma_wait3A_406 = arith.constant 0 : i32
        %dma_wait3A_407 = tpu.memref_slice %arg6[%dma_wait3A_393, %dma_wait3A_405, %dma_wait3A_406] : memref<2x128x128xf32, #tpu.memory_space<vmem>> -> memref<1x128x128xf32, #tpu.memory_space<vmem>>
        %dma_wait3A_408 = tpu.memref_squeeze %dma_wait3A_407 : memref<1x128x128xf32, #tpu.memory_space<vmem>> -> memref<128x128xf32, #tpu.memory_space<vmem>>
        %dma_wait3A_409 = arith.constant 0 : i32
        %dma_wait3A_410 = arith.constant 0 : i32
        %dma_wait3A_411 = tpu.memref_slice %dma_wait3A_408[%dma_wait3A_409, %dma_wait3A_410] : memref<128x128xf32, #tpu.memory_space<vmem>> -> memref<128x128xf32, #tpu.memory_space<vmem>>
        tpu.wait_dma2 semaphore(%arg10 : memref<!tpu.dma_semaphore, #tpu.memory_space<semaphore_mem>>) src(%dma_wait3A_411 : memref<128x128xf32, #tpu.memory_space<vmem>>) dst(%dma_wait3A_404 : memref<128x128xf32, #tpu.memory_space<hbm>>)
        %dma_wait3A_412 = arith.constant 1 : i32
        %dma_wait3A_413 = arith.constant 0 : i32
        %dma_wait3A_414 = tpu.memref_slice %arg5[%dma_wait3A_412, %dma_wait3A_413] : memref<2x128xi32, #tpu.memory_space<vmem>> -> memref<1x128xi32, #tpu.memory_space<vmem>>
        %dma_wait3A_415 = tpu.memref_squeeze %dma_wait3A_414 : memref<1x128xi32, #tpu.memory_space<vmem>> -> memref<128xi32, #tpu.memory_space<vmem>>
        %dma_wait3A_416 = arith.constant 0 : i32
        %dma_wait3A_417 = tpu.memref_slice %dma_wait3A_415[%dma_wait3A_416] : memref<128xi32, #tpu.memory_space<vmem>> -> memref<128xi32, #tpu.memory_space<vmem>>
        %dma_wait3A_418 = tpu.memref_slice %arg3[%mul3A_2] : memref<800000xi32, #tpu.memory_space<hbm>> -> memref<128xi32, #tpu.memory_space<hbm>>
        %dma_wait3A_419 = arith.constant 0 : i32
        %dma_wait3A_420 = tpu.memref_slice %arg5[%dma_wait3A_412, %dma_wait3A_419] : memref<2x128xi32, #tpu.memory_space<vmem>> -> memref<1x128xi32, #tpu.memory_space<vmem>>
        %dma_wait3A_421 = tpu.memref_squeeze %dma_wait3A_420 : memref<1x128xi32, #tpu.memory_space<vmem>> -> memref<128xi32, #tpu.memory_space<vmem>>
        %dma_wait3A_422 = arith.constant 0 : i32
        %dma_wait3A_423 = tpu.memref_slice %dma_wait3A_421[%dma_wait3A_422] : memref<128xi32, #tpu.memory_space<vmem>> -> memref<128xi32, #tpu.memory_space<vmem>>
        %dma_wait3A_424 = tpu.memref_slice %arg3[%mul3A_2] : memref<800000xi32, #tpu.memory_space<hbm>> -> memref<128xi32, #tpu.memory_space<hbm>>
        tpu.wait_dma2 semaphore(%arg12 : memref<!tpu.dma_semaphore, #tpu.memory_space<semaphore_mem>>) src(%dma_wait3A_424 : memref<128xi32, #tpu.memory_space<hbm>>) dst(%dma_wait3A_423 : memref<128xi32, #tpu.memory_space<vmem>>)
        %dma_start3A_425 = arith.constant 1 : i32
        %dma_start3A_426 = arith.constant 1 : i32
        %dma_start3A_427 = arith.constant 0 : i32
        %dma_start3A_428 = arith.constant 0 : i32
        %dma_start3A_429 = tpu.memref_slice %arg6[%dma_start3A_426, %dma_start3A_427, %dma_start3A_428] : memref<2x128x128xf32, #tpu.memory_space<vmem>> -> memref<1x128x128xf32, #tpu.memory_space<vmem>>
        %dma_start3A_430 = tpu.memref_squeeze %dma_start3A_429 : memref<1x128x128xf32, #tpu.memory_space<vmem>> -> memref<128x128xf32, #tpu.memory_space<vmem>>
        %dma_start3A_431 = arith.constant 0 : i32
        %dma_start3A_432 = arith.constant 0 : i32
        %dma_start3A_433 = tpu.memref_slice %dma_start3A_430[%dma_start3A_431, %dma_start3A_432] : memref<128x128xf32, #tpu.memory_space<vmem>> -> memref<128x128xf32, #tpu.memory_space<vmem>>
        %dma_start3A_434 = arith.constant 0 : i32
        %dma_start3A_435 = tpu.memref_slice %arg5[%dma_start3A_425, %dma_start3A_434] : memref<2x128xi32, #tpu.memory_space<vmem>> -> memref<1x128xi32, #tpu.memory_space<vmem>>
        %dma_start3A_436 = tpu.memref_squeeze %dma_start3A_435 : memref<1x128xi32, #tpu.memory_space<vmem>> -> memref<128xi32, #tpu.memory_space<vmem>>
        %dma_start3A_437 = arith.constant 0 : i32
        %dma_start3A_438 = tpu.memref_slice %dma_start3A_436[%dma_start3A_437] : memref<128xi32, #tpu.memory_space<vmem>> -> memref<128xi32, #tpu.memory_space<vmem>>
        %dma_start3A_439 = arith.constant 0 : i32
        %dma_start3A_440 = arith.constant 0 : i32
        %dma_start3A_441 = tpu.memref_slice %arg2[%dma_start3A_439, %dma_start3A_440] : memref<50000x128xf32, #tpu.memory_space<hbm>> -> memref<50000x128xf32, #tpu.memory_space<hbm>>
        tpu.enqueue_indirect_dma source(%dma_start3A_441 : memref<50000x128xf32, #tpu.memory_space<hbm>>) target(%dma_start3A_433 : memref<128x128xf32, #tpu.memory_space<vmem>>) offsets(%dma_start3A_438 : memref<128xi32, #tpu.memory_space<vmem>>) semaphore(%arg8 : memref<!tpu.dma_semaphore, #tpu.memory_space<semaphore_mem>>)
      } else {
      }
    }
    %scan3A_94 = arith.constant 97 : i32
    %dma_wait3A_95 = arith.constant 0 : i32
    %dma_wait3A_96 = arith.constant 0 : i32
    %dma_wait3A_97 = arith.constant 0 : i32
    %dma_wait3A_98 = tpu.memref_slice %arg6[%dma_wait3A_95, %dma_wait3A_96, %dma_wait3A_97] : memref<2x128x128xf32, #tpu.memory_space<vmem>> -> memref<1x128x128xf32, #tpu.memory_space<vmem>>
    %dma_wait3A_99 = tpu.memref_squeeze %dma_wait3A_98 : memref<1x128x128xf32, #tpu.memory_space<vmem>> -> memref<128x128xf32, #tpu.memory_space<vmem>>
    %dma_wait3A_100 = arith.constant 0 : i32
    %dma_wait3A_101 = arith.constant 0 : i32
    %dma_wait3A_102 = tpu.memref_slice %dma_wait3A_99[%dma_wait3A_100, %dma_wait3A_101] : memref<128x128xf32, #tpu.memory_space<vmem>> -> memref<128x128xf32, #tpu.memory_space<vmem>>
    %dma_wait3A_103 = arith.constant 0 : i32
    %dma_wait3A_104 = tpu.memref_slice %arg4[%mul3A_2, %dma_wait3A_103] : memref<800000x128xf32, #tpu.memory_space<hbm>> -> memref<128x128xf32, #tpu.memory_space<hbm>>
    %dma_wait3A_105 = arith.constant 0 : i32
    %dma_wait3A_106 = tpu.memref_slice %arg4[%mul3A_2, %dma_wait3A_105] : memref<800000x128xf32, #tpu.memory_space<hbm>> -> memref<128x128xf32, #tpu.memory_space<hbm>>
    %dma_wait3A_107 = arith.constant 0 : i32
    %dma_wait3A_108 = arith.constant 0 : i32
    %dma_wait3A_109 = tpu.memref_slice %arg6[%dma_wait3A_95, %dma_wait3A_107, %dma_wait3A_108] : memref<2x128x128xf32, #tpu.memory_space<vmem>> -> memref<1x128x128xf32, #tpu.memory_space<vmem>>
    %dma_wait3A_110 = tpu.memref_squeeze %dma_wait3A_109 : memref<1x128x128xf32, #tpu.memory_space<vmem>> -> memref<128x128xf32, #tpu.memory_space<vmem>>
    %dma_wait3A_111 = arith.constant 0 : i32
    %dma_wait3A_112 = arith.constant 0 : i32
    %dma_wait3A_113 = tpu.memref_slice %dma_wait3A_110[%dma_wait3A_111, %dma_wait3A_112] : memref<128x128xf32, #tpu.memory_space<vmem>> -> memref<128x128xf32, #tpu.memory_space<vmem>>
    tpu.wait_dma2 semaphore(%arg7 : memref<!tpu.dma_semaphore, #tpu.memory_space<semaphore_mem>>) src(%dma_wait3A_113 : memref<128x128xf32, #tpu.memory_space<vmem>>) dst(%dma_wait3A_106 : memref<128x128xf32, #tpu.memory_space<hbm>>)
    %add3A_114 = arith.constant 24832 : i32
    %add3A_115 = arith.addi %mul3A_2, %add3A_114 : i32
    %dma_start3A_116 = arith.constant 0 : i32
    %dma_start3A_117 = arith.constant 0 : i32
    %dma_start3A_118 = arith.constant 0 : i32
    %dma_start3A_119 = tpu.memref_slice %arg6[%dma_start3A_116, %dma_start3A_117, %dma_start3A_118] : memref<2x128x128xf32, #tpu.memory_space<vmem>> -> memref<1x128x128xf32, #tpu.memory_space<vmem>>
    %dma_start3A_120 = tpu.memref_squeeze %dma_start3A_119 : memref<1x128x128xf32, #tpu.memory_space<vmem>> -> memref<128x128xf32, #tpu.memory_space<vmem>>
    %dma_start3A_121 = arith.constant 0 : i32
    %dma_start3A_122 = arith.constant 0 : i32
    %dma_start3A_123 = tpu.memref_slice %dma_start3A_120[%dma_start3A_121, %dma_start3A_122] : memref<128x128xf32, #tpu.memory_space<vmem>> -> memref<128x128xf32, #tpu.memory_space<vmem>>
    %dma_start3A_124 = arith.constant 0 : i32
    %dma_start3A_125 = tpu.memref_slice %arg4[%add3A_115, %dma_start3A_124] : memref<800000x128xf32, #tpu.memory_space<hbm>> -> memref<128x128xf32, #tpu.memory_space<hbm>>
    %dma_start3A_126 = arith.constant 0 : i32
    %dma_start3A_127 = tpu.memref_slice %arg4[%add3A_115, %dma_start3A_126] : memref<800000x128xf32, #tpu.memory_space<hbm>> -> memref<128x128xf32, #tpu.memory_space<hbm>>
    %dma_start3A_128 = arith.constant 0 : i32
    %dma_start3A_129 = arith.constant 0 : i32
    %dma_start3A_130 = tpu.memref_slice %arg6[%dma_start3A_116, %dma_start3A_128, %dma_start3A_129] : memref<2x128x128xf32, #tpu.memory_space<vmem>> -> memref<1x128x128xf32, #tpu.memory_space<vmem>>
    %dma_start3A_131 = tpu.memref_squeeze %dma_start3A_130 : memref<1x128x128xf32, #tpu.memory_space<vmem>> -> memref<128x128xf32, #tpu.memory_space<vmem>>
    %dma_start3A_132 = arith.constant 0 : i32
    %dma_start3A_133 = arith.constant 0 : i32
    %dma_start3A_134 = tpu.memref_slice %dma_start3A_131[%dma_start3A_132, %dma_start3A_133] : memref<128x128xf32, #tpu.memory_space<vmem>> -> memref<128x128xf32, #tpu.memory_space<vmem>>
    tpu.enqueue_dma source(%dma_start3A_134 : memref<128x128xf32, #tpu.memory_space<vmem>>) target(%dma_start3A_127 : memref<128x128xf32, #tpu.memory_space<hbm>>) target_semaphore(%arg9 : memref<!tpu.dma_semaphore, #tpu.memory_space<semaphore_mem>>)
    %dma_wait3A_135 = arith.constant 1 : i32
    %dma_wait3A_136 = arith.constant 0 : i32
    %dma_wait3A_137 = arith.constant 0 : i32
    %dma_wait3A_138 = tpu.memref_slice %arg6[%dma_wait3A_135, %dma_wait3A_136, %dma_wait3A_137] : memref<2x128x128xf32, #tpu.memory_space<vmem>> -> memref<1x128x128xf32, #tpu.memory_space<vmem>>
    %dma_wait3A_139 = tpu.memref_squeeze %dma_wait3A_138 : memref<1x128x128xf32, #tpu.memory_space<vmem>> -> memref<128x128xf32, #tpu.memory_space<vmem>>
    %dma_wait3A_140 = arith.constant 0 : i32
    %dma_wait3A_141 = arith.constant 0 : i32
    %dma_wait3A_142 = tpu.memref_slice %dma_wait3A_139[%dma_wait3A_140, %dma_wait3A_141] : memref<128x128xf32, #tpu.memory_space<vmem>> -> memref<128x128xf32, #tpu.memory_space<vmem>>
    %dma_wait3A_143 = arith.constant 0 : i32
    %dma_wait3A_144 = tpu.memref_slice %arg4[%mul3A_2, %dma_wait3A_143] : memref<800000x128xf32, #tpu.memory_space<hbm>> -> memref<128x128xf32, #tpu.memory_space<hbm>>
    %dma_wait3A_145 = arith.constant 0 : i32
    %dma_wait3A_146 = tpu.memref_slice %arg4[%mul3A_2, %dma_wait3A_145] : memref<800000x128xf32, #tpu.memory_space<hbm>> -> memref<128x128xf32, #tpu.memory_space<hbm>>
    %dma_wait3A_147 = arith.constant 0 : i32
    %dma_wait3A_148 = arith.constant 0 : i32
    %dma_wait3A_149 = tpu.memref_slice %arg6[%dma_wait3A_135, %dma_wait3A_147, %dma_wait3A_148] : memref<2x128x128xf32, #tpu.memory_space<vmem>> -> memref<1x128x128xf32, #tpu.memory_space<vmem>>
    %dma_wait3A_150 = tpu.memref_squeeze %dma_wait3A_149 : memref<1x128x128xf32, #tpu.memory_space<vmem>> -> memref<128x128xf32, #tpu.memory_space<vmem>>
    %dma_wait3A_151 = arith.constant 0 : i32
    %dma_wait3A_152 = arith.constant 0 : i32
    %dma_wait3A_153 = tpu.memref_slice %dma_wait3A_150[%dma_wait3A_151, %dma_wait3A_152] : memref<128x128xf32, #tpu.memory_space<vmem>> -> memref<128x128xf32, #tpu.memory_space<vmem>>
    tpu.wait_dma2 semaphore(%arg10 : memref<!tpu.dma_semaphore, #tpu.memory_space<semaphore_mem>>) src(%dma_wait3A_153 : memref<128x128xf32, #tpu.memory_space<vmem>>) dst(%dma_wait3A_146 : memref<128x128xf32, #tpu.memory_space<hbm>>)
    %add3A_154 = arith.constant 24960 : i32
    %add3A_155 = arith.addi %mul3A_2, %add3A_154 : i32
    %dma_start3A_156 = arith.constant 1 : i32
    %dma_start3A_157 = arith.constant 0 : i32
    %dma_start3A_158 = tpu.memref_slice %arg5[%dma_start3A_156, %dma_start3A_157] : memref<2x128xi32, #tpu.memory_space<vmem>> -> memref<1x128xi32, #tpu.memory_space<vmem>>
    %dma_start3A_159 = tpu.memref_squeeze %dma_start3A_158 : memref<1x128xi32, #tpu.memory_space<vmem>> -> memref<128xi32, #tpu.memory_space<vmem>>
    %dma_start3A_160 = arith.constant 0 : i32
    %dma_start3A_161 = tpu.memref_slice %dma_start3A_159[%dma_start3A_160] : memref<128xi32, #tpu.memory_space<vmem>> -> memref<40xi32, #tpu.memory_space<vmem>>
    %dma_start3A_162 = tpu.memref_slice %arg3[%add3A_155] : memref<800000xi32, #tpu.memory_space<hbm>> -> memref<40xi32, #tpu.memory_space<hbm>>
    %dma_start3A_163 = arith.constant 0 : i32
    %dma_start3A_164 = tpu.memref_slice %arg5[%dma_start3A_156, %dma_start3A_163] : memref<2x128xi32, #tpu.memory_space<vmem>> -> memref<1x128xi32, #tpu.memory_space<vmem>>
    %dma_start3A_165 = tpu.memref_squeeze %dma_start3A_164 : memref<1x128xi32, #tpu.memory_space<vmem>> -> memref<128xi32, #tpu.memory_space<vmem>>
    %dma_start3A_166 = arith.constant 0 : i32
    %dma_start3A_167 = tpu.memref_slice %dma_start3A_165[%dma_start3A_166] : memref<128xi32, #tpu.memory_space<vmem>> -> memref<40xi32, #tpu.memory_space<vmem>>
    %dma_start3A_168 = tpu.memref_slice %arg3[%add3A_155] : memref<800000xi32, #tpu.memory_space<hbm>> -> memref<40xi32, #tpu.memory_space<hbm>>
    tpu.enqueue_dma source(%dma_start3A_168 : memref<40xi32, #tpu.memory_space<hbm>>) target(%dma_start3A_167 : memref<40xi32, #tpu.memory_space<vmem>>) target_semaphore(%arg12 : memref<!tpu.dma_semaphore, #tpu.memory_space<semaphore_mem>>)
    %dma_wait3A_169 = arith.constant 1 : i32
    %dma_wait3A_170 = arith.constant 0 : i32
    %dma_wait3A_171 = tpu.memref_slice %arg5[%dma_wait3A_169, %dma_wait3A_170] : memref<2x128xi32, #tpu.memory_space<vmem>> -> memref<1x128xi32, #tpu.memory_space<vmem>>
    %dma_wait3A_172 = tpu.memref_squeeze %dma_wait3A_171 : memref<1x128xi32, #tpu.memory_space<vmem>> -> memref<128xi32, #tpu.memory_space<vmem>>
    %dma_wait3A_173 = arith.constant 0 : i32
    %dma_wait3A_174 = tpu.memref_slice %dma_wait3A_172[%dma_wait3A_173] : memref<128xi32, #tpu.memory_space<vmem>> -> memref<40xi32, #tpu.memory_space<vmem>>
    %dma_wait3A_175 = tpu.memref_slice %arg3[%mul3A_2] : memref<800000xi32, #tpu.memory_space<hbm>> -> memref<40xi32, #tpu.memory_space<hbm>>
    %dma_wait3A_176 = arith.constant 0 : i32
    %dma_wait3A_177 = tpu.memref_slice %arg5[%dma_wait3A_169, %dma_wait3A_176] : memref<2x128xi32, #tpu.memory_space<vmem>> -> memref<1x128xi32, #tpu.memory_space<vmem>>
    %dma_wait3A_178 = tpu.memref_squeeze %dma_wait3A_177 : memref<1x128xi32, #tpu.memory_space<vmem>> -> memref<128xi32, #tpu.memory_space<vmem>>
    %dma_wait3A_179 = arith.constant 0 : i32
    %dma_wait3A_180 = tpu.memref_slice %dma_wait3A_178[%dma_wait3A_179] : memref<128xi32, #tpu.memory_space<vmem>> -> memref<40xi32, #tpu.memory_space<vmem>>
    %dma_wait3A_181 = tpu.memref_slice %arg3[%mul3A_2] : memref<800000xi32, #tpu.memory_space<hbm>> -> memref<40xi32, #tpu.memory_space<hbm>>
    tpu.wait_dma2 semaphore(%arg12 : memref<!tpu.dma_semaphore, #tpu.memory_space<semaphore_mem>>) src(%dma_wait3A_181 : memref<40xi32, #tpu.memory_space<hbm>>) dst(%dma_wait3A_180 : memref<40xi32, #tpu.memory_space<vmem>>)
    %dma_start3A_182 = arith.constant 1 : i32
    %dma_start3A_183 = arith.constant 1 : i32
    %dma_start3A_184 = arith.constant 0 : i32
    %dma_start3A_185 = arith.constant 0 : i32
    %dma_start3A_186 = tpu.memref_slice %arg6[%dma_start3A_183, %dma_start3A_184, %dma_start3A_185] : memref<2x128x128xf32, #tpu.memory_space<vmem>> -> memref<1x128x128xf32, #tpu.memory_space<vmem>>
    %dma_start3A_187 = tpu.memref_squeeze %dma_start3A_186 : memref<1x128x128xf32, #tpu.memory_space<vmem>> -> memref<128x128xf32, #tpu.memory_space<vmem>>
    %dma_start3A_188 = arith.constant 0 : i32
    %dma_start3A_189 = arith.constant 0 : i32
    %dma_start3A_190 = tpu.memref_slice %dma_start3A_187[%dma_start3A_188, %dma_start3A_189] : memref<128x128xf32, #tpu.memory_space<vmem>> -> memref<40x128xf32, #tpu.memory_space<vmem>>
    %dma_start3A_191 = arith.constant 0 : i32
    %dma_start3A_192 = tpu.memref_slice %arg5[%dma_start3A_182, %dma_start3A_191] : memref<2x128xi32, #tpu.memory_space<vmem>> -> memref<1x128xi32, #tpu.memory_space<vmem>>
    %dma_start3A_193 = tpu.memref_squeeze %dma_start3A_192 : memref<1x128xi32, #tpu.memory_space<vmem>> -> memref<128xi32, #tpu.memory_space<vmem>>
    %dma_start3A_194 = arith.constant 0 : i32
    %dma_start3A_195 = tpu.memref_slice %dma_start3A_193[%dma_start3A_194] : memref<128xi32, #tpu.memory_space<vmem>> -> memref<40xi32, #tpu.memory_space<vmem>>
    %dma_start3A_196 = arith.constant 0 : i32
    %dma_start3A_197 = arith.constant 0 : i32
    %dma_start3A_198 = tpu.memref_slice %arg2[%dma_start3A_196, %dma_start3A_197] : memref<50000x128xf32, #tpu.memory_space<hbm>> -> memref<50000x128xf32, #tpu.memory_space<hbm>>
    tpu.enqueue_indirect_dma source(%dma_start3A_198 : memref<50000x128xf32, #tpu.memory_space<hbm>>) target(%dma_start3A_190 : memref<40x128xf32, #tpu.memory_space<vmem>>) offsets(%dma_start3A_195 : memref<40xi32, #tpu.memory_space<vmem>>) semaphore(%arg8 : memref<!tpu.dma_semaphore, #tpu.memory_space<semaphore_mem>>)
    %dma_wait3A_199 = arith.constant 1 : i32
    %dma_wait3A_200 = arith.constant 0 : i32
    %dma_wait3A_201 = arith.constant 0 : i32
    %dma_wait3A_202 = tpu.memref_slice %arg6[%dma_wait3A_199, %dma_wait3A_200, %dma_wait3A_201] : memref<2x128x128xf32, #tpu.memory_space<vmem>> -> memref<1x128x128xf32, #tpu.memory_space<vmem>>
    %dma_wait3A_203 = tpu.memref_squeeze %dma_wait3A_202 : memref<1x128x128xf32, #tpu.memory_space<vmem>> -> memref<128x128xf32, #tpu.memory_space<vmem>>
    %dma_wait3A_204 = arith.constant 0 : i32
    %dma_wait3A_205 = arith.constant 0 : i32
    %dma_wait3A_206 = tpu.memref_slice %dma_wait3A_203[%dma_wait3A_204, %dma_wait3A_205] : memref<128x128xf32, #tpu.memory_space<vmem>> -> memref<40x128xf32, #tpu.memory_space<vmem>>
    %dma_wait3A_207 = arith.constant 0 : i32
    %dma_wait3A_208 = tpu.memref_slice %arg4[%mul3A_2, %dma_wait3A_207] : memref<800000x128xf32, #tpu.memory_space<hbm>> -> memref<40x128xf32, #tpu.memory_space<hbm>>
    %dma_wait3A_209 = arith.constant 0 : i32
    %dma_wait3A_210 = tpu.memref_slice %arg4[%mul3A_2, %dma_wait3A_209] : memref<800000x128xf32, #tpu.memory_space<hbm>> -> memref<40x128xf32, #tpu.memory_space<hbm>>
    %dma_wait3A_211 = arith.constant 0 : i32
    %dma_wait3A_212 = arith.constant 0 : i32
    %dma_wait3A_213 = tpu.memref_slice %arg6[%dma_wait3A_199, %dma_wait3A_211, %dma_wait3A_212] : memref<2x128x128xf32, #tpu.memory_space<vmem>> -> memref<1x128x128xf32, #tpu.memory_space<vmem>>
    %dma_wait3A_214 = tpu.memref_squeeze %dma_wait3A_213 : memref<1x128x128xf32, #tpu.memory_space<vmem>> -> memref<128x128xf32, #tpu.memory_space<vmem>>
    %dma_wait3A_215 = arith.constant 0 : i32
    %dma_wait3A_216 = arith.constant 0 : i32
    %dma_wait3A_217 = tpu.memref_slice %dma_wait3A_214[%dma_wait3A_215, %dma_wait3A_216] : memref<128x128xf32, #tpu.memory_space<vmem>> -> memref<40x128xf32, #tpu.memory_space<vmem>>
    tpu.wait_dma2 semaphore(%arg8 : memref<!tpu.dma_semaphore, #tpu.memory_space<semaphore_mem>>) src(%dma_wait3A_217 : memref<40x128xf32, #tpu.memory_space<vmem>>) dst(%dma_wait3A_210 : memref<40x128xf32, #tpu.memory_space<hbm>>)
    %add3A_218 = arith.constant 24960 : i32
    %add3A_219 = arith.addi %mul3A_2, %add3A_218 : i32
    %dma_start3A_220 = arith.constant 1 : i32
    %dma_start3A_221 = arith.constant 0 : i32
    %dma_start3A_222 = arith.constant 0 : i32
    %dma_start3A_223 = tpu.memref_slice %arg6[%dma_start3A_220, %dma_start3A_221, %dma_start3A_222] : memref<2x128x128xf32, #tpu.memory_space<vmem>> -> memref<1x128x128xf32, #tpu.memory_space<vmem>>
    %dma_start3A_224 = tpu.memref_squeeze %dma_start3A_223 : memref<1x128x128xf32, #tpu.memory_space<vmem>> -> memref<128x128xf32, #tpu.memory_space<vmem>>
    %dma_start3A_225 = arith.constant 0 : i32
    %dma_start3A_226 = arith.constant 0 : i32
    %dma_start3A_227 = tpu.memref_slice %dma_start3A_224[%dma_start3A_225, %dma_start3A_226] : memref<128x128xf32, #tpu.memory_space<vmem>> -> memref<40x128xf32, #tpu.memory_space<vmem>>
    %dma_start3A_228 = arith.constant 0 : i32
    %dma_start3A_229 = tpu.memref_slice %arg4[%add3A_219, %dma_start3A_228] : memref<800000x128xf32, #tpu.memory_space<hbm>> -> memref<40x128xf32, #tpu.memory_space<hbm>>
    %dma_start3A_230 = arith.constant 0 : i32
    %dma_start3A_231 = tpu.memref_slice %arg4[%add3A_219, %dma_start3A_230] : memref<800000x128xf32, #tpu.memory_space<hbm>> -> memref<40x128xf32, #tpu.memory_space<hbm>>
    %dma_start3A_232 = arith.constant 0 : i32
    %dma_start3A_233 = arith.constant 0 : i32
    %dma_start3A_234 = tpu.memref_slice %arg6[%dma_start3A_220, %dma_start3A_232, %dma_start3A_233] : memref<2x128x128xf32, #tpu.memory_space<vmem>> -> memref<1x128x128xf32, #tpu.memory_space<vmem>>
    %dma_start3A_235 = tpu.memref_squeeze %dma_start3A_234 : memref<1x128x128xf32, #tpu.memory_space<vmem>> -> memref<128x128xf32, #tpu.memory_space<vmem>>
    %dma_start3A_236 = arith.constant 0 : i32
    %dma_start3A_237 = arith.constant 0 : i32
    %dma_start3A_238 = tpu.memref_slice %dma_start3A_235[%dma_start3A_236, %dma_start3A_237] : memref<128x128xf32, #tpu.memory_space<vmem>> -> memref<40x128xf32, #tpu.memory_space<vmem>>
    tpu.enqueue_dma source(%dma_start3A_238 : memref<40x128xf32, #tpu.memory_space<vmem>>) target(%dma_start3A_231 : memref<40x128xf32, #tpu.memory_space<hbm>>) target_semaphore(%arg10 : memref<!tpu.dma_semaphore, #tpu.memory_space<semaphore_mem>>)
    %dma_wait3A_239 = arith.constant 1 : i32
    %dma_wait3A_240 = arith.constant 0 : i32
    %dma_wait3A_241 = arith.constant 0 : i32
    %dma_wait3A_242 = tpu.memref_slice %arg6[%dma_wait3A_239, %dma_wait3A_240, %dma_wait3A_241] : memref<2x128x128xf32, #tpu.memory_space<vmem>> -> memref<1x128x128xf32, #tpu.memory_space<vmem>>
    %dma_wait3A_243 = tpu.memref_squeeze %dma_wait3A_242 : memref<1x128x128xf32, #tpu.memory_space<vmem>> -> memref<128x128xf32, #tpu.memory_space<vmem>>
    %dma_wait3A_244 = arith.constant 0 : i32
    %dma_wait3A_245 = arith.constant 0 : i32
    %dma_wait3A_246 = tpu.memref_slice %dma_wait3A_243[%dma_wait3A_244, %dma_wait3A_245] : memref<128x128xf32, #tpu.memory_space<vmem>> -> memref<40x128xf32, #tpu.memory_space<vmem>>
    %dma_wait3A_247 = arith.constant 0 : i32
    %dma_wait3A_248 = tpu.memref_slice %arg4[%mul3A_2, %dma_wait3A_247] : memref<800000x128xf32, #tpu.memory_space<hbm>> -> memref<40x128xf32, #tpu.memory_space<hbm>>
    %dma_wait3A_249 = arith.constant 0 : i32
    %dma_wait3A_250 = tpu.memref_slice %arg4[%mul3A_2, %dma_wait3A_249] : memref<800000x128xf32, #tpu.memory_space<hbm>> -> memref<40x128xf32, #tpu.memory_space<hbm>>
    %dma_wait3A_251 = arith.constant 0 : i32
    %dma_wait3A_252 = arith.constant 0 : i32
    %dma_wait3A_253 = tpu.memref_slice %arg6[%dma_wait3A_239, %dma_wait3A_251, %dma_wait3A_252] : memref<2x128x128xf32, #tpu.memory_space<vmem>> -> memref<1x128x128xf32, #tpu.memory_space<vmem>>
    %dma_wait3A_254 = tpu.memref_squeeze %dma_wait3A_253 : memref<1x128x128xf32, #tpu.memory_space<vmem>> -> memref<128x128xf32, #tpu.memory_space<vmem>>
    %dma_wait3A_255 = arith.constant 0 : i32
    %dma_wait3A_256 = arith.constant 0 : i32
    %dma_wait3A_257 = tpu.memref_slice %dma_wait3A_254[%dma_wait3A_255, %dma_wait3A_256] : memref<128x128xf32, #tpu.memory_space<vmem>> -> memref<40x128xf32, #tpu.memory_space<vmem>>
    tpu.wait_dma2 semaphore(%arg10 : memref<!tpu.dma_semaphore, #tpu.memory_space<semaphore_mem>>) src(%dma_wait3A_257 : memref<40x128xf32, #tpu.memory_space<vmem>>) dst(%dma_wait3A_250 : memref<40x128xf32, #tpu.memory_space<hbm>>)
    %dma_wait3A_258 = arith.constant 0 : i32
    %dma_wait3A_259 = arith.constant 0 : i32
    %dma_wait3A_260 = arith.constant 0 : i32
    %dma_wait3A_261 = tpu.memref_slice %arg6[%dma_wait3A_258, %dma_wait3A_259, %dma_wait3A_260] : memref<2x128x128xf32, #tpu.memory_space<vmem>> -> memref<1x128x128xf32, #tpu.memory_space<vmem>>
    %dma_wait3A_262 = tpu.memref_squeeze %dma_wait3A_261 : memref<1x128x128xf32, #tpu.memory_space<vmem>> -> memref<128x128xf32, #tpu.memory_space<vmem>>
    %dma_wait3A_263 = arith.constant 0 : i32
    %dma_wait3A_264 = arith.constant 0 : i32
    %dma_wait3A_265 = tpu.memref_slice %dma_wait3A_262[%dma_wait3A_263, %dma_wait3A_264] : memref<128x128xf32, #tpu.memory_space<vmem>> -> memref<128x128xf32, #tpu.memory_space<vmem>>
    %dma_wait3A_266 = arith.constant 0 : i32
    %dma_wait3A_267 = tpu.memref_slice %arg4[%mul3A_2, %dma_wait3A_266] : memref<800000x128xf32, #tpu.memory_space<hbm>> -> memref<128x128xf32, #tpu.memory_space<hbm>>
    %dma_wait3A_268 = arith.constant 0 : i32
    %dma_wait3A_269 = tpu.memref_slice %arg4[%mul3A_2, %dma_wait3A_268] : memref<800000x128xf32, #tpu.memory_space<hbm>> -> memref<128x128xf32, #tpu.memory_space<hbm>>
    %dma_wait3A_270 = arith.constant 0 : i32
    %dma_wait3A_271 = arith.constant 0 : i32
    %dma_wait3A_272 = tpu.memref_slice %arg6[%dma_wait3A_258, %dma_wait3A_270, %dma_wait3A_271] : memref<2x128x128xf32, #tpu.memory_space<vmem>> -> memref<1x128x128xf32, #tpu.memory_space<vmem>>
    %dma_wait3A_273 = tpu.memref_squeeze %dma_wait3A_272 : memref<1x128x128xf32, #tpu.memory_space<vmem>> -> memref<128x128xf32, #tpu.memory_space<vmem>>
    %dma_wait3A_274 = arith.constant 0 : i32
    %dma_wait3A_275 = arith.constant 0 : i32
    %dma_wait3A_276 = tpu.memref_slice %dma_wait3A_273[%dma_wait3A_274, %dma_wait3A_275] : memref<128x128xf32, #tpu.memory_space<vmem>> -> memref<128x128xf32, #tpu.memory_space<vmem>>
    tpu.wait_dma2 semaphore(%arg9 : memref<!tpu.dma_semaphore, #tpu.memory_space<semaphore_mem>>) src(%dma_wait3A_276 : memref<128x128xf32, #tpu.memory_space<vmem>>) dst(%dma_wait3A_269 : memref<128x128xf32, #tpu.memory_space<hbm>>)
    return
  }
}

#map = affine_map<(d0, d1) -> (0, 0)>
#map1 = affine_map<(d0, d1) -> (0)>
module attributes {stable_mosaic.version = 14 : i64} {
  func.func @_sc_gather_body(%arg0: i32, %arg1: i32, %arg2: memref<50000x128xf32, #tpu.memory_space<hbm>>, %arg3: memref<800000xi32, #tpu.memory_space<hbm>>, %arg4: memref<800000x128xf32, #tpu.memory_space<hbm>>, %arg5: memref<2x128xi32, #tpu.memory_space<vmem>>, %arg6: memref<2x128x128xf32, #tpu.memory_space<vmem>>, %arg7: memref<!tpu.dma_semaphore, #tpu.memory_space<semaphore_mem>>, %arg8: memref<!tpu.dma_semaphore, #tpu.memory_space<semaphore_mem>>, %arg9: memref<!tpu.dma_semaphore, #tpu.memory_space<semaphore_mem>>, %arg10: memref<!tpu.dma_semaphore, #tpu.memory_space<semaphore_mem>>, %arg11: memref<!tpu.dma_semaphore, #tpu.memory_space<semaphore_mem>>, %arg12: memref<!tpu.dma_semaphore, #tpu.memory_space<semaphore_mem>>) attributes {dimension_semantics = [#tpu.dimension_semantics<core_parallel>, #tpu.dimension_semantics<subcore_parallel>], iteration_bounds = array<i64: 2, 16>, scalar_prefetch = 0 : i64, scratch_operands = 8 : i64, tpu.core_type = #tpu.core_type<sc_vector_subcore>, window_params = [{transform_indices = #map}, {transform_indices = #map1}, {transform_indices = #map}]} {
    %mul3A = arith.constant 2 : i32
    %mul3A_0 = arith.muli %arg1, %mul3A : i32
    %add3A = arith.addi %mul3A_0, %arg0 : i32
    %mul3A_1 = arith.constant 25000 : i32
    %mul3A_2 = arith.muli %add3A, %mul3A_1 : i32
    %add3A_3 = arith.constant 0 : i32
    %add3A_4 = arith.addi %mul3A_2, %add3A_3 : i32
    %dma_start3A = arith.constant 0 : i32
    %dma_start3A_5 = arith.constant 0 : i32
    %dma_start3A_6 = tpu.memref_slice %arg5[%dma_start3A, %dma_start3A_5] : memref<2x128xi32, #tpu.memory_space<vmem>> -> memref<1x128xi32, #tpu.memory_space<vmem>>
    %dma_start3A_7 = tpu.memref_squeeze %dma_start3A_6 : memref<1x128xi32, #tpu.memory_space<vmem>> -> memref<128xi32, #tpu.memory_space<vmem>>
    %dma_start3A_8 = arith.constant 0 : i32
    %dma_start3A_9 = tpu.memref_slice %dma_start3A_7[%dma_start3A_8] : memref<128xi32, #tpu.memory_space<vmem>> -> memref<128xi32, #tpu.memory_space<vmem>>
    %dma_start3A_10 = tpu.memref_slice %arg3[%add3A_4] : memref<800000xi32, #tpu.memory_space<hbm>> -> memref<128xi32, #tpu.memory_space<hbm>>
    %dma_start3A_11 = arith.constant 0 : i32
    %dma_start3A_12 = tpu.memref_slice %arg5[%dma_start3A, %dma_start3A_11] : memref<2x128xi32, #tpu.memory_space<vmem>> -> memref<1x128xi32, #tpu.memory_space<vmem>>
    %dma_start3A_13 = tpu.memref_squeeze %dma_start3A_12 : memref<1x128xi32, #tpu.memory_space<vmem>> -> memref<128xi32, #tpu.memory_space<vmem>>
    %dma_start3A_14 = arith.constant 0 : i32
    %dma_start3A_15 = tpu.memref_slice %dma_start3A_13[%dma_start3A_14] : memref<128xi32, #tpu.memory_space<vmem>> -> memref<128xi32, #tpu.memory_space<vmem>>
    %dma_start3A_16 = tpu.memref_slice %arg3[%add3A_4] : memref<800000xi32, #tpu.memory_space<hbm>> -> memref<128xi32, #tpu.memory_space<hbm>>
    tpu.enqueue_dma source(%dma_start3A_16 : memref<128xi32, #tpu.memory_space<hbm>>) target(%dma_start3A_15 : memref<128xi32, #tpu.memory_space<vmem>>) target_semaphore(%arg11 : memref<!tpu.dma_semaphore, #tpu.memory_space<semaphore_mem>>)
    %add3A_17 = arith.constant 128 : i32
    %add3A_18 = arith.addi %mul3A_2, %add3A_17 : i32
    %dma_start3A_19 = arith.constant 1 : i32
    %dma_start3A_20 = arith.constant 0 : i32
    %dma_start3A_21 = tpu.memref_slice %arg5[%dma_start3A_19, %dma_start3A_20] : memref<2x128xi32, #tpu.memory_space<vmem>> -> memref<1x128xi32, #tpu.memory_space<vmem>>
    %dma_start3A_22 = tpu.memref_squeeze %dma_start3A_21 : memref<1x128xi32, #tpu.memory_space<vmem>> -> memref<128xi32, #tpu.memory_space<vmem>>
    %dma_start3A_23 = arith.constant 0 : i32
    %dma_start3A_24 = tpu.memref_slice %dma_start3A_22[%dma_start3A_23] : memref<128xi32, #tpu.memory_space<vmem>> -> memref<128xi32, #tpu.memory_space<vmem>>
    %dma_start3A_25 = tpu.memref_slice %arg3[%add3A_18] : memref<800000xi32, #tpu.memory_space<hbm>> -> memref<128xi32, #tpu.memory_space<hbm>>
    %dma_start3A_26 = arith.constant 0 : i32
    %dma_start3A_27 = tpu.memref_slice %arg5[%dma_start3A_19, %dma_start3A_26] : memref<2x128xi32, #tpu.memory_space<vmem>> -> memref<1x128xi32, #tpu.memory_space<vmem>>
    %dma_start3A_28 = tpu.memref_squeeze %dma_start3A_27 : memref<1x128xi32, #tpu.memory_space<vmem>> -> memref<128xi32, #tpu.memory_space<vmem>>
    %dma_start3A_29 = arith.constant 0 : i32
    %dma_start3A_30 = tpu.memref_slice %dma_start3A_28[%dma_start3A_29] : memref<128xi32, #tpu.memory_space<vmem>> -> memref<128xi32, #tpu.memory_space<vmem>>
    %dma_start3A_31 = tpu.memref_slice %arg3[%add3A_18] : memref<800000xi32, #tpu.memory_space<hbm>> -> memref<128xi32, #tpu.memory_space<hbm>>
    tpu.enqueue_dma source(%dma_start3A_31 : memref<128xi32, #tpu.memory_space<hbm>>) target(%dma_start3A_30 : memref<128xi32, #tpu.memory_space<vmem>>) target_semaphore(%arg12 : memref<!tpu.dma_semaphore, #tpu.memory_space<semaphore_mem>>)
    %dma_wait3A = arith.constant 0 : i32
    %dma_wait3A_32 = arith.constant 0 : i32
    %dma_wait3A_33 = tpu.memref_slice %arg5[%dma_wait3A, %dma_wait3A_32] : memref<2x128xi32, #tpu.memory_space<vmem>> -> memref<1x128xi32, #tpu.memory_space<vmem>>
    %dma_wait3A_34 = tpu.memref_squeeze %dma_wait3A_33 : memref<1x128xi32, #tpu.memory_space<vmem>> -> memref<128xi32, #tpu.memory_space<vmem>>
    %dma_wait3A_35 = arith.constant 0 : i32
    %dma_wait3A_36 = tpu.memref_slice %dma_wait3A_34[%dma_wait3A_35] : memref<128xi32, #tpu.memory_space<vmem>> -> memref<128xi32, #tpu.memory_space<vmem>>
    %dma_wait3A_37 = tpu.memref_slice %arg3[%mul3A_2] : memref<800000xi32, #tpu.memory_space<hbm>> -> memref<128xi32, #tpu.memory_space<hbm>>
    %dma_wait3A_38 = arith.constant 0 : i32
    %dma_wait3A_39 = tpu.memref_slice %arg5[%dma_wait3A, %dma_wait3A_38] : memref<2x128xi32, #tpu.memory_space<vmem>> -> memref<1x128xi32, #tpu.memory_space<vmem>>
    %dma_wait3A_40 = tpu.memref_squeeze %dma_wait3A_39 : memref<1x128xi32, #tpu.memory_space<vmem>> -> memref<128xi32, #tpu.memory_space<vmem>>
    %dma_wait3A_41 = arith.constant 0 : i32
    %dma_wait3A_42 = tpu.memref_slice %dma_wait3A_40[%dma_wait3A_41] : memref<128xi32, #tpu.memory_space<vmem>> -> memref<128xi32, #tpu.memory_space<vmem>>
    %dma_wait3A_43 = tpu.memref_slice %arg3[%mul3A_2] : memref<800000xi32, #tpu.memory_space<hbm>> -> memref<128xi32, #tpu.memory_space<hbm>>
    tpu.wait_dma2 semaphore(%arg11 : memref<!tpu.dma_semaphore, #tpu.memory_space<semaphore_mem>>) src(%dma_wait3A_43 : memref<128xi32, #tpu.memory_space<hbm>>) dst(%dma_wait3A_42 : memref<128xi32, #tpu.memory_space<vmem>>)
    %dma_start3A_44 = arith.constant 0 : i32
    %dma_start3A_45 = arith.constant 0 : i32
    %dma_start3A_46 = arith.constant 0 : i32
    %dma_start3A_47 = arith.constant 0 : i32
    %dma_start3A_48 = tpu.memref_slice %arg6[%dma_start3A_45, %dma_start3A_46, %dma_start3A_47] : memref<2x128x128xf32, #tpu.memory_space<vmem>> -> memref<1x128x128xf32, #tpu.memory_space<vmem>>
    %dma_start3A_49 = tpu.memref_squeeze %dma_start3A_48 : memref<1x128x128xf32, #tpu.memory_space<vmem>> -> memref<128x128xf32, #tpu.memory_space<vmem>>
    %dma_start3A_50 = arith.constant 0 : i32
    %dma_start3A_51 = arith.constant 0 : i32
    %dma_start3A_52 = tpu.memref_slice %dma_start3A_49[%dma_start3A_50, %dma_start3A_51] : memref<128x128xf32, #tpu.memory_space<vmem>> -> memref<128x128xf32, #tpu.memory_space<vmem>>
    %dma_start3A_53 = arith.constant 0 : i32
    %dma_start3A_54 = tpu.memref_slice %arg5[%dma_start3A_44, %dma_start3A_53] : memref<2x128xi32, #tpu.memory_space<vmem>> -> memref<1x128xi32, #tpu.memory_space<vmem>>
    %dma_start3A_55 = tpu.memref_squeeze %dma_start3A_54 : memref<1x128xi32, #tpu.memory_space<vmem>> -> memref<128xi32, #tpu.memory_space<vmem>>
    %dma_start3A_56 = arith.constant 0 : i32
    %dma_start3A_57 = tpu.memref_slice %dma_start3A_55[%dma_start3A_56] : memref<128xi32, #tpu.memory_space<vmem>> -> memref<128xi32, #tpu.memory_space<vmem>>
    %dma_start3A_58 = arith.constant 0 : i32
    %dma_start3A_59 = arith.constant 0 : i32
    %dma_start3A_60 = tpu.memref_slice %arg2[%dma_start3A_58, %dma_start3A_59] : memref<50000x128xf32, #tpu.memory_space<hbm>> -> memref<50000x128xf32, #tpu.memory_space<hbm>>
    tpu.enqueue_indirect_dma source(%dma_start3A_60 : memref<50000x128xf32, #tpu.memory_space<hbm>>) target(%dma_start3A_52 : memref<128x128xf32, #tpu.memory_space<vmem>>) offsets(%dma_start3A_57 : memref<128xi32, #tpu.memory_space<vmem>>) semaphore(%arg7 : memref<!tpu.dma_semaphore, #tpu.memory_space<semaphore_mem>>)
    %dma_wait3A_61 = arith.constant 1 : i32
    %dma_wait3A_62 = arith.constant 0 : i32
    %dma_wait3A_63 = tpu.memref_slice %arg5[%dma_wait3A_61, %dma_wait3A_62] : memref<2x128xi32, #tpu.memory_space<vmem>> -> memref<1x128xi32, #tpu.memory_space<vmem>>
    %dma_wait3A_64 = tpu.memref_squeeze %dma_wait3A_63 : memref<1x128xi32, #tpu.memory_space<vmem>> -> memref<128xi32, #tpu.memory_space<vmem>>
    %dma_wait3A_65 = arith.constant 0 : i32
    %dma_wait3A_66 = tpu.memref_slice %dma_wait3A_64[%dma_wait3A_65] : memref<128xi32, #tpu.memory_space<vmem>> -> memref<128xi32, #tpu.memory_space<vmem>>
    %dma_wait3A_67 = tpu.memref_slice %arg3[%mul3A_2] : memref<800000xi32, #tpu.memory_space<hbm>> -> memref<128xi32, #tpu.memory_space<hbm>>
    %dma_wait3A_68 = arith.constant 0 : i32
    %dma_wait3A_69 = tpu.memref_slice %arg5[%dma_wait3A_61, %dma_wait3A_68] : memref<2x128xi32, #tpu.memory_space<vmem>> -> memref<1x128xi32, #tpu.memory_space<vmem>>
    %dma_wait3A_70 = tpu.memref_squeeze %dma_wait3A_69 : memref<1x128xi32, #tpu.memory_space<vmem>> -> memref<128xi32, #tpu.memory_space<vmem>>
    %dma_wait3A_71 = arith.constant 0 : i32
    %dma_wait3A_72 = tpu.memref_slice %dma_wait3A_70[%dma_wait3A_71] : memref<128xi32, #tpu.memory_space<vmem>> -> memref<128xi32, #tpu.memory_space<vmem>>
    %dma_wait3A_73 = tpu.memref_slice %arg3[%mul3A_2] : memref<800000xi32, #tpu.memory_space<hbm>> -> memref<128xi32, #tpu.memory_space<hbm>>
    tpu.wait_dma2 semaphore(%arg12 : memref<!tpu.dma_semaphore, #tpu.memory_space<semaphore_mem>>) src(%dma_wait3A_73 : memref<128xi32, #tpu.memory_space<hbm>>) dst(%dma_wait3A_72 : memref<128xi32, #tpu.memory_space<vmem>>)
    %dma_start3A_74 = arith.constant 1 : i32
    %dma_start3A_75 = arith.constant 1 : i32
    %dma_start3A_76 = arith.constant 0 : i32
    %dma_start3A_77 = arith.constant 0 : i32
    %dma_start3A_78 = tpu.memref_slice %arg6[%dma_start3A_75, %dma_start3A_76, %dma_start3A_77] : memref<2x128x128xf32, #tpu.memory_space<vmem>> -> memref<1x128x128xf32, #tpu.memory_space<vmem>>
    %dma_start3A_79 = tpu.memref_squeeze %dma_start3A_78 : memref<1x128x128xf32, #tpu.memory_space<vmem>> -> memref<128x128xf32, #tpu.memory_space<vmem>>
    %dma_start3A_80 = arith.constant 0 : i32
    %dma_start3A_81 = arith.constant 0 : i32
    %dma_start3A_82 = tpu.memref_slice %dma_start3A_79[%dma_start3A_80, %dma_start3A_81] : memref<128x128xf32, #tpu.memory_space<vmem>> -> memref<128x128xf32, #tpu.memory_space<vmem>>
    %dma_start3A_83 = arith.constant 0 : i32
    %dma_start3A_84 = tpu.memref_slice %arg5[%dma_start3A_74, %dma_start3A_83] : memref<2x128xi32, #tpu.memory_space<vmem>> -> memref<1x128xi32, #tpu.memory_space<vmem>>
    %dma_start3A_85 = tpu.memref_squeeze %dma_start3A_84 : memref<1x128xi32, #tpu.memory_space<vmem>> -> memref<128xi32, #tpu.memory_space<vmem>>
    %dma_start3A_86 = arith.constant 0 : i32
    %dma_start3A_87 = tpu.memref_slice %dma_start3A_85[%dma_start3A_86] : memref<128xi32, #tpu.memory_space<vmem>> -> memref<128xi32, #tpu.memory_space<vmem>>
    %dma_start3A_88 = arith.constant 0 : i32
    %dma_start3A_89 = arith.constant 0 : i32
    %dma_start3A_90 = tpu.memref_slice %arg2[%dma_start3A_88, %dma_start3A_89] : memref<50000x128xf32, #tpu.memory_space<hbm>> -> memref<50000x128xf32, #tpu.memory_space<hbm>>
    tpu.enqueue_indirect_dma source(%dma_start3A_90 : memref<50000x128xf32, #tpu.memory_space<hbm>>) target(%dma_start3A_82 : memref<128x128xf32, #tpu.memory_space<vmem>>) offsets(%dma_start3A_87 : memref<128xi32, #tpu.memory_space<vmem>>) semaphore(%arg8 : memref<!tpu.dma_semaphore, #tpu.memory_space<semaphore_mem>>)
    %scan3A = arith.constant 0 : i32
    %scan3A_91 = arith.constant 97 : i32
    %scan3A_92 = arith.addi %scan3A, %scan3A_91 : i32
    %scan3A_93 = arith.constant 1 : i32
    scf.for %scan3A_277 = %scan3A to %scan3A_92 step %scan3A_93  : i32 {
      %mul3A_278 = arith.constant 2 : i32
      %mul3A_279 = arith.muli %scan3A_277, %mul3A_278 : i32
      %add3A_280 = arith.constant 0 : i32
      %add3A_281 = arith.addi %mul3A_279, %add3A_280 : i32
      %dma_wait3A_282 = arith.constant 0 : i32
      %dma_wait3A_283 = arith.constant 0 : i32
      %dma_wait3A_284 = arith.constant 0 : i32
      %dma_wait3A_285 = tpu.memref_slice %arg6[%dma_wait3A_282, %dma_wait3A_283, %dma_wait3A_284] : memref<2x128x128xf32, #tpu.memory_space<vmem>> -> memref<1x128x128xf32, #tpu.memory_space<vmem>>
      %dma_wait3A_286 = tpu.memref_squeeze %dma_wait3A_285 : memref<1x128x128xf32, #tpu.memory_space<vmem>> -> memref<128x128xf32, #tpu.memory_space<vmem>>
      %dma_wait3A_287 = arith.constant 0 : i32
      %dma_wait3A_288 = arith.constant 0 : i32
      %dma_wait3A_289 = tpu.memref_slice %dma_wait3A_286[%dma_wait3A_287, %dma_wait3A_288] : memref<128x128xf32, #tpu.memory_space<vmem>> -> memref<128x128xf32, #tpu.memory_space<vmem>>
      %dma_wait3A_290 = arith.constant 0 : i32
      %dma_wait3A_291 = tpu.memref_slice %arg4[%mul3A_2, %dma_wait3A_290] : memref<800000x128xf32, #tpu.memory_space<hbm>> -> memref<128x128xf32, #tpu.memory_space<hbm>>
      %dma_wait3A_292 = arith.constant 0 : i32
      %dma_wait3A_293 = tpu.memref_slice %arg4[%mul3A_2, %dma_wait3A_292] : memref<800000x128xf32, #tpu.memory_space<hbm>> -> memref<128x128xf32, #tpu.memory_space<hbm>>
      %dma_wait3A_294 = arith.constant 0 : i32
      %dma_wait3A_295 = arith.constant 0 : i32
      %dma_wait3A_296 = tpu.memref_slice %arg6[%dma_wait3A_282, %dma_wait3A_294, %dma_wait3A_295] : memref<2x128x128xf32, #tpu.memory_space<vmem>> -> memref<1x128x128xf32, #tpu.memory_space<vmem>>
      %dma_wait3A_297 = tpu.memref_squeeze %dma_wait3A_296 : memref<1x128x128xf32, #tpu.memory_space<vmem>> -> memref<128x128xf32, #tpu.memory_space<vmem>>
      %dma_wait3A_298 = arith.constant 0 : i32
      %dma_wait3A_299 = arith.constant 0 : i32
      %dma_wait3A_300 = tpu.memref_slice %dma_wait3A_297[%dma_wait3A_298, %dma_wait3A_299] : memref<128x128xf32, #tpu.memory_space<vmem>> -> memref<128x128xf32, #tpu.memory_space<vmem>>
      tpu.wait_dma2 semaphore(%arg7 : memref<!tpu.dma_semaphore, #tpu.memory_space<semaphore_mem>>) src(%dma_wait3A_300 : memref<128x128xf32, #tpu.memory_space<vmem>>) dst(%dma_wait3A_293 : memref<128x128xf32, #tpu.memory_space<hbm>>)
      %add3A_301 = arith.constant 2 : i32
      %add3A_302 = arith.addi %add3A_281, %add3A_301 : i32
      %lt3A = arith.constant 195 : i32
      %lt3A_303 = arith.cmpi slt, %add3A_302, %lt3A : i32
      %convert_element_type3A = arith.extui %lt3A_303 : i1 to i32
      %cond3A = arith.constant 0 : i32
      %cond3A_304 = arith.cmpi ne, %convert_element_type3A, %cond3A : i32
      scf.if %cond3A_304 {
        %add3A_393 = arith.constant 2 : i32
        %add3A_394 = arith.addi %add3A_281, %add3A_393 : i32
        %mul3A_395 = arith.constant 128 : i32
        %mul3A_396 = arith.muli %add3A_394, %mul3A_395 : i32
        %add3A_397 = arith.addi %mul3A_2, %mul3A_396 : i32
        %dma_start3A_398 = arith.constant 0 : i32
        %dma_start3A_399 = arith.constant 0 : i32
        %dma_start3A_400 = tpu.memref_slice %arg5[%dma_start3A_398, %dma_start3A_399] : memref<2x128xi32, #tpu.memory_space<vmem>> -> memref<1x128xi32, #tpu.memory_space<vmem>>
        %dma_start3A_401 = tpu.memref_squeeze %dma_start3A_400 : memref<1x128xi32, #tpu.memory_space<vmem>> -> memref<128xi32, #tpu.memory_space<vmem>>
        %dma_start3A_402 = arith.constant 0 : i32
        %dma_start3A_403 = tpu.memref_slice %dma_start3A_401[%dma_start3A_402] : memref<128xi32, #tpu.memory_space<vmem>> -> memref<128xi32, #tpu.memory_space<vmem>>
        %dma_start3A_404 = tpu.memref_slice %arg3[%add3A_397] : memref<800000xi32, #tpu.memory_space<hbm>> -> memref<128xi32, #tpu.memory_space<hbm>>
        %dma_start3A_405 = arith.constant 0 : i32
        %dma_start3A_406 = tpu.memref_slice %arg5[%dma_start3A_398, %dma_start3A_405] : memref<2x128xi32, #tpu.memory_space<vmem>> -> memref<1x128xi32, #tpu.memory_space<vmem>>
        %dma_start3A_407 = tpu.memref_squeeze %dma_start3A_406 : memref<1x128xi32, #tpu.memory_space<vmem>> -> memref<128xi32, #tpu.memory_space<vmem>>
        %dma_start3A_408 = arith.constant 0 : i32
        %dma_start3A_409 = tpu.memref_slice %dma_start3A_407[%dma_start3A_408] : memref<128xi32, #tpu.memory_space<vmem>> -> memref<128xi32, #tpu.memory_space<vmem>>
        %dma_start3A_410 = tpu.memref_slice %arg3[%add3A_397] : memref<800000xi32, #tpu.memory_space<hbm>> -> memref<128xi32, #tpu.memory_space<hbm>>
        tpu.enqueue_dma source(%dma_start3A_410 : memref<128xi32, #tpu.memory_space<hbm>>) target(%dma_start3A_409 : memref<128xi32, #tpu.memory_space<vmem>>) target_semaphore(%arg11 : memref<!tpu.dma_semaphore, #tpu.memory_space<semaphore_mem>>)
      } else {
      }
      %mul3A_305 = arith.constant 128 : i32
      %mul3A_306 = arith.muli %add3A_281, %mul3A_305 : i32
      %add3A_307 = arith.addi %mul3A_2, %mul3A_306 : i32
      %dma_start3A_308 = arith.constant 0 : i32
      %dma_start3A_309 = arith.constant 0 : i32
      %dma_start3A_310 = arith.constant 0 : i32
      %dma_start3A_311 = tpu.memref_slice %arg6[%dma_start3A_308, %dma_start3A_309, %dma_start3A_310] : memref<2x128x128xf32, #tpu.memory_space<vmem>> -> memref<1x128x128xf32, #tpu.memory_space<vmem>>
      %dma_start3A_312 = tpu.memref_squeeze %dma_start3A_311 : memref<1x128x128xf32, #tpu.memory_space<vmem>> -> memref<128x128xf32, #tpu.memory_space<vmem>>
      %dma_start3A_313 = arith.constant 0 : i32
      %dma_start3A_314 = arith.constant 0 : i32
      %dma_start3A_315 = tpu.memref_slice %dma_start3A_312[%dma_start3A_313, %dma_start3A_314] : memref<128x128xf32, #tpu.memory_space<vmem>> -> memref<128x128xf32, #tpu.memory_space<vmem>>
      %dma_start3A_316 = arith.constant 0 : i32
      %dma_start3A_317 = tpu.memref_slice %arg4[%add3A_307, %dma_start3A_316] : memref<800000x128xf32, #tpu.memory_space<hbm>> -> memref<128x128xf32, #tpu.memory_space<hbm>>
      %dma_start3A_318 = arith.constant 0 : i32
      %dma_start3A_319 = tpu.memref_slice %arg4[%add3A_307, %dma_start3A_318] : memref<800000x128xf32, #tpu.memory_space<hbm>> -> memref<128x128xf32, #tpu.memory_space<hbm>>
      %dma_start3A_320 = arith.constant 0 : i32
      %dma_start3A_321 = arith.constant 0 : i32
      %dma_start3A_322 = tpu.memref_slice %arg6[%dma_start3A_308, %dma_start3A_320, %dma_start3A_321] : memref<2x128x128xf32, #tpu.memory_space<vmem>> -> memref<1x128x128xf32, #tpu.memory_space<vmem>>
      %dma_start3A_323 = tpu.memref_squeeze %dma_start3A_322 : memref<1x128x128xf32, #tpu.memory_space<vmem>> -> memref<128x128xf32, #tpu.memory_space<vmem>>
      %dma_start3A_324 = arith.constant 0 : i32
      %dma_start3A_325 = arith.constant 0 : i32
      %dma_start3A_326 = tpu.memref_slice %dma_start3A_323[%dma_start3A_324, %dma_start3A_325] : memref<128x128xf32, #tpu.memory_space<vmem>> -> memref<128x128xf32, #tpu.memory_space<vmem>>
      tpu.enqueue_dma source(%dma_start3A_326 : memref<128x128xf32, #tpu.memory_space<vmem>>) target(%dma_start3A_319 : memref<128x128xf32, #tpu.memory_space<hbm>>) target_semaphore(%arg9 : memref<!tpu.dma_semaphore, #tpu.memory_space<semaphore_mem>>)
      %add3A_327 = arith.constant 2 : i32
      %add3A_328 = arith.addi %add3A_281, %add3A_327 : i32
      %lt3A_329 = arith.constant 195 : i32
      %lt3A_330 = arith.cmpi slt, %add3A_328, %lt3A_329 : i32
      %convert_element_type3A_331 = arith.extui %lt3A_330 : i1 to i32
      %cond3A_332 = arith.constant 0 : i32
      %cond3A_333 = arith.cmpi ne, %convert_element_type3A_331, %cond3A_332 : i32
      scf.if %cond3A_333 {
        %dma_wait3A_393 = arith.constant 0 : i32
        %dma_wait3A_394 = arith.constant 0 : i32
        %dma_wait3A_395 = arith.constant 0 : i32
        %dma_wait3A_396 = tpu.memref_slice %arg6[%dma_wait3A_393, %dma_wait3A_394, %dma_wait3A_395] : memref<2x128x128xf32, #tpu.memory_space<vmem>> -> memref<1x128x128xf32, #tpu.memory_space<vmem>>
        %dma_wait3A_397 = tpu.memref_squeeze %dma_wait3A_396 : memref<1x128x128xf32, #tpu.memory_space<vmem>> -> memref<128x128xf32, #tpu.memory_space<vmem>>
        %dma_wait3A_398 = arith.constant 0 : i32
        %dma_wait3A_399 = arith.constant 0 : i32
        %dma_wait3A_400 = tpu.memref_slice %dma_wait3A_397[%dma_wait3A_398, %dma_wait3A_399] : memref<128x128xf32, #tpu.memory_space<vmem>> -> memref<128x128xf32, #tpu.memory_space<vmem>>
        %dma_wait3A_401 = arith.constant 0 : i32
        %dma_wait3A_402 = tpu.memref_slice %arg4[%mul3A_2, %dma_wait3A_401] : memref<800000x128xf32, #tpu.memory_space<hbm>> -> memref<128x128xf32, #tpu.memory_space<hbm>>
        %dma_wait3A_403 = arith.constant 0 : i32
        %dma_wait3A_404 = tpu.memref_slice %arg4[%mul3A_2, %dma_wait3A_403] : memref<800000x128xf32, #tpu.memory_space<hbm>> -> memref<128x128xf32, #tpu.memory_space<hbm>>
        %dma_wait3A_405 = arith.constant 0 : i32
        %dma_wait3A_406 = arith.constant 0 : i32
        %dma_wait3A_407 = tpu.memref_slice %arg6[%dma_wait3A_393, %dma_wait3A_405, %dma_wait3A_406] : memref<2x128x128xf32, #tpu.memory_space<vmem>> -> memref<1x128x128xf32, #tpu.memory_space<vmem>>
        %dma_wait3A_408 = tpu.memref_squeeze %dma_wait3A_407 : memref<1x128x128xf32, #tpu.memory_space<vmem>> -> memref<128x128xf32, #tpu.memory_space<vmem>>
        %dma_wait3A_409 = arith.constant 0 : i32
        %dma_wait3A_410 = arith.constant 0 : i32
        %dma_wait3A_411 = tpu.memref_slice %dma_wait3A_408[%dma_wait3A_409, %dma_wait3A_410] : memref<128x128xf32, #tpu.memory_space<vmem>> -> memref<128x128xf32, #tpu.memory_space<vmem>>
        tpu.wait_dma2 semaphore(%arg9 : memref<!tpu.dma_semaphore, #tpu.memory_space<semaphore_mem>>) src(%dma_wait3A_411 : memref<128x128xf32, #tpu.memory_space<vmem>>) dst(%dma_wait3A_404 : memref<128x128xf32, #tpu.memory_space<hbm>>)
        %dma_wait3A_412 = arith.constant 0 : i32
        %dma_wait3A_413 = arith.constant 0 : i32
        %dma_wait3A_414 = tpu.memref_slice %arg5[%dma_wait3A_412, %dma_wait3A_413] : memref<2x128xi32, #tpu.memory_space<vmem>> -> memref<1x128xi32, #tpu.memory_space<vmem>>
        %dma_wait3A_415 = tpu.memref_squeeze %dma_wait3A_414 : memref<1x128xi32, #tpu.memory_space<vmem>> -> memref<128xi32, #tpu.memory_space<vmem>>
        %dma_wait3A_416 = arith.constant 0 : i32
        %dma_wait3A_417 = tpu.memref_slice %dma_wait3A_415[%dma_wait3A_416] : memref<128xi32, #tpu.memory_space<vmem>> -> memref<128xi32, #tpu.memory_space<vmem>>
        %dma_wait3A_418 = tpu.memref_slice %arg3[%mul3A_2] : memref<800000xi32, #tpu.memory_space<hbm>> -> memref<128xi32, #tpu.memory_space<hbm>>
        %dma_wait3A_419 = arith.constant 0 : i32
        %dma_wait3A_420 = tpu.memref_slice %arg5[%dma_wait3A_412, %dma_wait3A_419] : memref<2x128xi32, #tpu.memory_space<vmem>> -> memref<1x128xi32, #tpu.memory_space<vmem>>
        %dma_wait3A_421 = tpu.memref_squeeze %dma_wait3A_420 : memref<1x128xi32, #tpu.memory_space<vmem>> -> memref<128xi32, #tpu.memory_space<vmem>>
        %dma_wait3A_422 = arith.constant 0 : i32
        %dma_wait3A_423 = tpu.memref_slice %dma_wait3A_421[%dma_wait3A_422] : memref<128xi32, #tpu.memory_space<vmem>> -> memref<128xi32, #tpu.memory_space<vmem>>
        %dma_wait3A_424 = tpu.memref_slice %arg3[%mul3A_2] : memref<800000xi32, #tpu.memory_space<hbm>> -> memref<128xi32, #tpu.memory_space<hbm>>
        tpu.wait_dma2 semaphore(%arg11 : memref<!tpu.dma_semaphore, #tpu.memory_space<semaphore_mem>>) src(%dma_wait3A_424 : memref<128xi32, #tpu.memory_space<hbm>>) dst(%dma_wait3A_423 : memref<128xi32, #tpu.memory_space<vmem>>)
        %dma_start3A_425 = arith.constant 0 : i32
        %dma_start3A_426 = arith.constant 0 : i32
        %dma_start3A_427 = arith.constant 0 : i32
        %dma_start3A_428 = arith.constant 0 : i32
        %dma_start3A_429 = tpu.memref_slice %arg6[%dma_start3A_426, %dma_start3A_427, %dma_start3A_428] : memref<2x128x128xf32, #tpu.memory_space<vmem>> -> memref<1x128x128xf32, #tpu.memory_space<vmem>>
        %dma_start3A_430 = tpu.memref_squeeze %dma_start3A_429 : memref<1x128x128xf32, #tpu.memory_space<vmem>> -> memref<128x128xf32, #tpu.memory_space<vmem>>
        %dma_start3A_431 = arith.constant 0 : i32
        %dma_start3A_432 = arith.constant 0 : i32
        %dma_start3A_433 = tpu.memref_slice %dma_start3A_430[%dma_start3A_431, %dma_start3A_432] : memref<128x128xf32, #tpu.memory_space<vmem>> -> memref<128x128xf32, #tpu.memory_space<vmem>>
        %dma_start3A_434 = arith.constant 0 : i32
        %dma_start3A_435 = tpu.memref_slice %arg5[%dma_start3A_425, %dma_start3A_434] : memref<2x128xi32, #tpu.memory_space<vmem>> -> memref<1x128xi32, #tpu.memory_space<vmem>>
        %dma_start3A_436 = tpu.memref_squeeze %dma_start3A_435 : memref<1x128xi32, #tpu.memory_space<vmem>> -> memref<128xi32, #tpu.memory_space<vmem>>
        %dma_start3A_437 = arith.constant 0 : i32
        %dma_start3A_438 = tpu.memref_slice %dma_start3A_436[%dma_start3A_437] : memref<128xi32, #tpu.memory_space<vmem>> -> memref<128xi32, #tpu.memory_space<vmem>>
        %dma_start3A_439 = arith.constant 0 : i32
        %dma_start3A_440 = arith.constant 0 : i32
        %dma_start3A_441 = tpu.memref_slice %arg2[%dma_start3A_439, %dma_start3A_440] : memref<50000x128xf32, #tpu.memory_space<hbm>> -> memref<50000x128xf32, #tpu.memory_space<hbm>>
        tpu.enqueue_indirect_dma source(%dma_start3A_441 : memref<50000x128xf32, #tpu.memory_space<hbm>>) target(%dma_start3A_433 : memref<128x128xf32, #tpu.memory_space<vmem>>) offsets(%dma_start3A_438 : memref<128xi32, #tpu.memory_space<vmem>>) semaphore(%arg7 : memref<!tpu.dma_semaphore, #tpu.memory_space<semaphore_mem>>)
      } else {
      }
      %mul3A_334 = arith.constant 2 : i32
      %mul3A_335 = arith.muli %scan3A_277, %mul3A_334 : i32
      %add3A_336 = arith.constant 1 : i32
      %add3A_337 = arith.addi %mul3A_335, %add3A_336 : i32
      %dma_wait3A_338 = arith.constant 1 : i32
      %dma_wait3A_339 = arith.constant 0 : i32
      %dma_wait3A_340 = arith.constant 0 : i32
      %dma_wait3A_341 = tpu.memref_slice %arg6[%dma_wait3A_338, %dma_wait3A_339, %dma_wait3A_340] : memref<2x128x128xf32, #tpu.memory_space<vmem>> -> memref<1x128x128xf32, #tpu.memory_space<vmem>>
      %dma_wait3A_342 = tpu.memref_squeeze %dma_wait3A_341 : memref<1x128x128xf32, #tpu.memory_space<vmem>> -> memref<128x128xf32, #tpu.memory_space<vmem>>
      %dma_wait3A_343 = arith.constant 0 : i32
      %dma_wait3A_344 = arith.constant 0 : i32
      %dma_wait3A_345 = tpu.memref_slice %dma_wait3A_342[%dma_wait3A_343, %dma_wait3A_344] : memref<128x128xf32, #tpu.memory_space<vmem>> -> memref<128x128xf32, #tpu.memory_space<vmem>>
      %dma_wait3A_346 = arith.constant 0 : i32
      %dma_wait3A_347 = tpu.memref_slice %arg4[%mul3A_2, %dma_wait3A_346] : memref<800000x128xf32, #tpu.memory_space<hbm>> -> memref<128x128xf32, #tpu.memory_space<hbm>>
      %dma_wait3A_348 = arith.constant 0 : i32
      %dma_wait3A_349 = tpu.memref_slice %arg4[%mul3A_2, %dma_wait3A_348] : memref<800000x128xf32, #tpu.memory_space<hbm>> -> memref<128x128xf32, #tpu.memory_space<hbm>>
      %dma_wait3A_350 = arith.constant 0 : i32
      %dma_wait3A_351 = arith.constant 0 : i32
      %dma_wait3A_352 = tpu.memref_slice %arg6[%dma_wait3A_338, %dma_wait3A_350, %dma_wait3A_351] : memref<2x128x128xf32, #tpu.memory_space<vmem>> -> memref<1x128x128xf32, #tpu.memory_space<vmem>>
      %dma_wait3A_353 = tpu.memref_squeeze %dma_wait3A_352 : memref<1x128x128xf32, #tpu.memory_space<vmem>> -> memref<128x128xf32, #tpu.memory_space<vmem>>
      %dma_wait3A_354 = arith.constant 0 : i32
      %dma_wait3A_355 = arith.constant 0 : i32
      %dma_wait3A_356 = tpu.memref_slice %dma_wait3A_353[%dma_wait3A_354, %dma_wait3A_355] : memref<128x128xf32, #tpu.memory_space<vmem>> -> memref<128x128xf32, #tpu.memory_space<vmem>>
      tpu.wait_dma2 semaphore(%arg8 : memref<!tpu.dma_semaphore, #tpu.memory_space<semaphore_mem>>) src(%dma_wait3A_356 : memref<128x128xf32, #tpu.memory_space<vmem>>) dst(%dma_wait3A_349 : memref<128x128xf32, #tpu.memory_space<hbm>>)
      %add3A_357 = arith.constant 2 : i32
      %add3A_358 = arith.addi %add3A_337, %add3A_357 : i32
      %lt3A_359 = arith.constant 195 : i32
      %lt3A_360 = arith.cmpi slt, %add3A_358, %lt3A_359 : i32
      %convert_element_type3A_361 = arith.extui %lt3A_360 : i1 to i32
      %cond3A_362 = arith.constant 0 : i32
      %cond3A_363 = arith.cmpi ne, %convert_element_type3A_361, %cond3A_362 : i32
      scf.if %cond3A_363 {
        %add3A_393 = arith.constant 2 : i32
        %add3A_394 = arith.addi %add3A_337, %add3A_393 : i32
        %mul3A_395 = arith.constant 128 : i32
        %mul3A_396 = arith.muli %add3A_394, %mul3A_395 : i32
        %add3A_397 = arith.addi %mul3A_2, %mul3A_396 : i32
        %dma_start3A_398 = arith.constant 1 : i32
        %dma_start3A_399 = arith.constant 0 : i32
        %dma_start3A_400 = tpu.memref_slice %arg5[%dma_start3A_398, %dma_start3A_399] : memref<2x128xi32, #tpu.memory_space<vmem>> -> memref<1x128xi32, #tpu.memory_space<vmem>>
        %dma_start3A_401 = tpu.memref_squeeze %dma_start3A_400 : memref<1x128xi32, #tpu.memory_space<vmem>> -> memref<128xi32, #tpu.memory_space<vmem>>
        %dma_start3A_402 = arith.constant 0 : i32
        %dma_start3A_403 = tpu.memref_slice %dma_start3A_401[%dma_start3A_402] : memref<128xi32, #tpu.memory_space<vmem>> -> memref<128xi32, #tpu.memory_space<vmem>>
        %dma_start3A_404 = tpu.memref_slice %arg3[%add3A_397] : memref<800000xi32, #tpu.memory_space<hbm>> -> memref<128xi32, #tpu.memory_space<hbm>>
        %dma_start3A_405 = arith.constant 0 : i32
        %dma_start3A_406 = tpu.memref_slice %arg5[%dma_start3A_398, %dma_start3A_405] : memref<2x128xi32, #tpu.memory_space<vmem>> -> memref<1x128xi32, #tpu.memory_space<vmem>>
        %dma_start3A_407 = tpu.memref_squeeze %dma_start3A_406 : memref<1x128xi32, #tpu.memory_space<vmem>> -> memref<128xi32, #tpu.memory_space<vmem>>
        %dma_start3A_408 = arith.constant 0 : i32
        %dma_start3A_409 = tpu.memref_slice %dma_start3A_407[%dma_start3A_408] : memref<128xi32, #tpu.memory_space<vmem>> -> memref<128xi32, #tpu.memory_space<vmem>>
        %dma_start3A_410 = tpu.memref_slice %arg3[%add3A_397] : memref<800000xi32, #tpu.memory_space<hbm>> -> memref<128xi32, #tpu.memory_space<hbm>>
        tpu.enqueue_dma source(%dma_start3A_410 : memref<128xi32, #tpu.memory_space<hbm>>) target(%dma_start3A_409 : memref<128xi32, #tpu.memory_space<vmem>>) target_semaphore(%arg12 : memref<!tpu.dma_semaphore, #tpu.memory_space<semaphore_mem>>)
      } else {
      }
      %mul3A_364 = arith.constant 128 : i32
      %mul3A_365 = arith.muli %add3A_337, %mul3A_364 : i32
      %add3A_366 = arith.addi %mul3A_2, %mul3A_365 : i32
      %dma_start3A_367 = arith.constant 1 : i32
      %dma_start3A_368 = arith.constant 0 : i32
      %dma_start3A_369 = arith.constant 0 : i32
      %dma_start3A_370 = tpu.memref_slice %arg6[%dma_start3A_367, %dma_start3A_368, %dma_start3A_369] : memref<2x128x128xf32, #tpu.memory_space<vmem>> -> memref<1x128x128xf32, #tpu.memory_space<vmem>>
      %dma_start3A_371 = tpu.memref_squeeze %dma_start3A_370 : memref<1x128x128xf32, #tpu.memory_space<vmem>> -> memref<128x128xf32, #tpu.memory_space<vmem>>
      %dma_start3A_372 = arith.constant 0 : i32
      %dma_start3A_373 = arith.constant 0 : i32
      %dma_start3A_374 = tpu.memref_slice %dma_start3A_371[%dma_start3A_372, %dma_start3A_373] : memref<128x128xf32, #tpu.memory_space<vmem>> -> memref<128x128xf32, #tpu.memory_space<vmem>>
      %dma_start3A_375 = arith.constant 0 : i32
      %dma_start3A_376 = tpu.memref_slice %arg4[%add3A_366, %dma_start3A_375] : memref<800000x128xf32, #tpu.memory_space<hbm>> -> memref<128x128xf32, #tpu.memory_space<hbm>>
      %dma_start3A_377 = arith.constant 0 : i32
      %dma_start3A_378 = tpu.memref_slice %arg4[%add3A_366, %dma_start3A_377] : memref<800000x128xf32, #tpu.memory_space<hbm>> -> memref<128x128xf32, #tpu.memory_space<hbm>>
      %dma_start3A_379 = arith.constant 0 : i32
      %dma_start3A_380 = arith.constant 0 : i32
      %dma_start3A_381 = tpu.memref_slice %arg6[%dma_start3A_367, %dma_start3A_379, %dma_start3A_380] : memref<2x128x128xf32, #tpu.memory_space<vmem>> -> memref<1x128x128xf32, #tpu.memory_space<vmem>>
      %dma_start3A_382 = tpu.memref_squeeze %dma_start3A_381 : memref<1x128x128xf32, #tpu.memory_space<vmem>> -> memref<128x128xf32, #tpu.memory_space<vmem>>
      %dma_start3A_383 = arith.constant 0 : i32
      %dma_start3A_384 = arith.constant 0 : i32
      %dma_start3A_385 = tpu.memref_slice %dma_start3A_382[%dma_start3A_383, %dma_start3A_384] : memref<128x128xf32, #tpu.memory_space<vmem>> -> memref<128x128xf32, #tpu.memory_space<vmem>>
      tpu.enqueue_dma source(%dma_start3A_385 : memref<128x128xf32, #tpu.memory_space<vmem>>) target(%dma_start3A_378 : memref<128x128xf32, #tpu.memory_space<hbm>>) target_semaphore(%arg10 : memref<!tpu.dma_semaphore, #tpu.memory_space<semaphore_mem>>)
      %add3A_386 = arith.constant 2 : i32
      %add3A_387 = arith.addi %add3A_337, %add3A_386 : i32
      %lt3A_388 = arith.constant 195 : i32
      %lt3A_389 = arith.cmpi slt, %add3A_387, %lt3A_388 : i32
      %convert_element_type3A_390 = arith.extui %lt3A_389 : i1 to i32
      %cond3A_391 = arith.constant 0 : i32
      %cond3A_392 = arith.cmpi ne, %convert_element_type3A_390, %cond3A_391 : i32
      scf.if %cond3A_392 {
        %dma_wait3A_393 = arith.constant 1 : i32
        %dma_wait3A_394 = arith.constant 0 : i32
        %dma_wait3A_395 = arith.constant 0 : i32
        %dma_wait3A_396 = tpu.memref_slice %arg6[%dma_wait3A_393, %dma_wait3A_394, %dma_wait3A_395] : memref<2x128x128xf32, #tpu.memory_space<vmem>> -> memref<1x128x128xf32, #tpu.memory_space<vmem>>
        %dma_wait3A_397 = tpu.memref_squeeze %dma_wait3A_396 : memref<1x128x128xf32, #tpu.memory_space<vmem>> -> memref<128x128xf32, #tpu.memory_space<vmem>>
        %dma_wait3A_398 = arith.constant 0 : i32
        %dma_wait3A_399 = arith.constant 0 : i32
        %dma_wait3A_400 = tpu.memref_slice %dma_wait3A_397[%dma_wait3A_398, %dma_wait3A_399] : memref<128x128xf32, #tpu.memory_space<vmem>> -> memref<128x128xf32, #tpu.memory_space<vmem>>
        %dma_wait3A_401 = arith.constant 0 : i32
        %dma_wait3A_402 = tpu.memref_slice %arg4[%mul3A_2, %dma_wait3A_401] : memref<800000x128xf32, #tpu.memory_space<hbm>> -> memref<128x128xf32, #tpu.memory_space<hbm>>
        %dma_wait3A_403 = arith.constant 0 : i32
        %dma_wait3A_404 = tpu.memref_slice %arg4[%mul3A_2, %dma_wait3A_403] : memref<800000x128xf32, #tpu.memory_space<hbm>> -> memref<128x128xf32, #tpu.memory_space<hbm>>
        %dma_wait3A_405 = arith.constant 0 : i32
        %dma_wait3A_406 = arith.constant 0 : i32
        %dma_wait3A_407 = tpu.memref_slice %arg6[%dma_wait3A_393, %dma_wait3A_405, %dma_wait3A_406] : memref<2x128x128xf32, #tpu.memory_space<vmem>> -> memref<1x128x128xf32, #tpu.memory_space<vmem>>
        %dma_wait3A_408 = tpu.memref_squeeze %dma_wait3A_407 : memref<1x128x128xf32, #tpu.memory_space<vmem>> -> memref<128x128xf32, #tpu.memory_space<vmem>>
        %dma_wait3A_409 = arith.constant 0 : i32
        %dma_wait3A_410 = arith.constant 0 : i32
        %dma_wait3A_411 = tpu.memref_slice %dma_wait3A_408[%dma_wait3A_409, %dma_wait3A_410] : memref<128x128xf32, #tpu.memory_space<vmem>> -> memref<128x128xf32, #tpu.memory_space<vmem>>
        tpu.wait_dma2 semaphore(%arg10 : memref<!tpu.dma_semaphore, #tpu.memory_space<semaphore_mem>>) src(%dma_wait3A_411 : memref<128x128xf32, #tpu.memory_space<vmem>>) dst(%dma_wait3A_404 : memref<128x128xf32, #tpu.memory_space<hbm>>)
        %dma_wait3A_412 = arith.constant 1 : i32
        %dma_wait3A_413 = arith.constant 0 : i32
        %dma_wait3A_414 = tpu.memref_slice %arg5[%dma_wait3A_412, %dma_wait3A_413] : memref<2x128xi32, #tpu.memory_space<vmem>> -> memref<1x128xi32, #tpu.memory_space<vmem>>
        %dma_wait3A_415 = tpu.memref_squeeze %dma_wait3A_414 : memref<1x128xi32, #tpu.memory_space<vmem>> -> memref<128xi32, #tpu.memory_space<vmem>>
        %dma_wait3A_416 = arith.constant 0 : i32
        %dma_wait3A_417 = tpu.memref_slice %dma_wait3A_415[%dma_wait3A_416] : memref<128xi32, #tpu.memory_space<vmem>> -> memref<128xi32, #tpu.memory_space<vmem>>
        %dma_wait3A_418 = tpu.memref_slice %arg3[%mul3A_2] : memref<800000xi32, #tpu.memory_space<hbm>> -> memref<128xi32, #tpu.memory_space<hbm>>
        %dma_wait3A_419 = arith.constant 0 : i32
        %dma_wait3A_420 = tpu.memref_slice %arg5[%dma_wait3A_412, %dma_wait3A_419] : memref<2x128xi32, #tpu.memory_space<vmem>> -> memref<1x128xi32, #tpu.memory_space<vmem>>
        %dma_wait3A_421 = tpu.memref_squeeze %dma_wait3A_420 : memref<1x128xi32, #tpu.memory_space<vmem>> -> memref<128xi32, #tpu.memory_space<vmem>>
        %dma_wait3A_422 = arith.constant 0 : i32
        %dma_wait3A_423 = tpu.memref_slice %dma_wait3A_421[%dma_wait3A_422] : memref<128xi32, #tpu.memory_space<vmem>> -> memref<128xi32, #tpu.memory_space<vmem>>
        %dma_wait3A_424 = tpu.memref_slice %arg3[%mul3A_2] : memref<800000xi32, #tpu.memory_space<hbm>> -> memref<128xi32, #tpu.memory_space<hbm>>
        tpu.wait_dma2 semaphore(%arg12 : memref<!tpu.dma_semaphore, #tpu.memory_space<semaphore_mem>>) src(%dma_wait3A_424 : memref<128xi32, #tpu.memory_space<hbm>>) dst(%dma_wait3A_423 : memref<128xi32, #tpu.memory_space<vmem>>)
        %dma_start3A_425 = arith.constant 1 : i32
        %dma_start3A_426 = arith.constant 1 : i32
        %dma_start3A_427 = arith.constant 0 : i32
        %dma_start3A_428 = arith.constant 0 : i32
        %dma_start3A_429 = tpu.memref_slice %arg6[%dma_start3A_426, %dma_start3A_427, %dma_start3A_428] : memref<2x128x128xf32, #tpu.memory_space<vmem>> -> memref<1x128x128xf32, #tpu.memory_space<vmem>>
        %dma_start3A_430 = tpu.memref_squeeze %dma_start3A_429 : memref<1x128x128xf32, #tpu.memory_space<vmem>> -> memref<128x128xf32, #tpu.memory_space<vmem>>
        %dma_start3A_431 = arith.constant 0 : i32
        %dma_start3A_432 = arith.constant 0 : i32
        %dma_start3A_433 = tpu.memref_slice %dma_start3A_430[%dma_start3A_431, %dma_start3A_432] : memref<128x128xf32, #tpu.memory_space<vmem>> -> memref<128x128xf32, #tpu.memory_space<vmem>>
        %dma_start3A_434 = arith.constant 0 : i32
        %dma_start3A_435 = tpu.memref_slice %arg5[%dma_start3A_425, %dma_start3A_434] : memref<2x128xi32, #tpu.memory_space<vmem>> -> memref<1x128xi32, #tpu.memory_space<vmem>>
        %dma_start3A_436 = tpu.memref_squeeze %dma_start3A_435 : memref<1x128xi32, #tpu.memory_space<vmem>> -> memref<128xi32, #tpu.memory_space<vmem>>
        %dma_start3A_437 = arith.constant 0 : i32
        %dma_start3A_438 = tpu.memref_slice %dma_start3A_436[%dma_start3A_437] : memref<128xi32, #tpu.memory_space<vmem>> -> memref<128xi32, #tpu.memory_space<vmem>>
        %dma_start3A_439 = arith.constant 0 : i32
        %dma_start3A_440 = arith.constant 0 : i32
        %dma_start3A_441 = tpu.memref_slice %arg2[%dma_start3A_439, %dma_start3A_440] : memref<50000x128xf32, #tpu.memory_space<hbm>> -> memref<50000x128xf32, #tpu.memory_space<hbm>>
        tpu.enqueue_indirect_dma source(%dma_start3A_441 : memref<50000x128xf32, #tpu.memory_space<hbm>>) target(%dma_start3A_433 : memref<128x128xf32, #tpu.memory_space<vmem>>) offsets(%dma_start3A_438 : memref<128xi32, #tpu.memory_space<vmem>>) semaphore(%arg8 : memref<!tpu.dma_semaphore, #tpu.memory_space<semaphore_mem>>)
      } else {
      }
    }
    %scan3A_94 = arith.constant 97 : i32
    %dma_wait3A_95 = arith.constant 0 : i32
    %dma_wait3A_96 = arith.constant 0 : i32
    %dma_wait3A_97 = arith.constant 0 : i32
    %dma_wait3A_98 = tpu.memref_slice %arg6[%dma_wait3A_95, %dma_wait3A_96, %dma_wait3A_97] : memref<2x128x128xf32, #tpu.memory_space<vmem>> -> memref<1x128x128xf32, #tpu.memory_space<vmem>>
    %dma_wait3A_99 = tpu.memref_squeeze %dma_wait3A_98 : memref<1x128x128xf32, #tpu.memory_space<vmem>> -> memref<128x128xf32, #tpu.memory_space<vmem>>
    %dma_wait3A_100 = arith.constant 0 : i32
    %dma_wait3A_101 = arith.constant 0 : i32
    %dma_wait3A_102 = tpu.memref_slice %dma_wait3A_99[%dma_wait3A_100, %dma_wait3A_101] : memref<128x128xf32, #tpu.memory_space<vmem>> -> memref<128x128xf32, #tpu.memory_space<vmem>>
    %dma_wait3A_103 = arith.constant 0 : i32
    %dma_wait3A_104 = tpu.memref_slice %arg4[%mul3A_2, %dma_wait3A_103] : memref<800000x128xf32, #tpu.memory_space<hbm>> -> memref<128x128xf32, #tpu.memory_space<hbm>>
    %dma_wait3A_105 = arith.constant 0 : i32
    %dma_wait3A_106 = tpu.memref_slice %arg4[%mul3A_2, %dma_wait3A_105] : memref<800000x128xf32, #tpu.memory_space<hbm>> -> memref<128x128xf32, #tpu.memory_space<hbm>>
    %dma_wait3A_107 = arith.constant 0 : i32
    %dma_wait3A_108 = arith.constant 0 : i32
    %dma_wait3A_109 = tpu.memref_slice %arg6[%dma_wait3A_95, %dma_wait3A_107, %dma_wait3A_108] : memref<2x128x128xf32, #tpu.memory_space<vmem>> -> memref<1x128x128xf32, #tpu.memory_space<vmem>>
    %dma_wait3A_110 = tpu.memref_squeeze %dma_wait3A_109 : memref<1x128x128xf32, #tpu.memory_space<vmem>> -> memref<128x128xf32, #tpu.memory_space<vmem>>
    %dma_wait3A_111 = arith.constant 0 : i32
    %dma_wait3A_112 = arith.constant 0 : i32
    %dma_wait3A_113 = tpu.memref_slice %dma_wait3A_110[%dma_wait3A_111, %dma_wait3A_112] : memref<128x128xf32, #tpu.memory_space<vmem>> -> memref<128x128xf32, #tpu.memory_space<vmem>>
    tpu.wait_dma2 semaphore(%arg7 : memref<!tpu.dma_semaphore, #tpu.memory_space<semaphore_mem>>) src(%dma_wait3A_113 : memref<128x128xf32, #tpu.memory_space<vmem>>) dst(%dma_wait3A_106 : memref<128x128xf32, #tpu.memory_space<hbm>>)
    %add3A_114 = arith.constant 24832 : i32
    %add3A_115 = arith.addi %mul3A_2, %add3A_114 : i32
    %dma_start3A_116 = arith.constant 0 : i32
    %dma_start3A_117 = arith.constant 0 : i32
    %dma_start3A_118 = arith.constant 0 : i32
    %dma_start3A_119 = tpu.memref_slice %arg6[%dma_start3A_116, %dma_start3A_117, %dma_start3A_118] : memref<2x128x128xf32, #tpu.memory_space<vmem>> -> memref<1x128x128xf32, #tpu.memory_space<vmem>>
    %dma_start3A_120 = tpu.memref_squeeze %dma_start3A_119 : memref<1x128x128xf32, #tpu.memory_space<vmem>> -> memref<128x128xf32, #tpu.memory_space<vmem>>
    %dma_start3A_121 = arith.constant 0 : i32
    %dma_start3A_122 = arith.constant 0 : i32
    %dma_start3A_123 = tpu.memref_slice %dma_start3A_120[%dma_start3A_121, %dma_start3A_122] : memref<128x128xf32, #tpu.memory_space<vmem>> -> memref<128x128xf32, #tpu.memory_space<vmem>>
    %dma_start3A_124 = arith.constant 0 : i32
    %dma_start3A_125 = tpu.memref_slice %arg4[%add3A_115, %dma_start3A_124] : memref<800000x128xf32, #tpu.memory_space<hbm>> -> memref<128x128xf32, #tpu.memory_space<hbm>>
    %dma_start3A_126 = arith.constant 0 : i32
    %dma_start3A_127 = tpu.memref_slice %arg4[%add3A_115, %dma_start3A_126] : memref<800000x128xf32, #tpu.memory_space<hbm>> -> memref<128x128xf32, #tpu.memory_space<hbm>>
    %dma_start3A_128 = arith.constant 0 : i32
    %dma_start3A_129 = arith.constant 0 : i32
    %dma_start3A_130 = tpu.memref_slice %arg6[%dma_start3A_116, %dma_start3A_128, %dma_start3A_129] : memref<2x128x128xf32, #tpu.memory_space<vmem>> -> memref<1x128x128xf32, #tpu.memory_space<vmem>>
    %dma_start3A_131 = tpu.memref_squeeze %dma_start3A_130 : memref<1x128x128xf32, #tpu.memory_space<vmem>> -> memref<128x128xf32, #tpu.memory_space<vmem>>
    %dma_start3A_132 = arith.constant 0 : i32
    %dma_start3A_133 = arith.constant 0 : i32
    %dma_start3A_134 = tpu.memref_slice %dma_start3A_131[%dma_start3A_132, %dma_start3A_133] : memref<128x128xf32, #tpu.memory_space<vmem>> -> memref<128x128xf32, #tpu.memory_space<vmem>>
    tpu.enqueue_dma source(%dma_start3A_134 : memref<128x128xf32, #tpu.memory_space<vmem>>) target(%dma_start3A_127 : memref<128x128xf32, #tpu.memory_space<hbm>>) target_semaphore(%arg9 : memref<!tpu.dma_semaphore, #tpu.memory_space<semaphore_mem>>)
    %dma_wait3A_135 = arith.constant 1 : i32
    %dma_wait3A_136 = arith.constant 0 : i32
    %dma_wait3A_137 = arith.constant 0 : i32
    %dma_wait3A_138 = tpu.memref_slice %arg6[%dma_wait3A_135, %dma_wait3A_136, %dma_wait3A_137] : memref<2x128x128xf32, #tpu.memory_space<vmem>> -> memref<1x128x128xf32, #tpu.memory_space<vmem>>
    %dma_wait3A_139 = tpu.memref_squeeze %dma_wait3A_138 : memref<1x128x128xf32, #tpu.memory_space<vmem>> -> memref<128x128xf32, #tpu.memory_space<vmem>>
    %dma_wait3A_140 = arith.constant 0 : i32
    %dma_wait3A_141 = arith.constant 0 : i32
    %dma_wait3A_142 = tpu.memref_slice %dma_wait3A_139[%dma_wait3A_140, %dma_wait3A_141] : memref<128x128xf32, #tpu.memory_space<vmem>> -> memref<128x128xf32, #tpu.memory_space<vmem>>
    %dma_wait3A_143 = arith.constant 0 : i32
    %dma_wait3A_144 = tpu.memref_slice %arg4[%mul3A_2, %dma_wait3A_143] : memref<800000x128xf32, #tpu.memory_space<hbm>> -> memref<128x128xf32, #tpu.memory_space<hbm>>
    %dma_wait3A_145 = arith.constant 0 : i32
    %dma_wait3A_146 = tpu.memref_slice %arg4[%mul3A_2, %dma_wait3A_145] : memref<800000x128xf32, #tpu.memory_space<hbm>> -> memref<128x128xf32, #tpu.memory_space<hbm>>
    %dma_wait3A_147 = arith.constant 0 : i32
    %dma_wait3A_148 = arith.constant 0 : i32
    %dma_wait3A_149 = tpu.memref_slice %arg6[%dma_wait3A_135, %dma_wait3A_147, %dma_wait3A_148] : memref<2x128x128xf32, #tpu.memory_space<vmem>> -> memref<1x128x128xf32, #tpu.memory_space<vmem>>
    %dma_wait3A_150 = tpu.memref_squeeze %dma_wait3A_149 : memref<1x128x128xf32, #tpu.memory_space<vmem>> -> memref<128x128xf32, #tpu.memory_space<vmem>>
    %dma_wait3A_151 = arith.constant 0 : i32
    %dma_wait3A_152 = arith.constant 0 : i32
    %dma_wait3A_153 = tpu.memref_slice %dma_wait3A_150[%dma_wait3A_151, %dma_wait3A_152] : memref<128x128xf32, #tpu.memory_space<vmem>> -> memref<128x128xf32, #tpu.memory_space<vmem>>
    tpu.wait_dma2 semaphore(%arg10 : memref<!tpu.dma_semaphore, #tpu.memory_space<semaphore_mem>>) src(%dma_wait3A_153 : memref<128x128xf32, #tpu.memory_space<vmem>>) dst(%dma_wait3A_146 : memref<128x128xf32, #tpu.memory_space<hbm>>)
    %add3A_154 = arith.constant 24960 : i32
    %add3A_155 = arith.addi %mul3A_2, %add3A_154 : i32
    %dma_start3A_156 = arith.constant 1 : i32
    %dma_start3A_157 = arith.constant 0 : i32
    %dma_start3A_158 = tpu.memref_slice %arg5[%dma_start3A_156, %dma_start3A_157] : memref<2x128xi32, #tpu.memory_space<vmem>> -> memref<1x128xi32, #tpu.memory_space<vmem>>
    %dma_start3A_159 = tpu.memref_squeeze %dma_start3A_158 : memref<1x128xi32, #tpu.memory_space<vmem>> -> memref<128xi32, #tpu.memory_space<vmem>>
    %dma_start3A_160 = arith.constant 0 : i32
    %dma_start3A_161 = tpu.memref_slice %dma_start3A_159[%dma_start3A_160] : memref<128xi32, #tpu.memory_space<vmem>> -> memref<40xi32, #tpu.memory_space<vmem>>
    %dma_start3A_162 = tpu.memref_slice %arg3[%add3A_155] : memref<800000xi32, #tpu.memory_space<hbm>> -> memref<40xi32, #tpu.memory_space<hbm>>
    %dma_start3A_163 = arith.constant 0 : i32
    %dma_start3A_164 = tpu.memref_slice %arg5[%dma_start3A_156, %dma_start3A_163] : memref<2x128xi32, #tpu.memory_space<vmem>> -> memref<1x128xi32, #tpu.memory_space<vmem>>
    %dma_start3A_165 = tpu.memref_squeeze %dma_start3A_164 : memref<1x128xi32, #tpu.memory_space<vmem>> -> memref<128xi32, #tpu.memory_space<vmem>>
    %dma_start3A_166 = arith.constant 0 : i32
    %dma_start3A_167 = tpu.memref_slice %dma_start3A_165[%dma_start3A_166] : memref<128xi32, #tpu.memory_space<vmem>> -> memref<40xi32, #tpu.memory_space<vmem>>
    %dma_start3A_168 = tpu.memref_slice %arg3[%add3A_155] : memref<800000xi32, #tpu.memory_space<hbm>> -> memref<40xi32, #tpu.memory_space<hbm>>
    tpu.enqueue_dma source(%dma_start3A_168 : memref<40xi32, #tpu.memory_space<hbm>>) target(%dma_start3A_167 : memref<40xi32, #tpu.memory_space<vmem>>) target_semaphore(%arg12 : memref<!tpu.dma_semaphore, #tpu.memory_space<semaphore_mem>>)
    %dma_wait3A_169 = arith.constant 1 : i32
    %dma_wait3A_170 = arith.constant 0 : i32
    %dma_wait3A_171 = tpu.memref_slice %arg5[%dma_wait3A_169, %dma_wait3A_170] : memref<2x128xi32, #tpu.memory_space<vmem>> -> memref<1x128xi32, #tpu.memory_space<vmem>>
    %dma_wait3A_172 = tpu.memref_squeeze %dma_wait3A_171 : memref<1x128xi32, #tpu.memory_space<vmem>> -> memref<128xi32, #tpu.memory_space<vmem>>
    %dma_wait3A_173 = arith.constant 0 : i32
    %dma_wait3A_174 = tpu.memref_slice %dma_wait3A_172[%dma_wait3A_173] : memref<128xi32, #tpu.memory_space<vmem>> -> memref<40xi32, #tpu.memory_space<vmem>>
    %dma_wait3A_175 = tpu.memref_slice %arg3[%mul3A_2] : memref<800000xi32, #tpu.memory_space<hbm>> -> memref<40xi32, #tpu.memory_space<hbm>>
    %dma_wait3A_176 = arith.constant 0 : i32
    %dma_wait3A_177 = tpu.memref_slice %arg5[%dma_wait3A_169, %dma_wait3A_176] : memref<2x128xi32, #tpu.memory_space<vmem>> -> memref<1x128xi32, #tpu.memory_space<vmem>>
    %dma_wait3A_178 = tpu.memref_squeeze %dma_wait3A_177 : memref<1x128xi32, #tpu.memory_space<vmem>> -> memref<128xi32, #tpu.memory_space<vmem>>
    %dma_wait3A_179 = arith.constant 0 : i32
    %dma_wait3A_180 = tpu.memref_slice %dma_wait3A_178[%dma_wait3A_179] : memref<128xi32, #tpu.memory_space<vmem>> -> memref<40xi32, #tpu.memory_space<vmem>>
    %dma_wait3A_181 = tpu.memref_slice %arg3[%mul3A_2] : memref<800000xi32, #tpu.memory_space<hbm>> -> memref<40xi32, #tpu.memory_space<hbm>>
    tpu.wait_dma2 semaphore(%arg12 : memref<!tpu.dma_semaphore, #tpu.memory_space<semaphore_mem>>) src(%dma_wait3A_181 : memref<40xi32, #tpu.memory_space<hbm>>) dst(%dma_wait3A_180 : memref<40xi32, #tpu.memory_space<vmem>>)
    %dma_start3A_182 = arith.constant 1 : i32
    %dma_start3A_183 = arith.constant 1 : i32
    %dma_start3A_184 = arith.constant 0 : i32
    %dma_start3A_185 = arith.constant 0 : i32
    %dma_start3A_186 = tpu.memref_slice %arg6[%dma_start3A_183, %dma_start3A_184, %dma_start3A_185] : memref<2x128x128xf32, #tpu.memory_space<vmem>> -> memref<1x128x128xf32, #tpu.memory_space<vmem>>
    %dma_start3A_187 = tpu.memref_squeeze %dma_start3A_186 : memref<1x128x128xf32, #tpu.memory_space<vmem>> -> memref<128x128xf32, #tpu.memory_space<vmem>>
    %dma_start3A_188 = arith.constant 0 : i32
    %dma_start3A_189 = arith.constant 0 : i32
    %dma_start3A_190 = tpu.memref_slice %dma_start3A_187[%dma_start3A_188, %dma_start3A_189] : memref<128x128xf32, #tpu.memory_space<vmem>> -> memref<40x128xf32, #tpu.memory_space<vmem>>
    %dma_start3A_191 = arith.constant 0 : i32
    %dma_start3A_192 = tpu.memref_slice %arg5[%dma_start3A_182, %dma_start3A_191] : memref<2x128xi32, #tpu.memory_space<vmem>> -> memref<1x128xi32, #tpu.memory_space<vmem>>
    %dma_start3A_193 = tpu.memref_squeeze %dma_start3A_192 : memref<1x128xi32, #tpu.memory_space<vmem>> -> memref<128xi32, #tpu.memory_space<vmem>>
    %dma_start3A_194 = arith.constant 0 : i32
    %dma_start3A_195 = tpu.memref_slice %dma_start3A_193[%dma_start3A_194] : memref<128xi32, #tpu.memory_space<vmem>> -> memref<40xi32, #tpu.memory_space<vmem>>
    %dma_start3A_196 = arith.constant 0 : i32
    %dma_start3A_197 = arith.constant 0 : i32
    %dma_start3A_198 = tpu.memref_slice %arg2[%dma_start3A_196, %dma_start3A_197] : memref<50000x128xf32, #tpu.memory_space<hbm>> -> memref<50000x128xf32, #tpu.memory_space<hbm>>
    tpu.enqueue_indirect_dma source(%dma_start3A_198 : memref<50000x128xf32, #tpu.memory_space<hbm>>) target(%dma_start3A_190 : memref<40x128xf32, #tpu.memory_space<vmem>>) offsets(%dma_start3A_195 : memref<40xi32, #tpu.memory_space<vmem>>) semaphore(%arg8 : memref<!tpu.dma_semaphore, #tpu.memory_space<semaphore_mem>>)
    %dma_wait3A_199 = arith.constant 1 : i32
    %dma_wait3A_200 = arith.constant 0 : i32
    %dma_wait3A_201 = arith.constant 0 : i32
    %dma_wait3A_202 = tpu.memref_slice %arg6[%dma_wait3A_199, %dma_wait3A_200, %dma_wait3A_201] : memref<2x128x128xf32, #tpu.memory_space<vmem>> -> memref<1x128x128xf32, #tpu.memory_space<vmem>>
    %dma_wait3A_203 = tpu.memref_squeeze %dma_wait3A_202 : memref<1x128x128xf32, #tpu.memory_space<vmem>> -> memref<128x128xf32, #tpu.memory_space<vmem>>
    %dma_wait3A_204 = arith.constant 0 : i32
    %dma_wait3A_205 = arith.constant 0 : i32
    %dma_wait3A_206 = tpu.memref_slice %dma_wait3A_203[%dma_wait3A_204, %dma_wait3A_205] : memref<128x128xf32, #tpu.memory_space<vmem>> -> memref<40x128xf32, #tpu.memory_space<vmem>>
    %dma_wait3A_207 = arith.constant 0 : i32
    %dma_wait3A_208 = tpu.memref_slice %arg4[%mul3A_2, %dma_wait3A_207] : memref<800000x128xf32, #tpu.memory_space<hbm>> -> memref<40x128xf32, #tpu.memory_space<hbm>>
    %dma_wait3A_209 = arith.constant 0 : i32
    %dma_wait3A_210 = tpu.memref_slice %arg4[%mul3A_2, %dma_wait3A_209] : memref<800000x128xf32, #tpu.memory_space<hbm>> -> memref<40x128xf32, #tpu.memory_space<hbm>>
    %dma_wait3A_211 = arith.constant 0 : i32
    %dma_wait3A_212 = arith.constant 0 : i32
    %dma_wait3A_213 = tpu.memref_slice %arg6[%dma_wait3A_199, %dma_wait3A_211, %dma_wait3A_212] : memref<2x128x128xf32, #tpu.memory_space<vmem>> -> memref<1x128x128xf32, #tpu.memory_space<vmem>>
    %dma_wait3A_214 = tpu.memref_squeeze %dma_wait3A_213 : memref<1x128x128xf32, #tpu.memory_space<vmem>> -> memref<128x128xf32, #tpu.memory_space<vmem>>
    %dma_wait3A_215 = arith.constant 0 : i32
    %dma_wait3A_216 = arith.constant 0 : i32
    %dma_wait3A_217 = tpu.memref_slice %dma_wait3A_214[%dma_wait3A_215, %dma_wait3A_216] : memref<128x128xf32, #tpu.memory_space<vmem>> -> memref<40x128xf32, #tpu.memory_space<vmem>>
    tpu.wait_dma2 semaphore(%arg8 : memref<!tpu.dma_semaphore, #tpu.memory_space<semaphore_mem>>) src(%dma_wait3A_217 : memref<40x128xf32, #tpu.memory_space<vmem>>) dst(%dma_wait3A_210 : memref<40x128xf32, #tpu.memory_space<hbm>>)
    %add3A_218 = arith.constant 24960 : i32
    %add3A_219 = arith.addi %mul3A_2, %add3A_218 : i32
    %dma_start3A_220 = arith.constant 1 : i32
    %dma_start3A_221 = arith.constant 0 : i32
    %dma_start3A_222 = arith.constant 0 : i32
    %dma_start3A_223 = tpu.memref_slice %arg6[%dma_start3A_220, %dma_start3A_221, %dma_start3A_222] : memref<2x128x128xf32, #tpu.memory_space<vmem>> -> memref<1x128x128xf32, #tpu.memory_space<vmem>>
    %dma_start3A_224 = tpu.memref_squeeze %dma_start3A_223 : memref<1x128x128xf32, #tpu.memory_space<vmem>> -> memref<128x128xf32, #tpu.memory_space<vmem>>
    %dma_start3A_225 = arith.constant 0 : i32
    %dma_start3A_226 = arith.constant 0 : i32
    %dma_start3A_227 = tpu.memref_slice %dma_start3A_224[%dma_start3A_225, %dma_start3A_226] : memref<128x128xf32, #tpu.memory_space<vmem>> -> memref<40x128xf32, #tpu.memory_space<vmem>>
    %dma_start3A_228 = arith.constant 0 : i32
    %dma_start3A_229 = tpu.memref_slice %arg4[%add3A_219, %dma_start3A_228] : memref<800000x128xf32, #tpu.memory_space<hbm>> -> memref<40x128xf32, #tpu.memory_space<hbm>>
    %dma_start3A_230 = arith.constant 0 : i32
    %dma_start3A_231 = tpu.memref_slice %arg4[%add3A_219, %dma_start3A_230] : memref<800000x128xf32, #tpu.memory_space<hbm>> -> memref<40x128xf32, #tpu.memory_space<hbm>>
    %dma_start3A_232 = arith.constant 0 : i32
    %dma_start3A_233 = arith.constant 0 : i32
    %dma_start3A_234 = tpu.memref_slice %arg6[%dma_start3A_220, %dma_start3A_232, %dma_start3A_233] : memref<2x128x128xf32, #tpu.memory_space<vmem>> -> memref<1x128x128xf32, #tpu.memory_space<vmem>>
    %dma_start3A_235 = tpu.memref_squeeze %dma_start3A_234 : memref<1x128x128xf32, #tpu.memory_space<vmem>> -> memref<128x128xf32, #tpu.memory_space<vmem>>
    %dma_start3A_236 = arith.constant 0 : i32
    %dma_start3A_237 = arith.constant 0 : i32
    %dma_start3A_238 = tpu.memref_slice %dma_start3A_235[%dma_start3A_236, %dma_start3A_237] : memref<128x128xf32, #tpu.memory_space<vmem>> -> memref<40x128xf32, #tpu.memory_space<vmem>>
    tpu.enqueue_dma source(%dma_start3A_238 : memref<40x128xf32, #tpu.memory_space<vmem>>) target(%dma_start3A_231 : memref<40x128xf32, #tpu.memory_space<hbm>>) target_semaphore(%arg10 : memref<!tpu.dma_semaphore, #tpu.memory_space<semaphore_mem>>)
    %dma_wait3A_239 = arith.constant 1 : i32
    %dma_wait3A_240 = arith.constant 0 : i32
    %dma_wait3A_241 = arith.constant 0 : i32
    %dma_wait3A_242 = tpu.memref_slice %arg6[%dma_wait3A_239, %dma_wait3A_240, %dma_wait3A_241] : memref<2x128x128xf32, #tpu.memory_space<vmem>> -> memref<1x128x128xf32, #tpu.memory_space<vmem>>
    %dma_wait3A_243 = tpu.memref_squeeze %dma_wait3A_242 : memref<1x128x128xf32, #tpu.memory_space<vmem>> -> memref<128x128xf32, #tpu.memory_space<vmem>>
    %dma_wait3A_244 = arith.constant 0 : i32
    %dma_wait3A_245 = arith.constant 0 : i32
    %dma_wait3A_246 = tpu.memref_slice %dma_wait3A_243[%dma_wait3A_244, %dma_wait3A_245] : memref<128x128xf32, #tpu.memory_space<vmem>> -> memref<40x128xf32, #tpu.memory_space<vmem>>
    %dma_wait3A_247 = arith.constant 0 : i32
    %dma_wait3A_248 = tpu.memref_slice %arg4[%mul3A_2, %dma_wait3A_247] : memref<800000x128xf32, #tpu.memory_space<hbm>> -> memref<40x128xf32, #tpu.memory_space<hbm>>
    %dma_wait3A_249 = arith.constant 0 : i32
    %dma_wait3A_250 = tpu.memref_slice %arg4[%mul3A_2, %dma_wait3A_249] : memref<800000x128xf32, #tpu.memory_space<hbm>> -> memref<40x128xf32, #tpu.memory_space<hbm>>
    %dma_wait3A_251 = arith.constant 0 : i32
    %dma_wait3A_252 = arith.constant 0 : i32
    %dma_wait3A_253 = tpu.memref_slice %arg6[%dma_wait3A_239, %dma_wait3A_251, %dma_wait3A_252] : memref<2x128x128xf32, #tpu.memory_space<vmem>> -> memref<1x128x128xf32, #tpu.memory_space<vmem>>
    %dma_wait3A_254 = tpu.memref_squeeze %dma_wait3A_253 : memref<1x128x128xf32, #tpu.memory_space<vmem>> -> memref<128x128xf32, #tpu.memory_space<vmem>>
    %dma_wait3A_255 = arith.constant 0 : i32
    %dma_wait3A_256 = arith.constant 0 : i32
    %dma_wait3A_257 = tpu.memref_slice %dma_wait3A_254[%dma_wait3A_255, %dma_wait3A_256] : memref<128x128xf32, #tpu.memory_space<vmem>> -> memref<40x128xf32, #tpu.memory_space<vmem>>
    tpu.wait_dma2 semaphore(%arg10 : memref<!tpu.dma_semaphore, #tpu.memory_space<semaphore_mem>>) src(%dma_wait3A_257 : memref<40x128xf32, #tpu.memory_space<vmem>>) dst(%dma_wait3A_250 : memref<40x128xf32, #tpu.memory_space<hbm>>)
    %dma_wait3A_258 = arith.constant 0 : i32
    %dma_wait3A_259 = arith.constant 0 : i32
    %dma_wait3A_260 = arith.constant 0 : i32
    %dma_wait3A_261 = tpu.memref_slice %arg6[%dma_wait3A_258, %dma_wait3A_259, %dma_wait3A_260] : memref<2x128x128xf32, #tpu.memory_space<vmem>> -> memref<1x128x128xf32, #tpu.memory_space<vmem>>
    %dma_wait3A_262 = tpu.memref_squeeze %dma_wait3A_261 : memref<1x128x128xf32, #tpu.memory_space<vmem>> -> memref<128x128xf32, #tpu.memory_space<vmem>>
    %dma_wait3A_263 = arith.constant 0 : i32
    %dma_wait3A_264 = arith.constant 0 : i32
    %dma_wait3A_265 = tpu.memref_slice %dma_wait3A_262[%dma_wait3A_263, %dma_wait3A_264] : memref<128x128xf32, #tpu.memory_space<vmem>> -> memref<128x128xf32, #tpu.memory_space<vmem>>
    %dma_wait3A_266 = arith.constant 0 : i32
    %dma_wait3A_267 = tpu.memref_slice %arg4[%mul3A_2, %dma_wait3A_266] : memref<800000x128xf32, #tpu.memory_space<hbm>> -> memref<128x128xf32, #tpu.memory_space<hbm>>
    %dma_wait3A_268 = arith.constant 0 : i32
    %dma_wait3A_269 = tpu.memref_slice %arg4[%mul3A_2, %dma_wait3A_268] : memref<800000x128xf32, #tpu.memory_space<hbm>> -> memref<128x128xf32, #tpu.memory_space<hbm>>
    %dma_wait3A_270 = arith.constant 0 : i32
    %dma_wait3A_271 = arith.constant 0 : i32
    %dma_wait3A_272 = tpu.memref_slice %arg6[%dma_wait3A_258, %dma_wait3A_270, %dma_wait3A_271] : memref<2x128x128xf32, #tpu.memory_space<vmem>> -> memref<1x128x128xf32, #tpu.memory_space<vmem>>
    %dma_wait3A_273 = tpu.memref_squeeze %dma_wait3A_272 : memref<1x128x128xf32, #tpu.memory_space<vmem>> -> memref<128x128xf32, #tpu.memory_space<vmem>>
    %dma_wait3A_274 = arith.constant 0 : i32
    %dma_wait3A_275 = arith.constant 0 : i32
    %dma_wait3A_276 = tpu.memref_slice %dma_wait3A_273[%dma_wait3A_274, %dma_wait3A_275] : memref<128x128xf32, #tpu.memory_space<vmem>> -> memref<128x128xf32, #tpu.memory_space<vmem>>
    tpu.wait_dma2 semaphore(%arg9 : memref<!tpu.dma_semaphore, #tpu.memory_space<semaphore_mem>>) src(%dma_wait3A_276 : memref<128x128xf32, #tpu.memory_space<vmem>>) dst(%dma_wait3A_269 : memref<128x128xf32, #tpu.memory_space<hbm>>)
    return
  }
}

#map = affine_map<(d0, d1) -> (0, 0)>
#map1 = affine_map<(d0, d1) -> (0)>
module attributes {stable_mosaic.version = 14 : i64} {
  func.func @_sc_gather_body(%arg0: i32, %arg1: i32, %arg2: memref<50000x128xf32, #tpu.memory_space<hbm>>, %arg3: memref<800000xi32, #tpu.memory_space<hbm>>, %arg4: memref<800000x128xf32, #tpu.memory_space<hbm>>, %arg5: memref<2x128xi32, #tpu.memory_space<vmem>>, %arg6: memref<2x128x128xf32, #tpu.memory_space<vmem>>, %arg7: memref<!tpu.dma_semaphore, #tpu.memory_space<semaphore_mem>>, %arg8: memref<!tpu.dma_semaphore, #tpu.memory_space<semaphore_mem>>, %arg9: memref<!tpu.dma_semaphore, #tpu.memory_space<semaphore_mem>>, %arg10: memref<!tpu.dma_semaphore, #tpu.memory_space<semaphore_mem>>, %arg11: memref<!tpu.dma_semaphore, #tpu.memory_space<semaphore_mem>>, %arg12: memref<!tpu.dma_semaphore, #tpu.memory_space<semaphore_mem>>) attributes {dimension_semantics = [#tpu.dimension_semantics<core_parallel>, #tpu.dimension_semantics<subcore_parallel>], iteration_bounds = array<i64: 2, 16>, scalar_prefetch = 0 : i64, scratch_operands = 8 : i64, tpu.core_type = #tpu.core_type<sc_vector_subcore>, window_params = [{transform_indices = #map}, {transform_indices = #map1}, {transform_indices = #map}]} {
    %mul3A = arith.constant 2 : i32
    %mul3A_0 = arith.muli %arg1, %mul3A : i32
    %add3A = arith.addi %mul3A_0, %arg0 : i32
    %mul3A_1 = arith.constant 25000 : i32
    %mul3A_2 = arith.muli %add3A, %mul3A_1 : i32
    %add3A_3 = arith.constant 0 : i32
    %add3A_4 = arith.addi %mul3A_2, %add3A_3 : i32
    %dma_start3A = arith.constant 0 : i32
    %dma_start3A_5 = arith.constant 0 : i32
    %dma_start3A_6 = tpu.memref_slice %arg5[%dma_start3A, %dma_start3A_5] : memref<2x128xi32, #tpu.memory_space<vmem>> -> memref<1x128xi32, #tpu.memory_space<vmem>>
    %dma_start3A_7 = tpu.memref_squeeze %dma_start3A_6 : memref<1x128xi32, #tpu.memory_space<vmem>> -> memref<128xi32, #tpu.memory_space<vmem>>
    %dma_start3A_8 = arith.constant 0 : i32
    %dma_start3A_9 = tpu.memref_slice %dma_start3A_7[%dma_start3A_8] : memref<128xi32, #tpu.memory_space<vmem>> -> memref<128xi32, #tpu.memory_space<vmem>>
    %dma_start3A_10 = tpu.memref_slice %arg3[%add3A_4] : memref<800000xi32, #tpu.memory_space<hbm>> -> memref<128xi32, #tpu.memory_space<hbm>>
    %dma_start3A_11 = arith.constant 0 : i32
    %dma_start3A_12 = tpu.memref_slice %arg5[%dma_start3A, %dma_start3A_11] : memref<2x128xi32, #tpu.memory_space<vmem>> -> memref<1x128xi32, #tpu.memory_space<vmem>>
    %dma_start3A_13 = tpu.memref_squeeze %dma_start3A_12 : memref<1x128xi32, #tpu.memory_space<vmem>> -> memref<128xi32, #tpu.memory_space<vmem>>
    %dma_start3A_14 = arith.constant 0 : i32
    %dma_start3A_15 = tpu.memref_slice %dma_start3A_13[%dma_start3A_14] : memref<128xi32, #tpu.memory_space<vmem>> -> memref<128xi32, #tpu.memory_space<vmem>>
    %dma_start3A_16 = tpu.memref_slice %arg3[%add3A_4] : memref<800000xi32, #tpu.memory_space<hbm>> -> memref<128xi32, #tpu.memory_space<hbm>>
    tpu.enqueue_dma source(%dma_start3A_16 : memref<128xi32, #tpu.memory_space<hbm>>) target(%dma_start3A_15 : memref<128xi32, #tpu.memory_space<vmem>>) target_semaphore(%arg11 : memref<!tpu.dma_semaphore, #tpu.memory_space<semaphore_mem>>)
    %add3A_17 = arith.constant 128 : i32
    %add3A_18 = arith.addi %mul3A_2, %add3A_17 : i32
    %dma_start3A_19 = arith.constant 1 : i32
    %dma_start3A_20 = arith.constant 0 : i32
    %dma_start3A_21 = tpu.memref_slice %arg5[%dma_start3A_19, %dma_start3A_20] : memref<2x128xi32, #tpu.memory_space<vmem>> -> memref<1x128xi32, #tpu.memory_space<vmem>>
    %dma_start3A_22 = tpu.memref_squeeze %dma_start3A_21 : memref<1x128xi32, #tpu.memory_space<vmem>> -> memref<128xi32, #tpu.memory_space<vmem>>
    %dma_start3A_23 = arith.constant 0 : i32
    %dma_start3A_24 = tpu.memref_slice %dma_start3A_22[%dma_start3A_23] : memref<128xi32, #tpu.memory_space<vmem>> -> memref<128xi32, #tpu.memory_space<vmem>>
    %dma_start3A_25 = tpu.memref_slice %arg3[%add3A_18] : memref<800000xi32, #tpu.memory_space<hbm>> -> memref<128xi32, #tpu.memory_space<hbm>>
    %dma_start3A_26 = arith.constant 0 : i32
    %dma_start3A_27 = tpu.memref_slice %arg5[%dma_start3A_19, %dma_start3A_26] : memref<2x128xi32, #tpu.memory_space<vmem>> -> memref<1x128xi32, #tpu.memory_space<vmem>>
    %dma_start3A_28 = tpu.memref_squeeze %dma_start3A_27 : memref<1x128xi32, #tpu.memory_space<vmem>> -> memref<128xi32, #tpu.memory_space<vmem>>
    %dma_start3A_29 = arith.constant 0 : i32
    %dma_start3A_30 = tpu.memref_slice %dma_start3A_28[%dma_start3A_29] : memref<128xi32, #tpu.memory_space<vmem>> -> memref<128xi32, #tpu.memory_space<vmem>>
    %dma_start3A_31 = tpu.memref_slice %arg3[%add3A_18] : memref<800000xi32, #tpu.memory_space<hbm>> -> memref<128xi32, #tpu.memory_space<hbm>>
    tpu.enqueue_dma source(%dma_start3A_31 : memref<128xi32, #tpu.memory_space<hbm>>) target(%dma_start3A_30 : memref<128xi32, #tpu.memory_space<vmem>>) target_semaphore(%arg12 : memref<!tpu.dma_semaphore, #tpu.memory_space<semaphore_mem>>)
    %dma_wait3A = arith.constant 0 : i32
    %dma_wait3A_32 = arith.constant 0 : i32
    %dma_wait3A_33 = tpu.memref_slice %arg5[%dma_wait3A, %dma_wait3A_32] : memref<2x128xi32, #tpu.memory_space<vmem>> -> memref<1x128xi32, #tpu.memory_space<vmem>>
    %dma_wait3A_34 = tpu.memref_squeeze %dma_wait3A_33 : memref<1x128xi32, #tpu.memory_space<vmem>> -> memref<128xi32, #tpu.memory_space<vmem>>
    %dma_wait3A_35 = arith.constant 0 : i32
    %dma_wait3A_36 = tpu.memref_slice %dma_wait3A_34[%dma_wait3A_35] : memref<128xi32, #tpu.memory_space<vmem>> -> memref<128xi32, #tpu.memory_space<vmem>>
    %dma_wait3A_37 = tpu.memref_slice %arg3[%mul3A_2] : memref<800000xi32, #tpu.memory_space<hbm>> -> memref<128xi32, #tpu.memory_space<hbm>>
    %dma_wait3A_38 = arith.constant 0 : i32
    %dma_wait3A_39 = tpu.memref_slice %arg5[%dma_wait3A, %dma_wait3A_38] : memref<2x128xi32, #tpu.memory_space<vmem>> -> memref<1x128xi32, #tpu.memory_space<vmem>>
    %dma_wait3A_40 = tpu.memref_squeeze %dma_wait3A_39 : memref<1x128xi32, #tpu.memory_space<vmem>> -> memref<128xi32, #tpu.memory_space<vmem>>
    %dma_wait3A_41 = arith.constant 0 : i32
    %dma_wait3A_42 = tpu.memref_slice %dma_wait3A_40[%dma_wait3A_41] : memref<128xi32, #tpu.memory_space<vmem>> -> memref<128xi32, #tpu.memory_space<vmem>>
    %dma_wait3A_43 = tpu.memref_slice %arg3[%mul3A_2] : memref<800000xi32, #tpu.memory_space<hbm>> -> memref<128xi32, #tpu.memory_space<hbm>>
    tpu.wait_dma2 semaphore(%arg11 : memref<!tpu.dma_semaphore, #tpu.memory_space<semaphore_mem>>) src(%dma_wait3A_43 : memref<128xi32, #tpu.memory_space<hbm>>) dst(%dma_wait3A_42 : memref<128xi32, #tpu.memory_space<vmem>>)
    %dma_start3A_44 = arith.constant 0 : i32
    %dma_start3A_45 = arith.constant 0 : i32
    %dma_start3A_46 = arith.constant 0 : i32
    %dma_start3A_47 = arith.constant 0 : i32
    %dma_start3A_48 = tpu.memref_slice %arg6[%dma_start3A_45, %dma_start3A_46, %dma_start3A_47] : memref<2x128x128xf32, #tpu.memory_space<vmem>> -> memref<1x128x128xf32, #tpu.memory_space<vmem>>
    %dma_start3A_49 = tpu.memref_squeeze %dma_start3A_48 : memref<1x128x128xf32, #tpu.memory_space<vmem>> -> memref<128x128xf32, #tpu.memory_space<vmem>>
    %dma_start3A_50 = arith.constant 0 : i32
    %dma_start3A_51 = arith.constant 0 : i32
    %dma_start3A_52 = tpu.memref_slice %dma_start3A_49[%dma_start3A_50, %dma_start3A_51] : memref<128x128xf32, #tpu.memory_space<vmem>> -> memref<128x128xf32, #tpu.memory_space<vmem>>
    %dma_start3A_53 = arith.constant 0 : i32
    %dma_start3A_54 = tpu.memref_slice %arg5[%dma_start3A_44, %dma_start3A_53] : memref<2x128xi32, #tpu.memory_space<vmem>> -> memref<1x128xi32, #tpu.memory_space<vmem>>
    %dma_start3A_55 = tpu.memref_squeeze %dma_start3A_54 : memref<1x128xi32, #tpu.memory_space<vmem>> -> memref<128xi32, #tpu.memory_space<vmem>>
    %dma_start3A_56 = arith.constant 0 : i32
    %dma_start3A_57 = tpu.memref_slice %dma_start3A_55[%dma_start3A_56] : memref<128xi32, #tpu.memory_space<vmem>> -> memref<128xi32, #tpu.memory_space<vmem>>
    %dma_start3A_58 = arith.constant 0 : i32
    %dma_start3A_59 = arith.constant 0 : i32
    %dma_start3A_60 = tpu.memref_slice %arg2[%dma_start3A_58, %dma_start3A_59] : memref<50000x128xf32, #tpu.memory_space<hbm>> -> memref<50000x128xf32, #tpu.memory_space<hbm>>
    tpu.enqueue_indirect_dma source(%dma_start3A_60 : memref<50000x128xf32, #tpu.memory_space<hbm>>) target(%dma_start3A_52 : memref<128x128xf32, #tpu.memory_space<vmem>>) offsets(%dma_start3A_57 : memref<128xi32, #tpu.memory_space<vmem>>) semaphore(%arg7 : memref<!tpu.dma_semaphore, #tpu.memory_space<semaphore_mem>>)
    %dma_wait3A_61 = arith.constant 1 : i32
    %dma_wait3A_62 = arith.constant 0 : i32
    %dma_wait3A_63 = tpu.memref_slice %arg5[%dma_wait3A_61, %dma_wait3A_62] : memref<2x128xi32, #tpu.memory_space<vmem>> -> memref<1x128xi32, #tpu.memory_space<vmem>>
    %dma_wait3A_64 = tpu.memref_squeeze %dma_wait3A_63 : memref<1x128xi32, #tpu.memory_space<vmem>> -> memref<128xi32, #tpu.memory_space<vmem>>
    %dma_wait3A_65 = arith.constant 0 : i32
    %dma_wait3A_66 = tpu.memref_slice %dma_wait3A_64[%dma_wait3A_65] : memref<128xi32, #tpu.memory_space<vmem>> -> memref<128xi32, #tpu.memory_space<vmem>>
    %dma_wait3A_67 = tpu.memref_slice %arg3[%mul3A_2] : memref<800000xi32, #tpu.memory_space<hbm>> -> memref<128xi32, #tpu.memory_space<hbm>>
    %dma_wait3A_68 = arith.constant 0 : i32
    %dma_wait3A_69 = tpu.memref_slice %arg5[%dma_wait3A_61, %dma_wait3A_68] : memref<2x128xi32, #tpu.memory_space<vmem>> -> memref<1x128xi32, #tpu.memory_space<vmem>>
    %dma_wait3A_70 = tpu.memref_squeeze %dma_wait3A_69 : memref<1x128xi32, #tpu.memory_space<vmem>> -> memref<128xi32, #tpu.memory_space<vmem>>
    %dma_wait3A_71 = arith.constant 0 : i32
    %dma_wait3A_72 = tpu.memref_slice %dma_wait3A_70[%dma_wait3A_71] : memref<128xi32, #tpu.memory_space<vmem>> -> memref<128xi32, #tpu.memory_space<vmem>>
    %dma_wait3A_73 = tpu.memref_slice %arg3[%mul3A_2] : memref<800000xi32, #tpu.memory_space<hbm>> -> memref<128xi32, #tpu.memory_space<hbm>>
    tpu.wait_dma2 semaphore(%arg12 : memref<!tpu.dma_semaphore, #tpu.memory_space<semaphore_mem>>) src(%dma_wait3A_73 : memref<128xi32, #tpu.memory_space<hbm>>) dst(%dma_wait3A_72 : memref<128xi32, #tpu.memory_space<vmem>>)
    %dma_start3A_74 = arith.constant 1 : i32
    %dma_start3A_75 = arith.constant 1 : i32
    %dma_start3A_76 = arith.constant 0 : i32
    %dma_start3A_77 = arith.constant 0 : i32
    %dma_start3A_78 = tpu.memref_slice %arg6[%dma_start3A_75, %dma_start3A_76, %dma_start3A_77] : memref<2x128x128xf32, #tpu.memory_space<vmem>> -> memref<1x128x128xf32, #tpu.memory_space<vmem>>
    %dma_start3A_79 = tpu.memref_squeeze %dma_start3A_78 : memref<1x128x128xf32, #tpu.memory_space<vmem>> -> memref<128x128xf32, #tpu.memory_space<vmem>>
    %dma_start3A_80 = arith.constant 0 : i32
    %dma_start3A_81 = arith.constant 0 : i32
    %dma_start3A_82 = tpu.memref_slice %dma_start3A_79[%dma_start3A_80, %dma_start3A_81] : memref<128x128xf32, #tpu.memory_space<vmem>> -> memref<128x128xf32, #tpu.memory_space<vmem>>
    %dma_start3A_83 = arith.constant 0 : i32
    %dma_start3A_84 = tpu.memref_slice %arg5[%dma_start3A_74, %dma_start3A_83] : memref<2x128xi32, #tpu.memory_space<vmem>> -> memref<1x128xi32, #tpu.memory_space<vmem>>
    %dma_start3A_85 = tpu.memref_squeeze %dma_start3A_84 : memref<1x128xi32, #tpu.memory_space<vmem>> -> memref<128xi32, #tpu.memory_space<vmem>>
    %dma_start3A_86 = arith.constant 0 : i32
    %dma_start3A_87 = tpu.memref_slice %dma_start3A_85[%dma_start3A_86] : memref<128xi32, #tpu.memory_space<vmem>> -> memref<128xi32, #tpu.memory_space<vmem>>
    %dma_start3A_88 = arith.constant 0 : i32
    %dma_start3A_89 = arith.constant 0 : i32
    %dma_start3A_90 = tpu.memref_slice %arg2[%dma_start3A_88, %dma_start3A_89] : memref<50000x128xf32, #tpu.memory_space<hbm>> -> memref<50000x128xf32, #tpu.memory_space<hbm>>
    tpu.enqueue_indirect_dma source(%dma_start3A_90 : memref<50000x128xf32, #tpu.memory_space<hbm>>) target(%dma_start3A_82 : memref<128x128xf32, #tpu.memory_space<vmem>>) offsets(%dma_start3A_87 : memref<128xi32, #tpu.memory_space<vmem>>) semaphore(%arg8 : memref<!tpu.dma_semaphore, #tpu.memory_space<semaphore_mem>>)
    %scan3A = arith.constant 0 : i32
    %scan3A_91 = arith.constant 97 : i32
    %scan3A_92 = arith.addi %scan3A, %scan3A_91 : i32
    %scan3A_93 = arith.constant 1 : i32
    scf.for %scan3A_277 = %scan3A to %scan3A_92 step %scan3A_93  : i32 {
      %mul3A_278 = arith.constant 2 : i32
      %mul3A_279 = arith.muli %scan3A_277, %mul3A_278 : i32
      %add3A_280 = arith.constant 0 : i32
      %add3A_281 = arith.addi %mul3A_279, %add3A_280 : i32
      %dma_wait3A_282 = arith.constant 0 : i32
      %dma_wait3A_283 = arith.constant 0 : i32
      %dma_wait3A_284 = arith.constant 0 : i32
      %dma_wait3A_285 = tpu.memref_slice %arg6[%dma_wait3A_282, %dma_wait3A_283, %dma_wait3A_284] : memref<2x128x128xf32, #tpu.memory_space<vmem>> -> memref<1x128x128xf32, #tpu.memory_space<vmem>>
      %dma_wait3A_286 = tpu.memref_squeeze %dma_wait3A_285 : memref<1x128x128xf32, #tpu.memory_space<vmem>> -> memref<128x128xf32, #tpu.memory_space<vmem>>
      %dma_wait3A_287 = arith.constant 0 : i32
      %dma_wait3A_288 = arith.constant 0 : i32
      %dma_wait3A_289 = tpu.memref_slice %dma_wait3A_286[%dma_wait3A_287, %dma_wait3A_288] : memref<128x128xf32, #tpu.memory_space<vmem>> -> memref<128x128xf32, #tpu.memory_space<vmem>>
      %dma_wait3A_290 = arith.constant 0 : i32
      %dma_wait3A_291 = tpu.memref_slice %arg4[%mul3A_2, %dma_wait3A_290] : memref<800000x128xf32, #tpu.memory_space<hbm>> -> memref<128x128xf32, #tpu.memory_space<hbm>>
      %dma_wait3A_292 = arith.constant 0 : i32
      %dma_wait3A_293 = tpu.memref_slice %arg4[%mul3A_2, %dma_wait3A_292] : memref<800000x128xf32, #tpu.memory_space<hbm>> -> memref<128x128xf32, #tpu.memory_space<hbm>>
      %dma_wait3A_294 = arith.constant 0 : i32
      %dma_wait3A_295 = arith.constant 0 : i32
      %dma_wait3A_296 = tpu.memref_slice %arg6[%dma_wait3A_282, %dma_wait3A_294, %dma_wait3A_295] : memref<2x128x128xf32, #tpu.memory_space<vmem>> -> memref<1x128x128xf32, #tpu.memory_space<vmem>>
      %dma_wait3A_297 = tpu.memref_squeeze %dma_wait3A_296 : memref<1x128x128xf32, #tpu.memory_space<vmem>> -> memref<128x128xf32, #tpu.memory_space<vmem>>
      %dma_wait3A_298 = arith.constant 0 : i32
      %dma_wait3A_299 = arith.constant 0 : i32
      %dma_wait3A_300 = tpu.memref_slice %dma_wait3A_297[%dma_wait3A_298, %dma_wait3A_299] : memref<128x128xf32, #tpu.memory_space<vmem>> -> memref<128x128xf32, #tpu.memory_space<vmem>>
      tpu.wait_dma2 semaphore(%arg7 : memref<!tpu.dma_semaphore, #tpu.memory_space<semaphore_mem>>) src(%dma_wait3A_300 : memref<128x128xf32, #tpu.memory_space<vmem>>) dst(%dma_wait3A_293 : memref<128x128xf32, #tpu.memory_space<hbm>>)
      %add3A_301 = arith.constant 2 : i32
      %add3A_302 = arith.addi %add3A_281, %add3A_301 : i32
      %lt3A = arith.constant 195 : i32
      %lt3A_303 = arith.cmpi slt, %add3A_302, %lt3A : i32
      %convert_element_type3A = arith.extui %lt3A_303 : i1 to i32
      %cond3A = arith.constant 0 : i32
      %cond3A_304 = arith.cmpi ne, %convert_element_type3A, %cond3A : i32
      scf.if %cond3A_304 {
        %add3A_393 = arith.constant 2 : i32
        %add3A_394 = arith.addi %add3A_281, %add3A_393 : i32
        %mul3A_395 = arith.constant 128 : i32
        %mul3A_396 = arith.muli %add3A_394, %mul3A_395 : i32
        %add3A_397 = arith.addi %mul3A_2, %mul3A_396 : i32
        %dma_start3A_398 = arith.constant 0 : i32
        %dma_start3A_399 = arith.constant 0 : i32
        %dma_start3A_400 = tpu.memref_slice %arg5[%dma_start3A_398, %dma_start3A_399] : memref<2x128xi32, #tpu.memory_space<vmem>> -> memref<1x128xi32, #tpu.memory_space<vmem>>
        %dma_start3A_401 = tpu.memref_squeeze %dma_start3A_400 : memref<1x128xi32, #tpu.memory_space<vmem>> -> memref<128xi32, #tpu.memory_space<vmem>>
        %dma_start3A_402 = arith.constant 0 : i32
        %dma_start3A_403 = tpu.memref_slice %dma_start3A_401[%dma_start3A_402] : memref<128xi32, #tpu.memory_space<vmem>> -> memref<128xi32, #tpu.memory_space<vmem>>
        %dma_start3A_404 = tpu.memref_slice %arg3[%add3A_397] : memref<800000xi32, #tpu.memory_space<hbm>> -> memref<128xi32, #tpu.memory_space<hbm>>
        %dma_start3A_405 = arith.constant 0 : i32
        %dma_start3A_406 = tpu.memref_slice %arg5[%dma_start3A_398, %dma_start3A_405] : memref<2x128xi32, #tpu.memory_space<vmem>> -> memref<1x128xi32, #tpu.memory_space<vmem>>
        %dma_start3A_407 = tpu.memref_squeeze %dma_start3A_406 : memref<1x128xi32, #tpu.memory_space<vmem>> -> memref<128xi32, #tpu.memory_space<vmem>>
        %dma_start3A_408 = arith.constant 0 : i32
        %dma_start3A_409 = tpu.memref_slice %dma_start3A_407[%dma_start3A_408] : memref<128xi32, #tpu.memory_space<vmem>> -> memref<128xi32, #tpu.memory_space<vmem>>
        %dma_start3A_410 = tpu.memref_slice %arg3[%add3A_397] : memref<800000xi32, #tpu.memory_space<hbm>> -> memref<128xi32, #tpu.memory_space<hbm>>
        tpu.enqueue_dma source(%dma_start3A_410 : memref<128xi32, #tpu.memory_space<hbm>>) target(%dma_start3A_409 : memref<128xi32, #tpu.memory_space<vmem>>) target_semaphore(%arg11 : memref<!tpu.dma_semaphore, #tpu.memory_space<semaphore_mem>>)
      } else {
      }
      %mul3A_305 = arith.constant 128 : i32
      %mul3A_306 = arith.muli %add3A_281, %mul3A_305 : i32
      %add3A_307 = arith.addi %mul3A_2, %mul3A_306 : i32
      %dma_start3A_308 = arith.constant 0 : i32
      %dma_start3A_309 = arith.constant 0 : i32
      %dma_start3A_310 = arith.constant 0 : i32
      %dma_start3A_311 = tpu.memref_slice %arg6[%dma_start3A_308, %dma_start3A_309, %dma_start3A_310] : memref<2x128x128xf32, #tpu.memory_space<vmem>> -> memref<1x128x128xf32, #tpu.memory_space<vmem>>
      %dma_start3A_312 = tpu.memref_squeeze %dma_start3A_311 : memref<1x128x128xf32, #tpu.memory_space<vmem>> -> memref<128x128xf32, #tpu.memory_space<vmem>>
      %dma_start3A_313 = arith.constant 0 : i32
      %dma_start3A_314 = arith.constant 0 : i32
      %dma_start3A_315 = tpu.memref_slice %dma_start3A_312[%dma_start3A_313, %dma_start3A_314] : memref<128x128xf32, #tpu.memory_space<vmem>> -> memref<128x128xf32, #tpu.memory_space<vmem>>
      %dma_start3A_316 = arith.constant 0 : i32
      %dma_start3A_317 = tpu.memref_slice %arg4[%add3A_307, %dma_start3A_316] : memref<800000x128xf32, #tpu.memory_space<hbm>> -> memref<128x128xf32, #tpu.memory_space<hbm>>
      %dma_start3A_318 = arith.constant 0 : i32
      %dma_start3A_319 = tpu.memref_slice %arg4[%add3A_307, %dma_start3A_318] : memref<800000x128xf32, #tpu.memory_space<hbm>> -> memref<128x128xf32, #tpu.memory_space<hbm>>
      %dma_start3A_320 = arith.constant 0 : i32
      %dma_start3A_321 = arith.constant 0 : i32
      %dma_start3A_322 = tpu.memref_slice %arg6[%dma_start3A_308, %dma_start3A_320, %dma_start3A_321] : memref<2x128x128xf32, #tpu.memory_space<vmem>> -> memref<1x128x128xf32, #tpu.memory_space<vmem>>
      %dma_start3A_323 = tpu.memref_squeeze %dma_start3A_322 : memref<1x128x128xf32, #tpu.memory_space<vmem>> -> memref<128x128xf32, #tpu.memory_space<vmem>>
      %dma_start3A_324 = arith.constant 0 : i32
      %dma_start3A_325 = arith.constant 0 : i32
      %dma_start3A_326 = tpu.memref_slice %dma_start3A_323[%dma_start3A_324, %dma_start3A_325] : memref<128x128xf32, #tpu.memory_space<vmem>> -> memref<128x128xf32, #tpu.memory_space<vmem>>
      tpu.enqueue_dma source(%dma_start3A_326 : memref<128x128xf32, #tpu.memory_space<vmem>>) target(%dma_start3A_319 : memref<128x128xf32, #tpu.memory_space<hbm>>) target_semaphore(%arg9 : memref<!tpu.dma_semaphore, #tpu.memory_space<semaphore_mem>>)
      %add3A_327 = arith.constant 2 : i32
      %add3A_328 = arith.addi %add3A_281, %add3A_327 : i32
      %lt3A_329 = arith.constant 195 : i32
      %lt3A_330 = arith.cmpi slt, %add3A_328, %lt3A_329 : i32
      %convert_element_type3A_331 = arith.extui %lt3A_330 : i1 to i32
      %cond3A_332 = arith.constant 0 : i32
      %cond3A_333 = arith.cmpi ne, %convert_element_type3A_331, %cond3A_332 : i32
      scf.if %cond3A_333 {
        %dma_wait3A_393 = arith.constant 0 : i32
        %dma_wait3A_394 = arith.constant 0 : i32
        %dma_wait3A_395 = arith.constant 0 : i32
        %dma_wait3A_396 = tpu.memref_slice %arg6[%dma_wait3A_393, %dma_wait3A_394, %dma_wait3A_395] : memref<2x128x128xf32, #tpu.memory_space<vmem>> -> memref<1x128x128xf32, #tpu.memory_space<vmem>>
        %dma_wait3A_397 = tpu.memref_squeeze %dma_wait3A_396 : memref<1x128x128xf32, #tpu.memory_space<vmem>> -> memref<128x128xf32, #tpu.memory_space<vmem>>
        %dma_wait3A_398 = arith.constant 0 : i32
        %dma_wait3A_399 = arith.constant 0 : i32
        %dma_wait3A_400 = tpu.memref_slice %dma_wait3A_397[%dma_wait3A_398, %dma_wait3A_399] : memref<128x128xf32, #tpu.memory_space<vmem>> -> memref<128x128xf32, #tpu.memory_space<vmem>>
        %dma_wait3A_401 = arith.constant 0 : i32
        %dma_wait3A_402 = tpu.memref_slice %arg4[%mul3A_2, %dma_wait3A_401] : memref<800000x128xf32, #tpu.memory_space<hbm>> -> memref<128x128xf32, #tpu.memory_space<hbm>>
        %dma_wait3A_403 = arith.constant 0 : i32
        %dma_wait3A_404 = tpu.memref_slice %arg4[%mul3A_2, %dma_wait3A_403] : memref<800000x128xf32, #tpu.memory_space<hbm>> -> memref<128x128xf32, #tpu.memory_space<hbm>>
        %dma_wait3A_405 = arith.constant 0 : i32
        %dma_wait3A_406 = arith.constant 0 : i32
        %dma_wait3A_407 = tpu.memref_slice %arg6[%dma_wait3A_393, %dma_wait3A_405, %dma_wait3A_406] : memref<2x128x128xf32, #tpu.memory_space<vmem>> -> memref<1x128x128xf32, #tpu.memory_space<vmem>>
        %dma_wait3A_408 = tpu.memref_squeeze %dma_wait3A_407 : memref<1x128x128xf32, #tpu.memory_space<vmem>> -> memref<128x128xf32, #tpu.memory_space<vmem>>
        %dma_wait3A_409 = arith.constant 0 : i32
        %dma_wait3A_410 = arith.constant 0 : i32
        %dma_wait3A_411 = tpu.memref_slice %dma_wait3A_408[%dma_wait3A_409, %dma_wait3A_410] : memref<128x128xf32, #tpu.memory_space<vmem>> -> memref<128x128xf32, #tpu.memory_space<vmem>>
        tpu.wait_dma2 semaphore(%arg9 : memref<!tpu.dma_semaphore, #tpu.memory_space<semaphore_mem>>) src(%dma_wait3A_411 : memref<128x128xf32, #tpu.memory_space<vmem>>) dst(%dma_wait3A_404 : memref<128x128xf32, #tpu.memory_space<hbm>>)
        %dma_wait3A_412 = arith.constant 0 : i32
        %dma_wait3A_413 = arith.constant 0 : i32
        %dma_wait3A_414 = tpu.memref_slice %arg5[%dma_wait3A_412, %dma_wait3A_413] : memref<2x128xi32, #tpu.memory_space<vmem>> -> memref<1x128xi32, #tpu.memory_space<vmem>>
        %dma_wait3A_415 = tpu.memref_squeeze %dma_wait3A_414 : memref<1x128xi32, #tpu.memory_space<vmem>> -> memref<128xi32, #tpu.memory_space<vmem>>
        %dma_wait3A_416 = arith.constant 0 : i32
        %dma_wait3A_417 = tpu.memref_slice %dma_wait3A_415[%dma_wait3A_416] : memref<128xi32, #tpu.memory_space<vmem>> -> memref<128xi32, #tpu.memory_space<vmem>>
        %dma_wait3A_418 = tpu.memref_slice %arg3[%mul3A_2] : memref<800000xi32, #tpu.memory_space<hbm>> -> memref<128xi32, #tpu.memory_space<hbm>>
        %dma_wait3A_419 = arith.constant 0 : i32
        %dma_wait3A_420 = tpu.memref_slice %arg5[%dma_wait3A_412, %dma_wait3A_419] : memref<2x128xi32, #tpu.memory_space<vmem>> -> memref<1x128xi32, #tpu.memory_space<vmem>>
        %dma_wait3A_421 = tpu.memref_squeeze %dma_wait3A_420 : memref<1x128xi32, #tpu.memory_space<vmem>> -> memref<128xi32, #tpu.memory_space<vmem>>
        %dma_wait3A_422 = arith.constant 0 : i32
        %dma_wait3A_423 = tpu.memref_slice %dma_wait3A_421[%dma_wait3A_422] : memref<128xi32, #tpu.memory_space<vmem>> -> memref<128xi32, #tpu.memory_space<vmem>>
        %dma_wait3A_424 = tpu.memref_slice %arg3[%mul3A_2] : memref<800000xi32, #tpu.memory_space<hbm>> -> memref<128xi32, #tpu.memory_space<hbm>>
        tpu.wait_dma2 semaphore(%arg11 : memref<!tpu.dma_semaphore, #tpu.memory_space<semaphore_mem>>) src(%dma_wait3A_424 : memref<128xi32, #tpu.memory_space<hbm>>) dst(%dma_wait3A_423 : memref<128xi32, #tpu.memory_space<vmem>>)
        %dma_start3A_425 = arith.constant 0 : i32
        %dma_start3A_426 = arith.constant 0 : i32
        %dma_start3A_427 = arith.constant 0 : i32
        %dma_start3A_428 = arith.constant 0 : i32
        %dma_start3A_429 = tpu.memref_slice %arg6[%dma_start3A_426, %dma_start3A_427, %dma_start3A_428] : memref<2x128x128xf32, #tpu.memory_space<vmem>> -> memref<1x128x128xf32, #tpu.memory_space<vmem>>
        %dma_start3A_430 = tpu.memref_squeeze %dma_start3A_429 : memref<1x128x128xf32, #tpu.memory_space<vmem>> -> memref<128x128xf32, #tpu.memory_space<vmem>>
        %dma_start3A_431 = arith.constant 0 : i32
        %dma_start3A_432 = arith.constant 0 : i32
        %dma_start3A_433 = tpu.memref_slice %dma_start3A_430[%dma_start3A_431, %dma_start3A_432] : memref<128x128xf32, #tpu.memory_space<vmem>> -> memref<128x128xf32, #tpu.memory_space<vmem>>
        %dma_start3A_434 = arith.constant 0 : i32
        %dma_start3A_435 = tpu.memref_slice %arg5[%dma_start3A_425, %dma_start3A_434] : memref<2x128xi32, #tpu.memory_space<vmem>> -> memref<1x128xi32, #tpu.memory_space<vmem>>
        %dma_start3A_436 = tpu.memref_squeeze %dma_start3A_435 : memref<1x128xi32, #tpu.memory_space<vmem>> -> memref<128xi32, #tpu.memory_space<vmem>>
        %dma_start3A_437 = arith.constant 0 : i32
        %dma_start3A_438 = tpu.memref_slice %dma_start3A_436[%dma_start3A_437] : memref<128xi32, #tpu.memory_space<vmem>> -> memref<128xi32, #tpu.memory_space<vmem>>
        %dma_start3A_439 = arith.constant 0 : i32
        %dma_start3A_440 = arith.constant 0 : i32
        %dma_start3A_441 = tpu.memref_slice %arg2[%dma_start3A_439, %dma_start3A_440] : memref<50000x128xf32, #tpu.memory_space<hbm>> -> memref<50000x128xf32, #tpu.memory_space<hbm>>
        tpu.enqueue_indirect_dma source(%dma_start3A_441 : memref<50000x128xf32, #tpu.memory_space<hbm>>) target(%dma_start3A_433 : memref<128x128xf32, #tpu.memory_space<vmem>>) offsets(%dma_start3A_438 : memref<128xi32, #tpu.memory_space<vmem>>) semaphore(%arg7 : memref<!tpu.dma_semaphore, #tpu.memory_space<semaphore_mem>>)
      } else {
      }
      %mul3A_334 = arith.constant 2 : i32
      %mul3A_335 = arith.muli %scan3A_277, %mul3A_334 : i32
      %add3A_336 = arith.constant 1 : i32
      %add3A_337 = arith.addi %mul3A_335, %add3A_336 : i32
      %dma_wait3A_338 = arith.constant 1 : i32
      %dma_wait3A_339 = arith.constant 0 : i32
      %dma_wait3A_340 = arith.constant 0 : i32
      %dma_wait3A_341 = tpu.memref_slice %arg6[%dma_wait3A_338, %dma_wait3A_339, %dma_wait3A_340] : memref<2x128x128xf32, #tpu.memory_space<vmem>> -> memref<1x128x128xf32, #tpu.memory_space<vmem>>
      %dma_wait3A_342 = tpu.memref_squeeze %dma_wait3A_341 : memref<1x128x128xf32, #tpu.memory_space<vmem>> -> memref<128x128xf32, #tpu.memory_space<vmem>>
      %dma_wait3A_343 = arith.constant 0 : i32
      %dma_wait3A_344 = arith.constant 0 : i32
      %dma_wait3A_345 = tpu.memref_slice %dma_wait3A_342[%dma_wait3A_343, %dma_wait3A_344] : memref<128x128xf32, #tpu.memory_space<vmem>> -> memref<128x128xf32, #tpu.memory_space<vmem>>
      %dma_wait3A_346 = arith.constant 0 : i32
      %dma_wait3A_347 = tpu.memref_slice %arg4[%mul3A_2, %dma_wait3A_346] : memref<800000x128xf32, #tpu.memory_space<hbm>> -> memref<128x128xf32, #tpu.memory_space<hbm>>
      %dma_wait3A_348 = arith.constant 0 : i32
      %dma_wait3A_349 = tpu.memref_slice %arg4[%mul3A_2, %dma_wait3A_348] : memref<800000x128xf32, #tpu.memory_space<hbm>> -> memref<128x128xf32, #tpu.memory_space<hbm>>
      %dma_wait3A_350 = arith.constant 0 : i32
      %dma_wait3A_351 = arith.constant 0 : i32
      %dma_wait3A_352 = tpu.memref_slice %arg6[%dma_wait3A_338, %dma_wait3A_350, %dma_wait3A_351] : memref<2x128x128xf32, #tpu.memory_space<vmem>> -> memref<1x128x128xf32, #tpu.memory_space<vmem>>
      %dma_wait3A_353 = tpu.memref_squeeze %dma_wait3A_352 : memref<1x128x128xf32, #tpu.memory_space<vmem>> -> memref<128x128xf32, #tpu.memory_space<vmem>>
      %dma_wait3A_354 = arith.constant 0 : i32
      %dma_wait3A_355 = arith.constant 0 : i32
      %dma_wait3A_356 = tpu.memref_slice %dma_wait3A_353[%dma_wait3A_354, %dma_wait3A_355] : memref<128x128xf32, #tpu.memory_space<vmem>> -> memref<128x128xf32, #tpu.memory_space<vmem>>
      tpu.wait_dma2 semaphore(%arg8 : memref<!tpu.dma_semaphore, #tpu.memory_space<semaphore_mem>>) src(%dma_wait3A_356 : memref<128x128xf32, #tpu.memory_space<vmem>>) dst(%dma_wait3A_349 : memref<128x128xf32, #tpu.memory_space<hbm>>)
      %add3A_357 = arith.constant 2 : i32
      %add3A_358 = arith.addi %add3A_337, %add3A_357 : i32
      %lt3A_359 = arith.constant 195 : i32
      %lt3A_360 = arith.cmpi slt, %add3A_358, %lt3A_359 : i32
      %convert_element_type3A_361 = arith.extui %lt3A_360 : i1 to i32
      %cond3A_362 = arith.constant 0 : i32
      %cond3A_363 = arith.cmpi ne, %convert_element_type3A_361, %cond3A_362 : i32
      scf.if %cond3A_363 {
        %add3A_393 = arith.constant 2 : i32
        %add3A_394 = arith.addi %add3A_337, %add3A_393 : i32
        %mul3A_395 = arith.constant 128 : i32
        %mul3A_396 = arith.muli %add3A_394, %mul3A_395 : i32
        %add3A_397 = arith.addi %mul3A_2, %mul3A_396 : i32
        %dma_start3A_398 = arith.constant 1 : i32
        %dma_start3A_399 = arith.constant 0 : i32
        %dma_start3A_400 = tpu.memref_slice %arg5[%dma_start3A_398, %dma_start3A_399] : memref<2x128xi32, #tpu.memory_space<vmem>> -> memref<1x128xi32, #tpu.memory_space<vmem>>
        %dma_start3A_401 = tpu.memref_squeeze %dma_start3A_400 : memref<1x128xi32, #tpu.memory_space<vmem>> -> memref<128xi32, #tpu.memory_space<vmem>>
        %dma_start3A_402 = arith.constant 0 : i32
        %dma_start3A_403 = tpu.memref_slice %dma_start3A_401[%dma_start3A_402] : memref<128xi32, #tpu.memory_space<vmem>> -> memref<128xi32, #tpu.memory_space<vmem>>
        %dma_start3A_404 = tpu.memref_slice %arg3[%add3A_397] : memref<800000xi32, #tpu.memory_space<hbm>> -> memref<128xi32, #tpu.memory_space<hbm>>
        %dma_start3A_405 = arith.constant 0 : i32
        %dma_start3A_406 = tpu.memref_slice %arg5[%dma_start3A_398, %dma_start3A_405] : memref<2x128xi32, #tpu.memory_space<vmem>> -> memref<1x128xi32, #tpu.memory_space<vmem>>
        %dma_start3A_407 = tpu.memref_squeeze %dma_start3A_406 : memref<1x128xi32, #tpu.memory_space<vmem>> -> memref<128xi32, #tpu.memory_space<vmem>>
        %dma_start3A_408 = arith.constant 0 : i32
        %dma_start3A_409 = tpu.memref_slice %dma_start3A_407[%dma_start3A_408] : memref<128xi32, #tpu.memory_space<vmem>> -> memref<128xi32, #tpu.memory_space<vmem>>
        %dma_start3A_410 = tpu.memref_slice %arg3[%add3A_397] : memref<800000xi32, #tpu.memory_space<hbm>> -> memref<128xi32, #tpu.memory_space<hbm>>
        tpu.enqueue_dma source(%dma_start3A_410 : memref<128xi32, #tpu.memory_space<hbm>>) target(%dma_start3A_409 : memref<128xi32, #tpu.memory_space<vmem>>) target_semaphore(%arg12 : memref<!tpu.dma_semaphore, #tpu.memory_space<semaphore_mem>>)
      } else {
      }
      %mul3A_364 = arith.constant 128 : i32
      %mul3A_365 = arith.muli %add3A_337, %mul3A_364 : i32
      %add3A_366 = arith.addi %mul3A_2, %mul3A_365 : i32
      %dma_start3A_367 = arith.constant 1 : i32
      %dma_start3A_368 = arith.constant 0 : i32
      %dma_start3A_369 = arith.constant 0 : i32
      %dma_start3A_370 = tpu.memref_slice %arg6[%dma_start3A_367, %dma_start3A_368, %dma_start3A_369] : memref<2x128x128xf32, #tpu.memory_space<vmem>> -> memref<1x128x128xf32, #tpu.memory_space<vmem>>
      %dma_start3A_371 = tpu.memref_squeeze %dma_start3A_370 : memref<1x128x128xf32, #tpu.memory_space<vmem>> -> memref<128x128xf32, #tpu.memory_space<vmem>>
      %dma_start3A_372 = arith.constant 0 : i32
      %dma_start3A_373 = arith.constant 0 : i32
      %dma_start3A_374 = tpu.memref_slice %dma_start3A_371[%dma_start3A_372, %dma_start3A_373] : memref<128x128xf32, #tpu.memory_space<vmem>> -> memref<128x128xf32, #tpu.memory_space<vmem>>
      %dma_start3A_375 = arith.constant 0 : i32
      %dma_start3A_376 = tpu.memref_slice %arg4[%add3A_366, %dma_start3A_375] : memref<800000x128xf32, #tpu.memory_space<hbm>> -> memref<128x128xf32, #tpu.memory_space<hbm>>
      %dma_start3A_377 = arith.constant 0 : i32
      %dma_start3A_378 = tpu.memref_slice %arg4[%add3A_366, %dma_start3A_377] : memref<800000x128xf32, #tpu.memory_space<hbm>> -> memref<128x128xf32, #tpu.memory_space<hbm>>
      %dma_start3A_379 = arith.constant 0 : i32
      %dma_start3A_380 = arith.constant 0 : i32
      %dma_start3A_381 = tpu.memref_slice %arg6[%dma_start3A_367, %dma_start3A_379, %dma_start3A_380] : memref<2x128x128xf32, #tpu.memory_space<vmem>> -> memref<1x128x128xf32, #tpu.memory_space<vmem>>
      %dma_start3A_382 = tpu.memref_squeeze %dma_start3A_381 : memref<1x128x128xf32, #tpu.memory_space<vmem>> -> memref<128x128xf32, #tpu.memory_space<vmem>>
      %dma_start3A_383 = arith.constant 0 : i32
      %dma_start3A_384 = arith.constant 0 : i32
      %dma_start3A_385 = tpu.memref_slice %dma_start3A_382[%dma_start3A_383, %dma_start3A_384] : memref<128x128xf32, #tpu.memory_space<vmem>> -> memref<128x128xf32, #tpu.memory_space<vmem>>
      tpu.enqueue_dma source(%dma_start3A_385 : memref<128x128xf32, #tpu.memory_space<vmem>>) target(%dma_start3A_378 : memref<128x128xf32, #tpu.memory_space<hbm>>) target_semaphore(%arg10 : memref<!tpu.dma_semaphore, #tpu.memory_space<semaphore_mem>>)
      %add3A_386 = arith.constant 2 : i32
      %add3A_387 = arith.addi %add3A_337, %add3A_386 : i32
      %lt3A_388 = arith.constant 195 : i32
      %lt3A_389 = arith.cmpi slt, %add3A_387, %lt3A_388 : i32
      %convert_element_type3A_390 = arith.extui %lt3A_389 : i1 to i32
      %cond3A_391 = arith.constant 0 : i32
      %cond3A_392 = arith.cmpi ne, %convert_element_type3A_390, %cond3A_391 : i32
      scf.if %cond3A_392 {
        %dma_wait3A_393 = arith.constant 1 : i32
        %dma_wait3A_394 = arith.constant 0 : i32
        %dma_wait3A_395 = arith.constant 0 : i32
        %dma_wait3A_396 = tpu.memref_slice %arg6[%dma_wait3A_393, %dma_wait3A_394, %dma_wait3A_395] : memref<2x128x128xf32, #tpu.memory_space<vmem>> -> memref<1x128x128xf32, #tpu.memory_space<vmem>>
        %dma_wait3A_397 = tpu.memref_squeeze %dma_wait3A_396 : memref<1x128x128xf32, #tpu.memory_space<vmem>> -> memref<128x128xf32, #tpu.memory_space<vmem>>
        %dma_wait3A_398 = arith.constant 0 : i32
        %dma_wait3A_399 = arith.constant 0 : i32
        %dma_wait3A_400 = tpu.memref_slice %dma_wait3A_397[%dma_wait3A_398, %dma_wait3A_399] : memref<128x128xf32, #tpu.memory_space<vmem>> -> memref<128x128xf32, #tpu.memory_space<vmem>>
        %dma_wait3A_401 = arith.constant 0 : i32
        %dma_wait3A_402 = tpu.memref_slice %arg4[%mul3A_2, %dma_wait3A_401] : memref<800000x128xf32, #tpu.memory_space<hbm>> -> memref<128x128xf32, #tpu.memory_space<hbm>>
        %dma_wait3A_403 = arith.constant 0 : i32
        %dma_wait3A_404 = tpu.memref_slice %arg4[%mul3A_2, %dma_wait3A_403] : memref<800000x128xf32, #tpu.memory_space<hbm>> -> memref<128x128xf32, #tpu.memory_space<hbm>>
        %dma_wait3A_405 = arith.constant 0 : i32
        %dma_wait3A_406 = arith.constant 0 : i32
        %dma_wait3A_407 = tpu.memref_slice %arg6[%dma_wait3A_393, %dma_wait3A_405, %dma_wait3A_406] : memref<2x128x128xf32, #tpu.memory_space<vmem>> -> memref<1x128x128xf32, #tpu.memory_space<vmem>>
        %dma_wait3A_408 = tpu.memref_squeeze %dma_wait3A_407 : memref<1x128x128xf32, #tpu.memory_space<vmem>> -> memref<128x128xf32, #tpu.memory_space<vmem>>
        %dma_wait3A_409 = arith.constant 0 : i32
        %dma_wait3A_410 = arith.constant 0 : i32
        %dma_wait3A_411 = tpu.memref_slice %dma_wait3A_408[%dma_wait3A_409, %dma_wait3A_410] : memref<128x128xf32, #tpu.memory_space<vmem>> -> memref<128x128xf32, #tpu.memory_space<vmem>>
        tpu.wait_dma2 semaphore(%arg10 : memref<!tpu.dma_semaphore, #tpu.memory_space<semaphore_mem>>) src(%dma_wait3A_411 : memref<128x128xf32, #tpu.memory_space<vmem>>) dst(%dma_wait3A_404 : memref<128x128xf32, #tpu.memory_space<hbm>>)
        %dma_wait3A_412 = arith.constant 1 : i32
        %dma_wait3A_413 = arith.constant 0 : i32
        %dma_wait3A_414 = tpu.memref_slice %arg5[%dma_wait3A_412, %dma_wait3A_413] : memref<2x128xi32, #tpu.memory_space<vmem>> -> memref<1x128xi32, #tpu.memory_space<vmem>>
        %dma_wait3A_415 = tpu.memref_squeeze %dma_wait3A_414 : memref<1x128xi32, #tpu.memory_space<vmem>> -> memref<128xi32, #tpu.memory_space<vmem>>
        %dma_wait3A_416 = arith.constant 0 : i32
        %dma_wait3A_417 = tpu.memref_slice %dma_wait3A_415[%dma_wait3A_416] : memref<128xi32, #tpu.memory_space<vmem>> -> memref<128xi32, #tpu.memory_space<vmem>>
        %dma_wait3A_418 = tpu.memref_slice %arg3[%mul3A_2] : memref<800000xi32, #tpu.memory_space<hbm>> -> memref<128xi32, #tpu.memory_space<hbm>>
        %dma_wait3A_419 = arith.constant 0 : i32
        %dma_wait3A_420 = tpu.memref_slice %arg5[%dma_wait3A_412, %dma_wait3A_419] : memref<2x128xi32, #tpu.memory_space<vmem>> -> memref<1x128xi32, #tpu.memory_space<vmem>>
        %dma_wait3A_421 = tpu.memref_squeeze %dma_wait3A_420 : memref<1x128xi32, #tpu.memory_space<vmem>> -> memref<128xi32, #tpu.memory_space<vmem>>
        %dma_wait3A_422 = arith.constant 0 : i32
        %dma_wait3A_423 = tpu.memref_slice %dma_wait3A_421[%dma_wait3A_422] : memref<128xi32, #tpu.memory_space<vmem>> -> memref<128xi32, #tpu.memory_space<vmem>>
        %dma_wait3A_424 = tpu.memref_slice %arg3[%mul3A_2] : memref<800000xi32, #tpu.memory_space<hbm>> -> memref<128xi32, #tpu.memory_space<hbm>>
        tpu.wait_dma2 semaphore(%arg12 : memref<!tpu.dma_semaphore, #tpu.memory_space<semaphore_mem>>) src(%dma_wait3A_424 : memref<128xi32, #tpu.memory_space<hbm>>) dst(%dma_wait3A_423 : memref<128xi32, #tpu.memory_space<vmem>>)
        %dma_start3A_425 = arith.constant 1 : i32
        %dma_start3A_426 = arith.constant 1 : i32
        %dma_start3A_427 = arith.constant 0 : i32
        %dma_start3A_428 = arith.constant 0 : i32
        %dma_start3A_429 = tpu.memref_slice %arg6[%dma_start3A_426, %dma_start3A_427, %dma_start3A_428] : memref<2x128x128xf32, #tpu.memory_space<vmem>> -> memref<1x128x128xf32, #tpu.memory_space<vmem>>
        %dma_start3A_430 = tpu.memref_squeeze %dma_start3A_429 : memref<1x128x128xf32, #tpu.memory_space<vmem>> -> memref<128x128xf32, #tpu.memory_space<vmem>>
        %dma_start3A_431 = arith.constant 0 : i32
        %dma_start3A_432 = arith.constant 0 : i32
        %dma_start3A_433 = tpu.memref_slice %dma_start3A_430[%dma_start3A_431, %dma_start3A_432] : memref<128x128xf32, #tpu.memory_space<vmem>> -> memref<128x128xf32, #tpu.memory_space<vmem>>
        %dma_start3A_434 = arith.constant 0 : i32
        %dma_start3A_435 = tpu.memref_slice %arg5[%dma_start3A_425, %dma_start3A_434] : memref<2x128xi32, #tpu.memory_space<vmem>> -> memref<1x128xi32, #tpu.memory_space<vmem>>
        %dma_start3A_436 = tpu.memref_squeeze %dma_start3A_435 : memref<1x128xi32, #tpu.memory_space<vmem>> -> memref<128xi32, #tpu.memory_space<vmem>>
        %dma_start3A_437 = arith.constant 0 : i32
        %dma_start3A_438 = tpu.memref_slice %dma_start3A_436[%dma_start3A_437] : memref<128xi32, #tpu.memory_space<vmem>> -> memref<128xi32, #tpu.memory_space<vmem>>
        %dma_start3A_439 = arith.constant 0 : i32
        %dma_start3A_440 = arith.constant 0 : i32
        %dma_start3A_441 = tpu.memref_slice %arg2[%dma_start3A_439, %dma_start3A_440] : memref<50000x128xf32, #tpu.memory_space<hbm>> -> memref<50000x128xf32, #tpu.memory_space<hbm>>
        tpu.enqueue_indirect_dma source(%dma_start3A_441 : memref<50000x128xf32, #tpu.memory_space<hbm>>) target(%dma_start3A_433 : memref<128x128xf32, #tpu.memory_space<vmem>>) offsets(%dma_start3A_438 : memref<128xi32, #tpu.memory_space<vmem>>) semaphore(%arg8 : memref<!tpu.dma_semaphore, #tpu.memory_space<semaphore_mem>>)
      } else {
      }
    }
    %scan3A_94 = arith.constant 97 : i32
    %dma_wait3A_95 = arith.constant 0 : i32
    %dma_wait3A_96 = arith.constant 0 : i32
    %dma_wait3A_97 = arith.constant 0 : i32
    %dma_wait3A_98 = tpu.memref_slice %arg6[%dma_wait3A_95, %dma_wait3A_96, %dma_wait3A_97] : memref<2x128x128xf32, #tpu.memory_space<vmem>> -> memref<1x128x128xf32, #tpu.memory_space<vmem>>
    %dma_wait3A_99 = tpu.memref_squeeze %dma_wait3A_98 : memref<1x128x128xf32, #tpu.memory_space<vmem>> -> memref<128x128xf32, #tpu.memory_space<vmem>>
    %dma_wait3A_100 = arith.constant 0 : i32
    %dma_wait3A_101 = arith.constant 0 : i32
    %dma_wait3A_102 = tpu.memref_slice %dma_wait3A_99[%dma_wait3A_100, %dma_wait3A_101] : memref<128x128xf32, #tpu.memory_space<vmem>> -> memref<128x128xf32, #tpu.memory_space<vmem>>
    %dma_wait3A_103 = arith.constant 0 : i32
    %dma_wait3A_104 = tpu.memref_slice %arg4[%mul3A_2, %dma_wait3A_103] : memref<800000x128xf32, #tpu.memory_space<hbm>> -> memref<128x128xf32, #tpu.memory_space<hbm>>
    %dma_wait3A_105 = arith.constant 0 : i32
    %dma_wait3A_106 = tpu.memref_slice %arg4[%mul3A_2, %dma_wait3A_105] : memref<800000x128xf32, #tpu.memory_space<hbm>> -> memref<128x128xf32, #tpu.memory_space<hbm>>
    %dma_wait3A_107 = arith.constant 0 : i32
    %dma_wait3A_108 = arith.constant 0 : i32
    %dma_wait3A_109 = tpu.memref_slice %arg6[%dma_wait3A_95, %dma_wait3A_107, %dma_wait3A_108] : memref<2x128x128xf32, #tpu.memory_space<vmem>> -> memref<1x128x128xf32, #tpu.memory_space<vmem>>
    %dma_wait3A_110 = tpu.memref_squeeze %dma_wait3A_109 : memref<1x128x128xf32, #tpu.memory_space<vmem>> -> memref<128x128xf32, #tpu.memory_space<vmem>>
    %dma_wait3A_111 = arith.constant 0 : i32
    %dma_wait3A_112 = arith.constant 0 : i32
    %dma_wait3A_113 = tpu.memref_slice %dma_wait3A_110[%dma_wait3A_111, %dma_wait3A_112] : memref<128x128xf32, #tpu.memory_space<vmem>> -> memref<128x128xf32, #tpu.memory_space<vmem>>
    tpu.wait_dma2 semaphore(%arg7 : memref<!tpu.dma_semaphore, #tpu.memory_space<semaphore_mem>>) src(%dma_wait3A_113 : memref<128x128xf32, #tpu.memory_space<vmem>>) dst(%dma_wait3A_106 : memref<128x128xf32, #tpu.memory_space<hbm>>)
    %add3A_114 = arith.constant 24832 : i32
    %add3A_115 = arith.addi %mul3A_2, %add3A_114 : i32
    %dma_start3A_116 = arith.constant 0 : i32
    %dma_start3A_117 = arith.constant 0 : i32
    %dma_start3A_118 = arith.constant 0 : i32
    %dma_start3A_119 = tpu.memref_slice %arg6[%dma_start3A_116, %dma_start3A_117, %dma_start3A_118] : memref<2x128x128xf32, #tpu.memory_space<vmem>> -> memref<1x128x128xf32, #tpu.memory_space<vmem>>
    %dma_start3A_120 = tpu.memref_squeeze %dma_start3A_119 : memref<1x128x128xf32, #tpu.memory_space<vmem>> -> memref<128x128xf32, #tpu.memory_space<vmem>>
    %dma_start3A_121 = arith.constant 0 : i32
    %dma_start3A_122 = arith.constant 0 : i32
    %dma_start3A_123 = tpu.memref_slice %dma_start3A_120[%dma_start3A_121, %dma_start3A_122] : memref<128x128xf32, #tpu.memory_space<vmem>> -> memref<128x128xf32, #tpu.memory_space<vmem>>
    %dma_start3A_124 = arith.constant 0 : i32
    %dma_start3A_125 = tpu.memref_slice %arg4[%add3A_115, %dma_start3A_124] : memref<800000x128xf32, #tpu.memory_space<hbm>> -> memref<128x128xf32, #tpu.memory_space<hbm>>
    %dma_start3A_126 = arith.constant 0 : i32
    %dma_start3A_127 = tpu.memref_slice %arg4[%add3A_115, %dma_start3A_126] : memref<800000x128xf32, #tpu.memory_space<hbm>> -> memref<128x128xf32, #tpu.memory_space<hbm>>
    %dma_start3A_128 = arith.constant 0 : i32
    %dma_start3A_129 = arith.constant 0 : i32
    %dma_start3A_130 = tpu.memref_slice %arg6[%dma_start3A_116, %dma_start3A_128, %dma_start3A_129] : memref<2x128x128xf32, #tpu.memory_space<vmem>> -> memref<1x128x128xf32, #tpu.memory_space<vmem>>
    %dma_start3A_131 = tpu.memref_squeeze %dma_start3A_130 : memref<1x128x128xf32, #tpu.memory_space<vmem>> -> memref<128x128xf32, #tpu.memory_space<vmem>>
    %dma_start3A_132 = arith.constant 0 : i32
    %dma_start3A_133 = arith.constant 0 : i32
    %dma_start3A_134 = tpu.memref_slice %dma_start3A_131[%dma_start3A_132, %dma_start3A_133] : memref<128x128xf32, #tpu.memory_space<vmem>> -> memref<128x128xf32, #tpu.memory_space<vmem>>
    tpu.enqueue_dma source(%dma_start3A_134 : memref<128x128xf32, #tpu.memory_space<vmem>>) target(%dma_start3A_127 : memref<128x128xf32, #tpu.memory_space<hbm>>) target_semaphore(%arg9 : memref<!tpu.dma_semaphore, #tpu.memory_space<semaphore_mem>>)
    %dma_wait3A_135 = arith.constant 1 : i32
    %dma_wait3A_136 = arith.constant 0 : i32
    %dma_wait3A_137 = arith.constant 0 : i32
    %dma_wait3A_138 = tpu.memref_slice %arg6[%dma_wait3A_135, %dma_wait3A_136, %dma_wait3A_137] : memref<2x128x128xf32, #tpu.memory_space<vmem>> -> memref<1x128x128xf32, #tpu.memory_space<vmem>>
    %dma_wait3A_139 = tpu.memref_squeeze %dma_wait3A_138 : memref<1x128x128xf32, #tpu.memory_space<vmem>> -> memref<128x128xf32, #tpu.memory_space<vmem>>
    %dma_wait3A_140 = arith.constant 0 : i32
    %dma_wait3A_141 = arith.constant 0 : i32
    %dma_wait3A_142 = tpu.memref_slice %dma_wait3A_139[%dma_wait3A_140, %dma_wait3A_141] : memref<128x128xf32, #tpu.memory_space<vmem>> -> memref<128x128xf32, #tpu.memory_space<vmem>>
    %dma_wait3A_143 = arith.constant 0 : i32
    %dma_wait3A_144 = tpu.memref_slice %arg4[%mul3A_2, %dma_wait3A_143] : memref<800000x128xf32, #tpu.memory_space<hbm>> -> memref<128x128xf32, #tpu.memory_space<hbm>>
    %dma_wait3A_145 = arith.constant 0 : i32
    %dma_wait3A_146 = tpu.memref_slice %arg4[%mul3A_2, %dma_wait3A_145] : memref<800000x128xf32, #tpu.memory_space<hbm>> -> memref<128x128xf32, #tpu.memory_space<hbm>>
    %dma_wait3A_147 = arith.constant 0 : i32
    %dma_wait3A_148 = arith.constant 0 : i32
    %dma_wait3A_149 = tpu.memref_slice %arg6[%dma_wait3A_135, %dma_wait3A_147, %dma_wait3A_148] : memref<2x128x128xf32, #tpu.memory_space<vmem>> -> memref<1x128x128xf32, #tpu.memory_space<vmem>>
    %dma_wait3A_150 = tpu.memref_squeeze %dma_wait3A_149 : memref<1x128x128xf32, #tpu.memory_space<vmem>> -> memref<128x128xf32, #tpu.memory_space<vmem>>
    %dma_wait3A_151 = arith.constant 0 : i32
    %dma_wait3A_152 = arith.constant 0 : i32
    %dma_wait3A_153 = tpu.memref_slice %dma_wait3A_150[%dma_wait3A_151, %dma_wait3A_152] : memref<128x128xf32, #tpu.memory_space<vmem>> -> memref<128x128xf32, #tpu.memory_space<vmem>>
    tpu.wait_dma2 semaphore(%arg10 : memref<!tpu.dma_semaphore, #tpu.memory_space<semaphore_mem>>) src(%dma_wait3A_153 : memref<128x128xf32, #tpu.memory_space<vmem>>) dst(%dma_wait3A_146 : memref<128x128xf32, #tpu.memory_space<hbm>>)
    %add3A_154 = arith.constant 24960 : i32
    %add3A_155 = arith.addi %mul3A_2, %add3A_154 : i32
    %dma_start3A_156 = arith.constant 1 : i32
    %dma_start3A_157 = arith.constant 0 : i32
    %dma_start3A_158 = tpu.memref_slice %arg5[%dma_start3A_156, %dma_start3A_157] : memref<2x128xi32, #tpu.memory_space<vmem>> -> memref<1x128xi32, #tpu.memory_space<vmem>>
    %dma_start3A_159 = tpu.memref_squeeze %dma_start3A_158 : memref<1x128xi32, #tpu.memory_space<vmem>> -> memref<128xi32, #tpu.memory_space<vmem>>
    %dma_start3A_160 = arith.constant 0 : i32
    %dma_start3A_161 = tpu.memref_slice %dma_start3A_159[%dma_start3A_160] : memref<128xi32, #tpu.memory_space<vmem>> -> memref<40xi32, #tpu.memory_space<vmem>>
    %dma_start3A_162 = tpu.memref_slice %arg3[%add3A_155] : memref<800000xi32, #tpu.memory_space<hbm>> -> memref<40xi32, #tpu.memory_space<hbm>>
    %dma_start3A_163 = arith.constant 0 : i32
    %dma_start3A_164 = tpu.memref_slice %arg5[%dma_start3A_156, %dma_start3A_163] : memref<2x128xi32, #tpu.memory_space<vmem>> -> memref<1x128xi32, #tpu.memory_space<vmem>>
    %dma_start3A_165 = tpu.memref_squeeze %dma_start3A_164 : memref<1x128xi32, #tpu.memory_space<vmem>> -> memref<128xi32, #tpu.memory_space<vmem>>
    %dma_start3A_166 = arith.constant 0 : i32
    %dma_start3A_167 = tpu.memref_slice %dma_start3A_165[%dma_start3A_166] : memref<128xi32, #tpu.memory_space<vmem>> -> memref<40xi32, #tpu.memory_space<vmem>>
    %dma_start3A_168 = tpu.memref_slice %arg3[%add3A_155] : memref<800000xi32, #tpu.memory_space<hbm>> -> memref<40xi32, #tpu.memory_space<hbm>>
    tpu.enqueue_dma source(%dma_start3A_168 : memref<40xi32, #tpu.memory_space<hbm>>) target(%dma_start3A_167 : memref<40xi32, #tpu.memory_space<vmem>>) target_semaphore(%arg12 : memref<!tpu.dma_semaphore, #tpu.memory_space<semaphore_mem>>)
    %dma_wait3A_169 = arith.constant 1 : i32
    %dma_wait3A_170 = arith.constant 0 : i32
    %dma_wait3A_171 = tpu.memref_slice %arg5[%dma_wait3A_169, %dma_wait3A_170] : memref<2x128xi32, #tpu.memory_space<vmem>> -> memref<1x128xi32, #tpu.memory_space<vmem>>
    %dma_wait3A_172 = tpu.memref_squeeze %dma_wait3A_171 : memref<1x128xi32, #tpu.memory_space<vmem>> -> memref<128xi32, #tpu.memory_space<vmem>>
    %dma_wait3A_173 = arith.constant 0 : i32
    %dma_wait3A_174 = tpu.memref_slice %dma_wait3A_172[%dma_wait3A_173] : memref<128xi32, #tpu.memory_space<vmem>> -> memref<40xi32, #tpu.memory_space<vmem>>
    %dma_wait3A_175 = tpu.memref_slice %arg3[%mul3A_2] : memref<800000xi32, #tpu.memory_space<hbm>> -> memref<40xi32, #tpu.memory_space<hbm>>
    %dma_wait3A_176 = arith.constant 0 : i32
    %dma_wait3A_177 = tpu.memref_slice %arg5[%dma_wait3A_169, %dma_wait3A_176] : memref<2x128xi32, #tpu.memory_space<vmem>> -> memref<1x128xi32, #tpu.memory_space<vmem>>
    %dma_wait3A_178 = tpu.memref_squeeze %dma_wait3A_177 : memref<1x128xi32, #tpu.memory_space<vmem>> -> memref<128xi32, #tpu.memory_space<vmem>>
    %dma_wait3A_179 = arith.constant 0 : i32
    %dma_wait3A_180 = tpu.memref_slice %dma_wait3A_178[%dma_wait3A_179] : memref<128xi32, #tpu.memory_space<vmem>> -> memref<40xi32, #tpu.memory_space<vmem>>
    %dma_wait3A_181 = tpu.memref_slice %arg3[%mul3A_2] : memref<800000xi32, #tpu.memory_space<hbm>> -> memref<40xi32, #tpu.memory_space<hbm>>
    tpu.wait_dma2 semaphore(%arg12 : memref<!tpu.dma_semaphore, #tpu.memory_space<semaphore_mem>>) src(%dma_wait3A_181 : memref<40xi32, #tpu.memory_space<hbm>>) dst(%dma_wait3A_180 : memref<40xi32, #tpu.memory_space<vmem>>)
    %dma_start3A_182 = arith.constant 1 : i32
    %dma_start3A_183 = arith.constant 1 : i32
    %dma_start3A_184 = arith.constant 0 : i32
    %dma_start3A_185 = arith.constant 0 : i32
    %dma_start3A_186 = tpu.memref_slice %arg6[%dma_start3A_183, %dma_start3A_184, %dma_start3A_185] : memref<2x128x128xf32, #tpu.memory_space<vmem>> -> memref<1x128x128xf32, #tpu.memory_space<vmem>>
    %dma_start3A_187 = tpu.memref_squeeze %dma_start3A_186 : memref<1x128x128xf32, #tpu.memory_space<vmem>> -> memref<128x128xf32, #tpu.memory_space<vmem>>
    %dma_start3A_188 = arith.constant 0 : i32
    %dma_start3A_189 = arith.constant 0 : i32
    %dma_start3A_190 = tpu.memref_slice %dma_start3A_187[%dma_start3A_188, %dma_start3A_189] : memref<128x128xf32, #tpu.memory_space<vmem>> -> memref<40x128xf32, #tpu.memory_space<vmem>>
    %dma_start3A_191 = arith.constant 0 : i32
    %dma_start3A_192 = tpu.memref_slice %arg5[%dma_start3A_182, %dma_start3A_191] : memref<2x128xi32, #tpu.memory_space<vmem>> -> memref<1x128xi32, #tpu.memory_space<vmem>>
    %dma_start3A_193 = tpu.memref_squeeze %dma_start3A_192 : memref<1x128xi32, #tpu.memory_space<vmem>> -> memref<128xi32, #tpu.memory_space<vmem>>
    %dma_start3A_194 = arith.constant 0 : i32
    %dma_start3A_195 = tpu.memref_slice %dma_start3A_193[%dma_start3A_194] : memref<128xi32, #tpu.memory_space<vmem>> -> memref<40xi32, #tpu.memory_space<vmem>>
    %dma_start3A_196 = arith.constant 0 : i32
    %dma_start3A_197 = arith.constant 0 : i32
    %dma_start3A_198 = tpu.memref_slice %arg2[%dma_start3A_196, %dma_start3A_197] : memref<50000x128xf32, #tpu.memory_space<hbm>> -> memref<50000x128xf32, #tpu.memory_space<hbm>>
    tpu.enqueue_indirect_dma source(%dma_start3A_198 : memref<50000x128xf32, #tpu.memory_space<hbm>>) target(%dma_start3A_190 : memref<40x128xf32, #tpu.memory_space<vmem>>) offsets(%dma_start3A_195 : memref<40xi32, #tpu.memory_space<vmem>>) semaphore(%arg8 : memref<!tpu.dma_semaphore, #tpu.memory_space<semaphore_mem>>)
    %dma_wait3A_199 = arith.constant 1 : i32
    %dma_wait3A_200 = arith.constant 0 : i32
    %dma_wait3A_201 = arith.constant 0 : i32
    %dma_wait3A_202 = tpu.memref_slice %arg6[%dma_wait3A_199, %dma_wait3A_200, %dma_wait3A_201] : memref<2x128x128xf32, #tpu.memory_space<vmem>> -> memref<1x128x128xf32, #tpu.memory_space<vmem>>
    %dma_wait3A_203 = tpu.memref_squeeze %dma_wait3A_202 : memref<1x128x128xf32, #tpu.memory_space<vmem>> -> memref<128x128xf32, #tpu.memory_space<vmem>>
    %dma_wait3A_204 = arith.constant 0 : i32
    %dma_wait3A_205 = arith.constant 0 : i32
    %dma_wait3A_206 = tpu.memref_slice %dma_wait3A_203[%dma_wait3A_204, %dma_wait3A_205] : memref<128x128xf32, #tpu.memory_space<vmem>> -> memref<40x128xf32, #tpu.memory_space<vmem>>
    %dma_wait3A_207 = arith.constant 0 : i32
    %dma_wait3A_208 = tpu.memref_slice %arg4[%mul3A_2, %dma_wait3A_207] : memref<800000x128xf32, #tpu.memory_space<hbm>> -> memref<40x128xf32, #tpu.memory_space<hbm>>
    %dma_wait3A_209 = arith.constant 0 : i32
    %dma_wait3A_210 = tpu.memref_slice %arg4[%mul3A_2, %dma_wait3A_209] : memref<800000x128xf32, #tpu.memory_space<hbm>> -> memref<40x128xf32, #tpu.memory_space<hbm>>
    %dma_wait3A_211 = arith.constant 0 : i32
    %dma_wait3A_212 = arith.constant 0 : i32
    %dma_wait3A_213 = tpu.memref_slice %arg6[%dma_wait3A_199, %dma_wait3A_211, %dma_wait3A_212] : memref<2x128x128xf32, #tpu.memory_space<vmem>> -> memref<1x128x128xf32, #tpu.memory_space<vmem>>
    %dma_wait3A_214 = tpu.memref_squeeze %dma_wait3A_213 : memref<1x128x128xf32, #tpu.memory_space<vmem>> -> memref<128x128xf32, #tpu.memory_space<vmem>>
    %dma_wait3A_215 = arith.constant 0 : i32
    %dma_wait3A_216 = arith.constant 0 : i32
    %dma_wait3A_217 = tpu.memref_slice %dma_wait3A_214[%dma_wait3A_215, %dma_wait3A_216] : memref<128x128xf32, #tpu.memory_space<vmem>> -> memref<40x128xf32, #tpu.memory_space<vmem>>
    tpu.wait_dma2 semaphore(%arg8 : memref<!tpu.dma_semaphore, #tpu.memory_space<semaphore_mem>>) src(%dma_wait3A_217 : memref<40x128xf32, #tpu.memory_space<vmem>>) dst(%dma_wait3A_210 : memref<40x128xf32, #tpu.memory_space<hbm>>)
    %add3A_218 = arith.constant 24960 : i32
    %add3A_219 = arith.addi %mul3A_2, %add3A_218 : i32
    %dma_start3A_220 = arith.constant 1 : i32
    %dma_start3A_221 = arith.constant 0 : i32
    %dma_start3A_222 = arith.constant 0 : i32
    %dma_start3A_223 = tpu.memref_slice %arg6[%dma_start3A_220, %dma_start3A_221, %dma_start3A_222] : memref<2x128x128xf32, #tpu.memory_space<vmem>> -> memref<1x128x128xf32, #tpu.memory_space<vmem>>
    %dma_start3A_224 = tpu.memref_squeeze %dma_start3A_223 : memref<1x128x128xf32, #tpu.memory_space<vmem>> -> memref<128x128xf32, #tpu.memory_space<vmem>>
    %dma_start3A_225 = arith.constant 0 : i32
    %dma_start3A_226 = arith.constant 0 : i32
    %dma_start3A_227 = tpu.memref_slice %dma_start3A_224[%dma_start3A_225, %dma_start3A_226] : memref<128x128xf32, #tpu.memory_space<vmem>> -> memref<40x128xf32, #tpu.memory_space<vmem>>
    %dma_start3A_228 = arith.constant 0 : i32
    %dma_start3A_229 = tpu.memref_slice %arg4[%add3A_219, %dma_start3A_228] : memref<800000x128xf32, #tpu.memory_space<hbm>> -> memref<40x128xf32, #tpu.memory_space<hbm>>
    %dma_start3A_230 = arith.constant 0 : i32
    %dma_start3A_231 = tpu.memref_slice %arg4[%add3A_219, %dma_start3A_230] : memref<800000x128xf32, #tpu.memory_space<hbm>> -> memref<40x128xf32, #tpu.memory_space<hbm>>
    %dma_start3A_232 = arith.constant 0 : i32
    %dma_start3A_233 = arith.constant 0 : i32
    %dma_start3A_234 = tpu.memref_slice %arg6[%dma_start3A_220, %dma_start3A_232, %dma_start3A_233] : memref<2x128x128xf32, #tpu.memory_space<vmem>> -> memref<1x128x128xf32, #tpu.memory_space<vmem>>
    %dma_start3A_235 = tpu.memref_squeeze %dma_start3A_234 : memref<1x128x128xf32, #tpu.memory_space<vmem>> -> memref<128x128xf32, #tpu.memory_space<vmem>>
    %dma_start3A_236 = arith.constant 0 : i32
    %dma_start3A_237 = arith.constant 0 : i32
    %dma_start3A_238 = tpu.memref_slice %dma_start3A_235[%dma_start3A_236, %dma_start3A_237] : memref<128x128xf32, #tpu.memory_space<vmem>> -> memref<40x128xf32, #tpu.memory_space<vmem>>
    tpu.enqueue_dma source(%dma_start3A_238 : memref<40x128xf32, #tpu.memory_space<vmem>>) target(%dma_start3A_231 : memref<40x128xf32, #tpu.memory_space<hbm>>) target_semaphore(%arg10 : memref<!tpu.dma_semaphore, #tpu.memory_space<semaphore_mem>>)
    %dma_wait3A_239 = arith.constant 1 : i32
    %dma_wait3A_240 = arith.constant 0 : i32
    %dma_wait3A_241 = arith.constant 0 : i32
    %dma_wait3A_242 = tpu.memref_slice %arg6[%dma_wait3A_239, %dma_wait3A_240, %dma_wait3A_241] : memref<2x128x128xf32, #tpu.memory_space<vmem>> -> memref<1x128x128xf32, #tpu.memory_space<vmem>>
    %dma_wait3A_243 = tpu.memref_squeeze %dma_wait3A_242 : memref<1x128x128xf32, #tpu.memory_space<vmem>> -> memref<128x128xf32, #tpu.memory_space<vmem>>
    %dma_wait3A_244 = arith.constant 0 : i32
    %dma_wait3A_245 = arith.constant 0 : i32
    %dma_wait3A_246 = tpu.memref_slice %dma_wait3A_243[%dma_wait3A_244, %dma_wait3A_245] : memref<128x128xf32, #tpu.memory_space<vmem>> -> memref<40x128xf32, #tpu.memory_space<vmem>>
    %dma_wait3A_247 = arith.constant 0 : i32
    %dma_wait3A_248 = tpu.memref_slice %arg4[%mul3A_2, %dma_wait3A_247] : memref<800000x128xf32, #tpu.memory_space<hbm>> -> memref<40x128xf32, #tpu.memory_space<hbm>>
    %dma_wait3A_249 = arith.constant 0 : i32
    %dma_wait3A_250 = tpu.memref_slice %arg4[%mul3A_2, %dma_wait3A_249] : memref<800000x128xf32, #tpu.memory_space<hbm>> -> memref<40x128xf32, #tpu.memory_space<hbm>>
    %dma_wait3A_251 = arith.constant 0 : i32
    %dma_wait3A_252 = arith.constant 0 : i32
    %dma_wait3A_253 = tpu.memref_slice %arg6[%dma_wait3A_239, %dma_wait3A_251, %dma_wait3A_252] : memref<2x128x128xf32, #tpu.memory_space<vmem>> -> memref<1x128x128xf32, #tpu.memory_space<vmem>>
    %dma_wait3A_254 = tpu.memref_squeeze %dma_wait3A_253 : memref<1x128x128xf32, #tpu.memory_space<vmem>> -> memref<128x128xf32, #tpu.memory_space<vmem>>
    %dma_wait3A_255 = arith.constant 0 : i32
    %dma_wait3A_256 = arith.constant 0 : i32
    %dma_wait3A_257 = tpu.memref_slice %dma_wait3A_254[%dma_wait3A_255, %dma_wait3A_256] : memref<128x128xf32, #tpu.memory_space<vmem>> -> memref<40x128xf32, #tpu.memory_space<vmem>>
    tpu.wait_dma2 semaphore(%arg10 : memref<!tpu.dma_semaphore, #tpu.memory_space<semaphore_mem>>) src(%dma_wait3A_257 : memref<40x128xf32, #tpu.memory_space<vmem>>) dst(%dma_wait3A_250 : memref<40x128xf32, #tpu.memory_space<hbm>>)
    %dma_wait3A_258 = arith.constant 0 : i32
    %dma_wait3A_259 = arith.constant 0 : i32
    %dma_wait3A_260 = arith.constant 0 : i32
    %dma_wait3A_261 = tpu.memref_slice %arg6[%dma_wait3A_258, %dma_wait3A_259, %dma_wait3A_260] : memref<2x128x128xf32, #tpu.memory_space<vmem>> -> memref<1x128x128xf32, #tpu.memory_space<vmem>>
    %dma_wait3A_262 = tpu.memref_squeeze %dma_wait3A_261 : memref<1x128x128xf32, #tpu.memory_space<vmem>> -> memref<128x128xf32, #tpu.memory_space<vmem>>
    %dma_wait3A_263 = arith.constant 0 : i32
    %dma_wait3A_264 = arith.constant 0 : i32
    %dma_wait3A_265 = tpu.memref_slice %dma_wait3A_262[%dma_wait3A_263, %dma_wait3A_264] : memref<128x128xf32, #tpu.memory_space<vmem>> -> memref<128x128xf32, #tpu.memory_space<vmem>>
    %dma_wait3A_266 = arith.constant 0 : i32
    %dma_wait3A_267 = tpu.memref_slice %arg4[%mul3A_2, %dma_wait3A_266] : memref<800000x128xf32, #tpu.memory_space<hbm>> -> memref<128x128xf32, #tpu.memory_space<hbm>>
    %dma_wait3A_268 = arith.constant 0 : i32
    %dma_wait3A_269 = tpu.memref_slice %arg4[%mul3A_2, %dma_wait3A_268] : memref<800000x128xf32, #tpu.memory_space<hbm>> -> memref<128x128xf32, #tpu.memory_space<hbm>>
    %dma_wait3A_270 = arith.constant 0 : i32
    %dma_wait3A_271 = arith.constant 0 : i32
    %dma_wait3A_272 = tpu.memref_slice %arg6[%dma_wait3A_258, %dma_wait3A_270, %dma_wait3A_271] : memref<2x128x128xf32, #tpu.memory_space<vmem>> -> memref<1x128x128xf32, #tpu.memory_space<vmem>>
    %dma_wait3A_273 = tpu.memref_squeeze %dma_wait3A_272 : memref<1x128x128xf32, #tpu.memory_space<vmem>> -> memref<128x128xf32, #tpu.memory_space<vmem>>
    %dma_wait3A_274 = arith.constant 0 : i32
    %dma_wait3A_275 = arith.constant 0 : i32
    %dma_wait3A_276 = tpu.memref_slice %dma_wait3A_273[%dma_wait3A_274, %dma_wait3A_275] : memref<128x128xf32, #tpu.memory_space<vmem>> -> memref<128x128xf32, #tpu.memory_space<vmem>>
    tpu.wait_dma2 semaphore(%arg9 : memref<!tpu.dma_semaphore, #tpu.memory_space<semaphore_mem>>) src(%dma_wait3A_276 : memref<128x128xf32, #tpu.memory_space<vmem>>) dst(%dma_wait3A_269 : memref<128x128xf32, #tpu.memory_space<hbm>>)
    return
  }
}

module attributes {stable_mosaic.version = 14 : i64} {
  func.func @_embed_body(%arg0: i32, %arg1: memref<2000x92xf32, #tpu.memory_space<vmem>>, %arg2: memref<1x92xf32, #tpu.memory_space<vmem>>, %arg3: memref<92x64xf32, #tpu.memory_space<vmem>>, %arg4: memref<1x64xf32, #tpu.memory_space<vmem>>, %arg5: memref<2000x92xf32, #tpu.memory_space<vmem>>, %arg6: memref<2000x64xf32, #tpu.memory_space<vmem>>) attributes {dimension_semantics = [#tpu.dimension_semantics<arbitrary>], iteration_bounds = array<i64: 25>, scalar_prefetch = 0 : i64, scratch_operands = 0 : i64, tpu.core_type = #tpu.core_type<tc>, window_params = [{transform_indices = @transform_0, window_bounds = array<i64: 2000, 92>}, {pipeline_mode = #tpu.pipeline_mode<synchronous>, transform_indices = @transform_1, window_bounds = array<i64: 1, 92>}, {pipeline_mode = #tpu.pipeline_mode<synchronous>, transform_indices = @transform_2, window_bounds = array<i64: 92, 64>}, {pipeline_mode = #tpu.pipeline_mode<synchronous>, transform_indices = @transform_3, window_bounds = array<i64: 1, 64>}, {transform_indices = @transform_4, window_bounds = array<i64: 2000, 92>}, {transform_indices = @transform_5, window_bounds = array<i64: 2000, 64>}]} {
    %get3A = arith.constant 0 : index
    %get3A_0 = arith.constant 0 : index
    %get3A_1 = vector.load %arg1[%get3A, %get3A_0] : memref<2000x92xf32, #tpu.memory_space<vmem>>, vector<2000x92xf32>
    %get3A_2 = arith.constant 0 : index
    %get3A_3 = arith.constant 0 : index
    %get3A_4 = vector.load %arg2[%get3A_2, %get3A_3] : memref<1x92xf32, #tpu.memory_space<vmem>>, vector<1x92xf32>
    %mul3A = vector.broadcast %get3A_4 : vector<1x92xf32> to vector<2000x92xf32>
    %mul3A_5 = arith.mulf %get3A_1, %mul3A : vector<2000x92xf32>
    %swap3A = arith.constant 0 : index
    %swap3A_6 = arith.constant 0 : index
    %swap3A_7 = vector.load %arg5[%swap3A, %swap3A_6] : memref<2000x92xf32, #tpu.memory_space<vmem>>, vector<2000x92xf32>
    tpu.vector_store %arg5[%swap3A, %swap3A_6], %mul3A_5 {strides = array<i32>} : memref<2000x92xf32, #tpu.memory_space<vmem>>, vector<2000x92xf32>,
    %get3A_8 = arith.constant 0 : index
    %get3A_9 = arith.constant 0 : index
    %get3A_10 = vector.load %arg3[%get3A_8, %get3A_9] : memref<92x64xf32, #tpu.memory_space<vmem>>, vector<92x64xf32>
    %dot_general3A = arith.constant dense<0.000000e+00> : vector<2000x64xf32>
    %dot_general3A_11 = tpu.matmul %mul3A_5, %get3A_10, %dot_general3A {dimension_numbers = #tpu.dot_dimension_numbers<[1], [0], [0], [1], [0, 0, 1, 1], [], []>, precision = #tpu.contract_precision<fp32>, transpose_lhs_hint = false} : vector<2000x92xf32>, vector<92x64xf32>, vector<2000x64xf32> -> vector<2000x64xf32>
    %get3A_12 = arith.constant 0 : index
    %get3A_13 = arith.constant 0 : index
    %get3A_14 = vector.load %arg4[%get3A_12, %get3A_13] : memref<1x64xf32, #tpu.memory_space<vmem>>, vector<1x64xf32>
    %add3A = vector.broadcast %get3A_14 : vector<1x64xf32> to vector<2000x64xf32>
    %add3A_15 = arith.addf %dot_general3A_11, %add3A : vector<2000x64xf32>
    %swap3A_16 = arith.constant 0 : index
    %swap3A_17 = arith.constant 0 : index
    %swap3A_18 = vector.load %arg6[%swap3A_16, %swap3A_17] : memref<2000x64xf32, #tpu.memory_space<vmem>>, vector<2000x64xf32>
    tpu.vector_store %arg6[%swap3A_16, %swap3A_17], %add3A_15 {strides = array<i32>} : memref<2000x64xf32, #tpu.memory_space<vmem>>, vector<2000x64xf32>,
    return
  }
  func.func @transform_0(%arg0: i32) -> (i32, i32) {
    %c0_i32 = arith.constant 0 : i32
    %c0_i32_0 = arith.constant 0 : i32
    return %arg0, %c0_i32 : i32, i32
  }
  func.func @transform_1(%arg0: i32) -> (i32, i32) {
    %c0_i32 = arith.constant 0 : i32
    %c0_i32_0 = arith.constant 0 : i32
    %c0_i32_1 = arith.constant 0 : i32
    return %c0_i32, %c0_i32_0 : i32, i32
  }
  func.func @transform_2(%arg0: i32) -> (i32, i32) {
    %c0_i32 = arith.constant 0 : i32
    %c0_i32_0 = arith.constant 0 : i32
    %c0_i32_1 = arith.constant 0 : i32
    return %c0_i32, %c0_i32_0 : i32, i32
  }
  func.func @transform_3(%arg0: i32) -> (i32, i32) {
    %c0_i32 = arith.constant 0 : i32
    %c0_i32_0 = arith.constant 0 : i32
    %c0_i32_1 = arith.constant 0 : i32
    return %c0_i32, %c0_i32_0 : i32, i32
  }
  func.func @transform_4(%arg0: i32) -> (i32, i32) {
    %c0_i32 = arith.constant 0 : i32
    %c0_i32_0 = arith.constant 0 : i32
    return %arg0, %c0_i32 : i32, i32
  }
  func.func @transform_5(%arg0: i32) -> (i32, i32) {
    %c0_i32 = arith.constant 0 : i32
    %c0_i32_0 = arith.constant 0 : i32
    return %arg0, %c0_i32 : i32, i32
  }
}

module attributes {stable_mosaic.version = 14 : i64} {
  func.func @_dense_body(%arg0: i32, %arg1: memref<2000x64xf32, #tpu.memory_space<vmem>>, %arg2: memref<64x128xf32, #tpu.memory_space<vmem>>, %arg3: memref<64x128xf32, #tpu.memory_space<vmem>>, %arg4: memref<1x128xf32, #tpu.memory_space<vmem>>, %arg5: memref<2000x128xf32, #tpu.memory_space<vmem>>, %arg6: memref<2000x128xf32, #tpu.memory_space<vmem>>) attributes {dimension_semantics = [#tpu.dimension_semantics<arbitrary>], iteration_bounds = array<i64: 25>, scalar_prefetch = 0 : i64, scratch_operands = 0 : i64, tpu.core_type = #tpu.core_type<tc>, window_params = [{transform_indices = @transform_0, window_bounds = array<i64: 2000, 64>}, {pipeline_mode = #tpu.pipeline_mode<synchronous>, transform_indices = @transform_1, window_bounds = array<i64: 64, 128>}, {pipeline_mode = #tpu.pipeline_mode<synchronous>, transform_indices = @transform_2, window_bounds = array<i64: 64, 128>}, {pipeline_mode = #tpu.pipeline_mode<synchronous>, transform_indices = @transform_3, window_bounds = array<i64: 1, 128>}, {transform_indices = @transform_4, window_bounds = array<i64: 2000, 128>}, {transform_indices = @transform_5, window_bounds = array<i64: 2000, 128>}]} {
    %get3A = arith.constant 0 : index
    %get3A_0 = arith.constant 0 : index
    %get3A_1 = vector.load %arg1[%get3A, %get3A_0] : memref<2000x64xf32, #tpu.memory_space<vmem>>, vector<2000x64xf32>
    %get3A_2 = arith.constant 0 : index
    %get3A_3 = arith.constant 0 : index
    %get3A_4 = vector.load %arg2[%get3A_2, %get3A_3] : memref<64x128xf32, #tpu.memory_space<vmem>>, vector<64x128xf32>
    %dot_general3A = arith.constant dense<0.000000e+00> : vector<2000x128xf32>
    %dot_general3A_5 = tpu.matmul %get3A_1, %get3A_4, %dot_general3A {dimension_numbers = #tpu.dot_dimension_numbers<[1], [0], [0], [1], [0, 0, 1, 1], [], []>, precision = #tpu.contract_precision<fp32>, transpose_lhs_hint = false} : vector<2000x64xf32>, vector<64x128xf32>, vector<2000x128xf32> -> vector<2000x128xf32>
    %get3A_6 = arith.constant 0 : index
    %get3A_7 = arith.constant 0 : index
    %get3A_8 = vector.load %arg4[%get3A_6, %get3A_7] : memref<1x128xf32, #tpu.memory_space<vmem>>, vector<1x128xf32>
    %add3A = vector.broadcast %get3A_8 : vector<1x128xf32> to vector<2000x128xf32>
    %add3A_9 = arith.addf %dot_general3A_5, %add3A : vector<2000x128xf32>
    %swap3A = arith.constant 0 : index
    %swap3A_10 = arith.constant 0 : index
    %swap3A_11 = vector.load %arg5[%swap3A, %swap3A_10] : memref<2000x128xf32, #tpu.memory_space<vmem>>, vector<2000x128xf32>
    tpu.vector_store %arg5[%swap3A, %swap3A_10], %add3A_9 {strides = array<i32>} : memref<2000x128xf32, #tpu.memory_space<vmem>>, vector<2000x128xf32>,
    %get3A_12 = arith.constant 0 : index
    %get3A_13 = arith.constant 0 : index
    %get3A_14 = vector.load %arg3[%get3A_12, %get3A_13] : memref<64x128xf32, #tpu.memory_space<vmem>>, vector<64x128xf32>
    %dot_general3A_15 = arith.constant dense<0.000000e+00> : vector<2000x128xf32>
    %dot_general3A_16 = tpu.matmul %get3A_1, %get3A_14, %dot_general3A_15 {dimension_numbers = #tpu.dot_dimension_numbers<[1], [0], [0], [1], [0, 0, 1, 1], [], []>, precision = #tpu.contract_precision<fp32>, transpose_lhs_hint = false} : vector<2000x64xf32>, vector<64x128xf32>, vector<2000x128xf32> -> vector<2000x128xf32>
    %swap3A_17 = arith.constant 0 : index
    %swap3A_18 = arith.constant 0 : index
    %swap3A_19 = vector.load %arg6[%swap3A_17, %swap3A_18] : memref<2000x128xf32, #tpu.memory_space<vmem>>, vector<2000x128xf32>
    tpu.vector_store %arg6[%swap3A_17, %swap3A_18], %dot_general3A_16 {strides = array<i32>} : memref<2000x128xf32, #tpu.memory_space<vmem>>, vector<2000x128xf32>,
    return
  }
  func.func @transform_0(%arg0: i32) -> (i32, i32) {
    %c0_i32 = arith.constant 0 : i32
    %c0_i32_0 = arith.constant 0 : i32
    return %arg0, %c0_i32 : i32, i32
  }
  func.func @transform_1(%arg0: i32) -> (i32, i32) {
    %c0_i32 = arith.constant 0 : i32
    %c0_i32_0 = arith.constant 0 : i32
    %c0_i32_1 = arith.constant 0 : i32
    return %c0_i32, %c0_i32_0 : i32, i32
  }
  func.func @transform_2(%arg0: i32) -> (i32, i32) {
    %c0_i32 = arith.constant 0 : i32
    %c0_i32_0 = arith.constant 0 : i32
    %c0_i32_1 = arith.constant 0 : i32
    return %c0_i32, %c0_i32_0 : i32, i32
  }
  func.func @transform_3(%arg0: i32) -> (i32, i32) {
    %c0_i32 = arith.constant 0 : i32
    %c0_i32_0 = arith.constant 0 : i32
    %c0_i32_1 = arith.constant 0 : i32
    return %c0_i32, %c0_i32_0 : i32, i32
  }
  func.func @transform_4(%arg0: i32) -> (i32, i32) {
    %c0_i32 = arith.constant 0 : i32
    %c0_i32_0 = arith.constant 0 : i32
    return %arg0, %c0_i32 : i32, i32
  }
  func.func @transform_5(%arg0: i32) -> (i32, i32) {
    %c0_i32 = arith.constant 0 : i32
    %c0_i32_0 = arith.constant 0 : i32
    return %arg0, %c0_i32 : i32, i32
  }
}

module attributes {stable_mosaic.version = 14 : i64} {
  func.func @_stats_body(%arg0: i32, %arg1: memref<6400x128xf32, #tpu.memory_space<vmem>>, %arg2: memref<6400x16xf32, #tpu.memory_space<vmem>>, %arg3: memref<400x128xf32, #tpu.memory_space<vmem>>, %arg4: memref<16x128xf32, #tpu.memory_space<vmem>>, %arg5: memref<1x128xf32, #tpu.memory_space<vmem>>, %arg6: memref<1x128xf32, #tpu.memory_space<vmem>>) attributes {dimension_semantics = [#tpu.dimension_semantics<arbitrary>], iteration_bounds = array<i64: 125>, scalar_prefetch = 0 : i64, scratch_operands = 0 : i64, tpu.core_type = #tpu.core_type<tc>, window_params = [{transform_indices = @transform_0, window_bounds = array<i64: 6400, 128>}, {transform_indices = @transform_1, window_bounds = array<i64: 6400, 16>}, {transform_indices = @transform_2, window_bounds = array<i64: 400, 128>}, {pipeline_mode = #tpu.pipeline_mode<synchronous>, transform_indices = @transform_3, window_bounds = array<i64: 16, 128>}, {pipeline_mode = #tpu.pipeline_mode<synchronous>, transform_indices = @transform_4, window_bounds = array<i64: 1, 128>}, {pipeline_mode = #tpu.pipeline_mode<synchronous>, transform_indices = @transform_5, window_bounds = array<i64: 1, 128>}]} {
    %get3A = arith.constant 0 : index
    %get3A_0 = arith.constant 0 : index
    %get3A_1 = vector.load %arg2[%get3A, %get3A_0] : memref<6400x16xf32, #tpu.memory_space<vmem>>, vector<6400x16xf32>
    %get3A_2 = arith.constant 0 : index
    %get3A_3 = arith.constant 0 : index
    %get3A_4 = vector.load %arg4[%get3A_2, %get3A_3] : memref<16x128xf32, #tpu.memory_space<vmem>>, vector<16x128xf32>
    %dot_general3A = arith.constant dense<0.000000e+00> : vector<6400x128xf32>
    %dot_general3A_5 = tpu.matmul %get3A_1, %get3A_4, %dot_general3A {dimension_numbers = #tpu.dot_dimension_numbers<[1], [0], [0], [1], [0, 0, 1, 1], [], []>, precision = #tpu.contract_precision<fp32>, transpose_lhs_hint = false} : vector<6400x16xf32>, vector<16x128xf32>, vector<6400x128xf32> -> vector<6400x128xf32>
    %get3A_6 = arith.constant 0 : index
    %get3A_7 = arith.constant 0 : index
    %get3A_8 = vector.load %arg1[%get3A_6, %get3A_7] : memref<6400x128xf32, #tpu.memory_space<vmem>>, vector<6400x128xf32>
    %add3A = arith.addf %get3A_8, %dot_general3A_5 : vector<6400x128xf32>
    %reshape3A = vector.shape_cast %add3A : vector<6400x128xf32> to vector<400x16x128xf32>
    %get3A_9 = arith.constant 0 : index
    %get3A_10 = arith.constant 0 : index
    %get3A_11 = vector.load %arg3[%get3A_9, %get3A_10] : memref<400x128xf32, #tpu.memory_space<vmem>>, vector<400x128xf32>
    %broadcast_in_dim3A = vector.shape_cast %get3A_11 : vector<400x128xf32> to vector<400x1x128xf32>
    %add3A_12 = vector.broadcast %broadcast_in_dim3A : vector<400x1x128xf32> to vector<400x16x128xf32>
    %add3A_13 = arith.addf %reshape3A, %add3A_12 : vector<400x16x128xf32>
    %eq3A = arith.constant 0 : i32
    %eq3A_14 = arith.cmpi eq, %arg0, %eq3A : i32
    %convert_element_type3A = arith.extui %eq3A_14 : i1 to i32
    %cond3A = arith.constant 0 : i32
    %cond3A_15 = arith.cmpi ne, %convert_element_type3A, %cond3A : i32
    scf.if %cond3A_15 {
      %broadcast_in_dim3A_34 = arith.constant 0.000000e+00 : f32
      %broadcast_in_dim3A_35 = vector.broadcast %broadcast_in_dim3A_34 : f32 to vector<1x128xf32>
      %swap3A_36 = arith.constant 0 : index
      %swap3A_37 = arith.constant 0 : index
      %swap3A_38 = vector.load %arg5[%swap3A_36, %swap3A_37] : memref<1x128xf32, #tpu.memory_space<vmem>>, vector<1x128xf32>
      tpu.vector_store %arg5[%swap3A_36, %swap3A_37], %broadcast_in_dim3A_35 {strides = array<i32>} : memref<1x128xf32, #tpu.memory_space<vmem>>, vector<1x128xf32>,
      %broadcast_in_dim3A_39 = arith.constant 0.000000e+00 : f32
      %broadcast_in_dim3A_40 = vector.broadcast %broadcast_in_dim3A_39 : f32 to vector<1x128xf32>
      %swap3A_41 = arith.constant 0 : index
      %swap3A_42 = arith.constant 0 : index
      %swap3A_43 = vector.load %arg6[%swap3A_41, %swap3A_42] : memref<1x128xf32, #tpu.memory_space<vmem>>, vector<1x128xf32>
      tpu.vector_store %arg6[%swap3A_41, %swap3A_42], %broadcast_in_dim3A_40 {strides = array<i32>} : memref<1x128xf32, #tpu.memory_space<vmem>>, vector<1x128xf32>,
    } else {
    }
    %get3A_16 = arith.constant 0 : index
    %get3A_17 = arith.constant 0 : index
    %get3A_18 = vector.load %arg5[%get3A_16, %get3A_17] : memref<1x128xf32, #tpu.memory_space<vmem>>, vector<1x128xf32>
    %reduce_sum3A = arith.constant dense<0.000000e+00> : vector<128xf32>
    %reduce_sum3A_19 = vector.multi_reduction <add>, %add3A_13, %reduce_sum3A [0, 1] : vector<400x16x128xf32> to vector<128xf32>
    %broadcast_in_dim3A_20 = vector.shape_cast %reduce_sum3A_19 : vector<128xf32> to vector<1x128xf32>
    %add3A_21 = arith.addf %get3A_18, %broadcast_in_dim3A_20 : vector<1x128xf32>
    %swap3A = arith.constant 0 : index
    %swap3A_22 = arith.constant 0 : index
    %swap3A_23 = vector.load %arg5[%swap3A, %swap3A_22] : memref<1x128xf32, #tpu.memory_space<vmem>>, vector<1x128xf32>
    tpu.vector_store %arg5[%swap3A, %swap3A_22], %add3A_21 {strides = array<i32>} : memref<1x128xf32, #tpu.memory_space<vmem>>, vector<1x128xf32>,
    %get3A_24 = arith.constant 0 : index
    %get3A_25 = arith.constant 0 : index
    %get3A_26 = vector.load %arg6[%get3A_24, %get3A_25] : memref<1x128xf32, #tpu.memory_space<vmem>>, vector<1x128xf32>
    %mul3A = arith.mulf %add3A_13, %add3A_13 : vector<400x16x128xf32>
    %reduce_sum3A_27 = arith.constant dense<0.000000e+00> : vector<128xf32>
    %reduce_sum3A_28 = vector.multi_reduction <add>, %mul3A, %reduce_sum3A_27 [0, 1] : vector<400x16x128xf32> to vector<128xf32>
    %broadcast_in_dim3A_29 = vector.shape_cast %reduce_sum3A_28 : vector<128xf32> to vector<1x128xf32>
    %add3A_30 = arith.addf %get3A_26, %broadcast_in_dim3A_29 : vector<1x128xf32>
    %swap3A_31 = arith.constant 0 : index
    %swap3A_32 = arith.constant 0 : index
    %swap3A_33 = vector.load %arg6[%swap3A_31, %swap3A_32] : memref<1x128xf32, #tpu.memory_space<vmem>>, vector<1x128xf32>
    tpu.vector_store %arg6[%swap3A_31, %swap3A_32], %add3A_30 {strides = array<i32>} : memref<1x128xf32, #tpu.memory_space<vmem>>, vector<1x128xf32>,
    return
  }
  func.func @transform_0(%arg0: i32) -> (i32, i32) {
    %c0_i32 = arith.constant 0 : i32
    %c0_i32_0 = arith.constant 0 : i32
    return %arg0, %c0_i32 : i32, i32
  }
  func.func @transform_1(%arg0: i32) -> (i32, i32) {
    %c0_i32 = arith.constant 0 : i32
    %c0_i32_0 = arith.constant 0 : i32
    return %arg0, %c0_i32 : i32, i32
  }
  func.func @transform_2(%arg0: i32) -> (i32, i32) {
    %c0_i32 = arith.constant 0 : i32
    %c0_i32_0 = arith.constant 0 : i32
    return %arg0, %c0_i32 : i32, i32
  }
  func.func @transform_3(%arg0: i32) -> (i32, i32) {
    %c0_i32 = arith.constant 0 : i32
    %c0_i32_0 = arith.constant 0 : i32
    %c0_i32_1 = arith.constant 0 : i32
    return %c0_i32, %c0_i32_0 : i32, i32
  }
  func.func @transform_4(%arg0: i32) -> (i32, i32) {
    %c0_i32 = arith.constant 0 : i32
    %c0_i32_0 = arith.constant 0 : i32
    %c0_i32_1 = arith.constant 0 : i32
    return %c0_i32, %c0_i32_0 : i32, i32
  }
  func.func @transform_5(%arg0: i32) -> (i32, i32) {
    %c0_i32 = arith.constant 0 : i32
    %c0_i32_0 = arith.constant 0 : i32
    %c0_i32_1 = arith.constant 0 : i32
    return %c0_i32, %c0_i32_0 : i32, i32
  }
}

module attributes {stable_mosaic.version = 14 : i64} {
  func.func @_gate_body(%arg0: i32, %arg1: memref<6400x128xf32, #tpu.memory_space<vmem>>, %arg2: memref<6400x16xf32, #tpu.memory_space<vmem>>, %arg3: memref<400x128xf32, #tpu.memory_space<vmem>>, %arg4: memref<16x128xf32, #tpu.memory_space<vmem>>, %arg5: memref<1x128xf32, #tpu.memory_space<vmem>>, %arg6: memref<1x128xf32, #tpu.memory_space<vmem>>, %arg7: memref<400x64xf32, #tpu.memory_space<vmem>>, %arg8: memref<1x64xf32, #tpu.memory_space<vmem>>, %arg9: memref<1x64xf32, #tpu.memory_space<vmem>>) attributes {dimension_semantics = [#tpu.dimension_semantics<arbitrary>], iteration_bounds = array<i64: 125>, scalar_prefetch = 0 : i64, scratch_operands = 0 : i64, tpu.core_type = #tpu.core_type<tc>, window_params = [{transform_indices = @transform_0, window_bounds = array<i64: 6400, 128>}, {transform_indices = @transform_1, window_bounds = array<i64: 6400, 16>}, {transform_indices = @transform_2, window_bounds = array<i64: 400, 128>}, {pipeline_mode = #tpu.pipeline_mode<synchronous>, transform_indices = @transform_3, window_bounds = array<i64: 16, 128>}, {pipeline_mode = #tpu.pipeline_mode<synchronous>, transform_indices = @transform_4, window_bounds = array<i64: 1, 128>}, {pipeline_mode = #tpu.pipeline_mode<synchronous>, transform_indices = @transform_5, window_bounds = array<i64: 1, 128>}, {transform_indices = @transform_6, window_bounds = array<i64: 400, 64>}, {pipeline_mode = #tpu.pipeline_mode<synchronous>, transform_indices = @transform_7, window_bounds = array<i64: 1, 64>}, {pipeline_mode = #tpu.pipeline_mode<synchronous>, transform_indices = @transform_8, window_bounds = array<i64: 1, 64>}]} {
    %get3A = arith.constant 0 : index
    %get3A_0 = arith.constant 0 : index
    %get3A_1 = vector.load %arg2[%get3A, %get3A_0] : memref<6400x16xf32, #tpu.memory_space<vmem>>, vector<6400x16xf32>
    %get3A_2 = arith.constant 0 : index
    %get3A_3 = arith.constant 0 : index
    %get3A_4 = vector.load %arg4[%get3A_2, %get3A_3] : memref<16x128xf32, #tpu.memory_space<vmem>>, vector<16x128xf32>
    %dot_general3A = arith.constant dense<0.000000e+00> : vector<6400x128xf32>
    %dot_general3A_5 = tpu.matmul %get3A_1, %get3A_4, %dot_general3A {dimension_numbers = #tpu.dot_dimension_numbers<[1], [0], [0], [1], [0, 0, 1, 1], [], []>, precision = #tpu.contract_precision<fp32>, transpose_lhs_hint = false} : vector<6400x16xf32>, vector<16x128xf32>, vector<6400x128xf32> -> vector<6400x128xf32>
    %get3A_6 = arith.constant 0 : index
    %get3A_7 = arith.constant 0 : index
    %get3A_8 = vector.load %arg1[%get3A_6, %get3A_7] : memref<6400x128xf32, #tpu.memory_space<vmem>>, vector<6400x128xf32>
    %add3A = arith.addf %get3A_8, %dot_general3A_5 : vector<6400x128xf32>
    %reshape3A = vector.shape_cast %add3A : vector<6400x128xf32> to vector<400x16x128xf32>
    %get3A_9 = arith.constant 0 : index
    %get3A_10 = arith.constant 0 : index
    %get3A_11 = vector.load %arg3[%get3A_9, %get3A_10] : memref<400x128xf32, #tpu.memory_space<vmem>>, vector<400x128xf32>
    %broadcast_in_dim3A = vector.shape_cast %get3A_11 : vector<400x128xf32> to vector<400x1x128xf32>
    %add3A_12 = vector.broadcast %broadcast_in_dim3A : vector<400x1x128xf32> to vector<400x16x128xf32>
    %add3A_13 = arith.addf %reshape3A, %add3A_12 : vector<400x16x128xf32>
    %get3A_14 = arith.constant 0 : index
    %get3A_15 = arith.constant 0 : index
    %get3A_16 = vector.load %arg5[%get3A_14, %get3A_15] : memref<1x128xf32, #tpu.memory_space<vmem>>, vector<1x128xf32>
    %broadcast_in_dim3A_17 = vector.shape_cast %get3A_16 : vector<1x128xf32> to vector<1x1x128xf32>
    %mul3A = vector.broadcast %broadcast_in_dim3A_17 : vector<1x1x128xf32> to vector<400x16x128xf32>
    %mul3A_18 = arith.mulf %add3A_13, %mul3A : vector<400x16x128xf32>
    %get3A_19 = arith.constant 0 : index
    %get3A_20 = arith.constant 0 : index
    %get3A_21 = vector.load %arg6[%get3A_19, %get3A_20] : memref<1x128xf32, #tpu.memory_space<vmem>>, vector<1x128xf32>
    %broadcast_in_dim3A_22 = vector.shape_cast %get3A_21 : vector<1x128xf32> to vector<1x1x128xf32>
    %add3A_23 = vector.broadcast %broadcast_in_dim3A_22 : vector<1x1x128xf32> to vector<400x16x128xf32>
    %add3A_24 = arith.addf %mul3A_18, %add3A_23 : vector<400x16x128xf32>
    %slice3A = vector.extract_strided_slice %add3A_24 {offsets = [0, 0, 0], sizes = [400, 16, 64], strides = [1, 1, 1]} : vector<400x16x128xf32> to vector<400x16x64xf32>
    %logistic3A = arith.negf %slice3A : vector<400x16x64xf32>
    %logistic3A_25 = math.exp %logistic3A : vector<400x16x64xf32>
    %logistic3A_26 = arith.constant 1.000000e+00 : f32
    %logistic3A_27 = vector.broadcast %logistic3A_26 : f32 to vector<400x16x64xf32>
    %logistic3A_28 = arith.addf %logistic3A_27, %logistic3A_25 : vector<400x16x64xf32>
    %logistic3A_29 = arith.divf %logistic3A_27, %logistic3A_28 : vector<400x16x64xf32>
    %slice3A_30 = vector.extract_strided_slice %add3A_24 {offsets = [0, 0, 64], sizes = [400, 16, 64], strides = [1, 1, 1]} : vector<400x16x128xf32> to vector<400x16x64xf32>
    %custom_jvp_call3A = arith.constant 0.000000e+00 : f32
    %max3A = vector.broadcast %custom_jvp_call3A : f32 to vector<400x16x64xf32>
    %max3A_31 = arith.maximumf %slice3A_30, %max3A : vector<400x16x64xf32>
    %sub3A = vector.broadcast %custom_jvp_call3A : f32 to vector<400x16x64xf32>
    %sub3A_32 = arith.subf %slice3A_30, %sub3A : vector<400x16x64xf32>
    %ne3A = arith.cmpf one, %sub3A_32, %sub3A_32 : vector<400x16x64xf32>
    %add3A_33 = vector.broadcast %custom_jvp_call3A : f32 to vector<400x16x64xf32>
    %add3A_34 = arith.addf %slice3A_30, %add3A_33 : vector<400x16x64xf32>
    %abs3A = math.absf %sub3A_32 : vector<400x16x64xf32>
    %neg3A = arith.constant 0.000000e+00 : f32
    %neg3A_35 = vector.broadcast %neg3A : f32 to vector<400x16x64xf32>
    %neg3A_36 = arith.subf %neg3A_35, %abs3A : vector<400x16x64xf32>
    %exp3A = math.exp %neg3A_36 : vector<400x16x64xf32>
    %log1p3A = math.log1p %exp3A : vector<400x16x64xf32>
    %add3A_37 = arith.addf %max3A_31, %log1p3A : vector<400x16x64xf32>
    %select_n3A = arith.select %ne3A, %add3A_34, %add3A_37 : vector<400x16x64xi1>, vector<400x16x64xf32>
    %mul3A_38 = arith.mulf %logistic3A_29, %select_n3A : vector<400x16x64xf32>
    %reduce_sum3A = arith.constant dense<0.000000e+00> : vector<400x64xf32>
    %reduce_sum3A_39 = vector.multi_reduction <add>, %mul3A_38, %reduce_sum3A [1] : vector<400x16x64xf32> to vector<400x64xf32>
    %swap3A = arith.constant 0 : index
    %swap3A_40 = arith.constant 0 : index
    %swap3A_41 = vector.load %arg7[%swap3A, %swap3A_40] : memref<400x64xf32, #tpu.memory_space<vmem>>, vector<400x64xf32>
    tpu.vector_store %arg7[%swap3A, %swap3A_40], %reduce_sum3A_39 {strides = array<i32>} : memref<400x64xf32, #tpu.memory_space<vmem>>, vector<400x64xf32>,
    %eq3A = arith.constant 0 : i32
    %eq3A_42 = arith.cmpi eq, %arg0, %eq3A : i32
    %convert_element_type3A = arith.extui %eq3A_42 : i1 to i32
    %cond3A = arith.constant 0 : i32
    %cond3A_43 = arith.cmpi ne, %convert_element_type3A, %cond3A : i32
    scf.if %cond3A_43 {
      %broadcast_in_dim3A_65 = arith.constant 0.000000e+00 : f32
      %broadcast_in_dim3A_66 = vector.broadcast %broadcast_in_dim3A_65 : f32 to vector<1x64xf32>
      %swap3A_67 = arith.constant 0 : index
      %swap3A_68 = arith.constant 0 : index
      %swap3A_69 = vector.load %arg8[%swap3A_67, %swap3A_68] : memref<1x64xf32, #tpu.memory_space<vmem>>, vector<1x64xf32>
      tpu.vector_store %arg8[%swap3A_67, %swap3A_68], %broadcast_in_dim3A_66 {strides = array<i32>} : memref<1x64xf32, #tpu.memory_space<vmem>>, vector<1x64xf32>,
      %broadcast_in_dim3A_70 = arith.constant 0.000000e+00 : f32
      %broadcast_in_dim3A_71 = vector.broadcast %broadcast_in_dim3A_70 : f32 to vector<1x64xf32>
      %swap3A_72 = arith.constant 0 : index
      %swap3A_73 = arith.constant 0 : index
      %swap3A_74 = vector.load %arg9[%swap3A_72, %swap3A_73] : memref<1x64xf32, #tpu.memory_space<vmem>>, vector<1x64xf32>
      tpu.vector_store %arg9[%swap3A_72, %swap3A_73], %broadcast_in_dim3A_71 {strides = array<i32>} : memref<1x64xf32, #tpu.memory_space<vmem>>, vector<1x64xf32>,
    } else {
    }
    %get3A_44 = arith.constant 0 : index
    %get3A_45 = arith.constant 0 : index
    %get3A_46 = vector.load %arg8[%get3A_44, %get3A_45] : memref<1x64xf32, #tpu.memory_space<vmem>>, vector<1x64xf32>
    %reduce_sum3A_47 = arith.constant dense<0.000000e+00> : vector<64xf32>
    %reduce_sum3A_48 = vector.multi_reduction <add>, %reduce_sum3A_39, %reduce_sum3A_47 [0] : vector<400x64xf32> to vector<64xf32>
    %broadcast_in_dim3A_49 = vector.shape_cast %reduce_sum3A_48 : vector<64xf32> to vector<1x64xf32>
    %add3A_50 = arith.addf %get3A_46, %broadcast_in_dim3A_49 : vector<1x64xf32>
    %swap3A_51 = arith.constant 0 : index
    %swap3A_52 = arith.constant 0 : index
    %swap3A_53 = vector.load %arg8[%swap3A_51, %swap3A_52] : memref<1x64xf32, #tpu.memory_space<vmem>>, vector<1x64xf32>
    tpu.vector_store %arg8[%swap3A_51, %swap3A_52], %add3A_50 {strides = array<i32>} : memref<1x64xf32, #tpu.memory_space<vmem>>, vector<1x64xf32>,
    %get3A_54 = arith.constant 0 : index
    %get3A_55 = arith.constant 0 : index
    %get3A_56 = vector.load %arg9[%get3A_54, %get3A_55] : memref<1x64xf32, #tpu.memory_space<vmem>>, vector<1x64xf32>
    %mul3A_57 = arith.mulf %reduce_sum3A_39, %reduce_sum3A_39 : vector<400x64xf32>
    %reduce_sum3A_58 = arith.constant dense<0.000000e+00> : vector<64xf32>
    %reduce_sum3A_59 = vector.multi_reduction <add>, %mul3A_57, %reduce_sum3A_58 [0] : vector<400x64xf32> to vector<64xf32>
    %broadcast_in_dim3A_60 = vector.shape_cast %reduce_sum3A_59 : vector<64xf32> to vector<1x64xf32>
    %add3A_61 = arith.addf %get3A_56, %broadcast_in_dim3A_60 : vector<1x64xf32>
    %swap3A_62 = arith.constant 0 : index
    %swap3A_63 = arith.constant 0 : index
    %swap3A_64 = vector.load %arg9[%swap3A_62, %swap3A_63] : memref<1x64xf32, #tpu.memory_space<vmem>>, vector<1x64xf32>
    tpu.vector_store %arg9[%swap3A_62, %swap3A_63], %add3A_61 {strides = array<i32>} : memref<1x64xf32, #tpu.memory_space<vmem>>, vector<1x64xf32>,
    return
  }
  func.func @transform_0(%arg0: i32) -> (i32, i32) {
    %c0_i32 = arith.constant 0 : i32
    %c0_i32_0 = arith.constant 0 : i32
    return %arg0, %c0_i32 : i32, i32
  }
  func.func @transform_1(%arg0: i32) -> (i32, i32) {
    %c0_i32 = arith.constant 0 : i32
    %c0_i32_0 = arith.constant 0 : i32
    return %arg0, %c0_i32 : i32, i32
  }
  func.func @transform_2(%arg0: i32) -> (i32, i32) {
    %c0_i32 = arith.constant 0 : i32
    %c0_i32_0 = arith.constant 0 : i32
    return %arg0, %c0_i32 : i32, i32
  }
  func.func @transform_3(%arg0: i32) -> (i32, i32) {
    %c0_i32 = arith.constant 0 : i32
    %c0_i32_0 = arith.constant 0 : i32
    %c0_i32_1 = arith.constant 0 : i32
    return %c0_i32, %c0_i32_0 : i32, i32
  }
  func.func @transform_4(%arg0: i32) -> (i32, i32) {
    %c0_i32 = arith.constant 0 : i32
    %c0_i32_0 = arith.constant 0 : i32
    %c0_i32_1 = arith.constant 0 : i32
    return %c0_i32, %c0_i32_0 : i32, i32
  }
  func.func @transform_5(%arg0: i32) -> (i32, i32) {
    %c0_i32 = arith.constant 0 : i32
    %c0_i32_0 = arith.constant 0 : i32
    %c0_i32_1 = arith.constant 0 : i32
    return %c0_i32, %c0_i32_0 : i32, i32
  }
  func.func @transform_6(%arg0: i32) -> (i32, i32) {
    %c0_i32 = arith.constant 0 : i32
    %c0_i32_0 = arith.constant 0 : i32
    return %arg0, %c0_i32 : i32, i32
  }
  func.func @transform_7(%arg0: i32) -> (i32, i32) {
    %c0_i32 = arith.constant 0 : i32
    %c0_i32_0 = arith.constant 0 : i32
    %c0_i32_1 = arith.constant 0 : i32
    return %c0_i32, %c0_i32_0 : i32, i32
  }
  func.func @transform_8(%arg0: i32) -> (i32, i32) {
    %c0_i32 = arith.constant 0 : i32
    %c0_i32_0 = arith.constant 0 : i32
    %c0_i32_1 = arith.constant 0 : i32
    return %c0_i32, %c0_i32_0 : i32, i32
  }
}

module attributes {stable_mosaic.version = 14 : i64} {
  func.func @_update_body(%arg0: i32, %arg1: memref<2000x64xf32, #tpu.memory_space<vmem>>, %arg2: memref<2000x64xf32, #tpu.memory_space<vmem>>, %arg3: memref<1x64xf32, #tpu.memory_space<vmem>>, %arg4: memref<1x64xf32, #tpu.memory_space<vmem>>, %arg5: memref<2000x64xf32, #tpu.memory_space<vmem>>) attributes {dimension_semantics = [#tpu.dimension_semantics<arbitrary>], iteration_bounds = array<i64: 25>, scalar_prefetch = 0 : i64, scratch_operands = 0 : i64, tpu.core_type = #tpu.core_type<tc>, window_params = [{transform_indices = @transform_0, window_bounds = array<i64: 2000, 64>}, {transform_indices = @transform_1, window_bounds = array<i64: 2000, 64>}, {pipeline_mode = #tpu.pipeline_mode<synchronous>, transform_indices = @transform_2, window_bounds = array<i64: 1, 64>}, {pipeline_mode = #tpu.pipeline_mode<synchronous>, transform_indices = @transform_3, window_bounds = array<i64: 1, 64>}, {transform_indices = @transform_4, window_bounds = array<i64: 2000, 64>}]} {
    %get3A = arith.constant 0 : index
    %get3A_0 = arith.constant 0 : index
    %get3A_1 = vector.load %arg1[%get3A, %get3A_0] : memref<2000x64xf32, #tpu.memory_space<vmem>>, vector<2000x64xf32>
    %get3A_2 = arith.constant 0 : index
    %get3A_3 = arith.constant 0 : index
    %get3A_4 = vector.load %arg2[%get3A_2, %get3A_3] : memref<2000x64xf32, #tpu.memory_space<vmem>>, vector<2000x64xf32>
    %get3A_5 = arith.constant 0 : index
    %get3A_6 = arith.constant 0 : index
    %get3A_7 = vector.load %arg3[%get3A_5, %get3A_6] : memref<1x64xf32, #tpu.memory_space<vmem>>, vector<1x64xf32>
    %mul3A = vector.broadcast %get3A_7 : vector<1x64xf32> to vector<2000x64xf32>
    %mul3A_8 = arith.mulf %get3A_4, %mul3A : vector<2000x64xf32>
    %add3A = arith.addf %get3A_1, %mul3A_8 : vector<2000x64xf32>
    %get3A_9 = arith.constant 0 : index
    %get3A_10 = arith.constant 0 : index
    %get3A_11 = vector.load %arg4[%get3A_9, %get3A_10] : memref<1x64xf32, #tpu.memory_space<vmem>>, vector<1x64xf32>
    %add3A_12 = vector.broadcast %get3A_11 : vector<1x64xf32> to vector<2000x64xf32>
    %add3A_13 = arith.addf %add3A, %add3A_12 : vector<2000x64xf32>
    %custom_jvp_call3A = arith.constant 0.000000e+00 : f32
    %max3A = vector.broadcast %custom_jvp_call3A : f32 to vector<2000x64xf32>
    %max3A_14 = arith.maximumf %add3A_13, %max3A : vector<2000x64xf32>
    %sub3A = vector.broadcast %custom_jvp_call3A : f32 to vector<2000x64xf32>
    %sub3A_15 = arith.subf %add3A_13, %sub3A : vector<2000x64xf32>
    %ne3A = arith.cmpf one, %sub3A_15, %sub3A_15 : vector<2000x64xf32>
    %add3A_16 = vector.broadcast %custom_jvp_call3A : f32 to vector<2000x64xf32>
    %add3A_17 = arith.addf %add3A_13, %add3A_16 : vector<2000x64xf32>
    %abs3A = math.absf %sub3A_15 : vector<2000x64xf32>
    %neg3A = arith.constant 0.000000e+00 : f32
    %neg3A_18 = vector.broadcast %neg3A : f32 to vector<2000x64xf32>
    %neg3A_19 = arith.subf %neg3A_18, %abs3A : vector<2000x64xf32>
    %exp3A = math.exp %neg3A_19 : vector<2000x64xf32>
    %log1p3A = math.log1p %exp3A : vector<2000x64xf32>
    %add3A_20 = arith.addf %max3A_14, %log1p3A : vector<2000x64xf32>
    %select_n3A = arith.select %ne3A, %add3A_17, %add3A_20 : vector<2000x64xi1>, vector<2000x64xf32>
    %swap3A = arith.constant 0 : index
    %swap3A_21 = arith.constant 0 : index
    %swap3A_22 = vector.load %arg5[%swap3A, %swap3A_21] : memref<2000x64xf32, #tpu.memory_space<vmem>>, vector<2000x64xf32>
    tpu.vector_store %arg5[%swap3A, %swap3A_21], %select_n3A {strides = array<i32>} : memref<2000x64xf32, #tpu.memory_space<vmem>>, vector<2000x64xf32>,
    return
  }
  func.func @transform_0(%arg0: i32) -> (i32, i32) {
    %c0_i32 = arith.constant 0 : i32
    %c0_i32_0 = arith.constant 0 : i32
    return %arg0, %c0_i32 : i32, i32
  }
  func.func @transform_1(%arg0: i32) -> (i32, i32) {
    %c0_i32 = arith.constant 0 : i32
    %c0_i32_0 = arith.constant 0 : i32
    return %arg0, %c0_i32 : i32, i32
  }
  func.func @transform_2(%arg0: i32) -> (i32, i32) {
    %c0_i32 = arith.constant 0 : i32
    %c0_i32_0 = arith.constant 0 : i32
    %c0_i32_1 = arith.constant 0 : i32
    return %c0_i32, %c0_i32_0 : i32, i32
  }
  func.func @transform_3(%arg0: i32) -> (i32, i32) {
    %c0_i32 = arith.constant 0 : i32
    %c0_i32_0 = arith.constant 0 : i32
    %c0_i32_1 = arith.constant 0 : i32
    return %c0_i32, %c0_i32_0 : i32, i32
  }
  func.func @transform_4(%arg0: i32) -> (i32, i32) {
    %c0_i32 = arith.constant 0 : i32
    %c0_i32_0 = arith.constant 0 : i32
    return %arg0, %c0_i32 : i32, i32
  }
}

module attributes {stable_mosaic.version = 14 : i64} {
  func.func @_head_body(%arg0: memref<50000x64xf32, #tpu.memory_space<vmem>>, %arg1: memref<64x128xf32, #tpu.memory_space<vmem>>, %arg2: memref<1x128xf32, #tpu.memory_space<vmem>>, %arg3: memref<128x1xf32, #tpu.memory_space<vmem>>, %arg4: memref<1x1xf32, #tpu.memory_space<vmem>>, %arg5: memref<1000x1xf32, #tpu.memory_space<vmem>>) attributes {dimension_semantics = [], scalar_prefetch = 0 : i64, scratch_operands = 0 : i64, tpu.core_type = #tpu.core_type<tc>} {
    %get3A = arith.constant 0 : index
    %get3A_0 = arith.constant 0 : index
    %get3A_1 = vector.load %arg0[%get3A, %get3A_0] : memref<50000x64xf32, #tpu.memory_space<vmem>>, vector<50000x64xf32>
    %reshape3A = vector.shape_cast %get3A_1 : vector<50000x64xf32> to vector<1000x50x64xf32>
    %reduce_sum3A = arith.constant dense<0.000000e+00> : vector<1000x64xf32>
    %reduce_sum3A_2 = vector.multi_reduction <add>, %reshape3A, %reduce_sum3A [1] : vector<1000x50x64xf32> to vector<1000x64xf32>
    %div3A = arith.constant 5.000000e+01 : f32
    %div3A_3 = vector.broadcast %div3A : f32 to vector<1000x64xf32>
    %div3A_4 = arith.divf %reduce_sum3A_2, %div3A_3 : vector<1000x64xf32>
    %custom_jvp_call3A = arith.constant 0.000000e+00 : f32
    %max3A = vector.broadcast %custom_jvp_call3A : f32 to vector<1000x64xf32>
    %max3A_5 = arith.maximumf %div3A_4, %max3A : vector<1000x64xf32>
    %sub3A = vector.broadcast %custom_jvp_call3A : f32 to vector<1000x64xf32>
    %sub3A_6 = arith.subf %div3A_4, %sub3A : vector<1000x64xf32>
    %ne3A = arith.cmpf one, %sub3A_6, %sub3A_6 : vector<1000x64xf32>
    %add3A = vector.broadcast %custom_jvp_call3A : f32 to vector<1000x64xf32>
    %add3A_7 = arith.addf %div3A_4, %add3A : vector<1000x64xf32>
    %abs3A = math.absf %sub3A_6 : vector<1000x64xf32>
    %neg3A = arith.constant 0.000000e+00 : f32
    %neg3A_8 = vector.broadcast %neg3A : f32 to vector<1000x64xf32>
    %neg3A_9 = arith.subf %neg3A_8, %abs3A : vector<1000x64xf32>
    %exp3A = math.exp %neg3A_9 : vector<1000x64xf32>
    %log1p3A = math.log1p %exp3A : vector<1000x64xf32>
    %add3A_10 = arith.addf %max3A_5, %log1p3A : vector<1000x64xf32>
    %select_n3A = arith.select %ne3A, %add3A_7, %add3A_10 : vector<1000x64xi1>, vector<1000x64xf32>
    %get3A_11 = arith.constant 0 : index
    %get3A_12 = arith.constant 0 : index
    %get3A_13 = vector.load %arg1[%get3A_11, %get3A_12] : memref<64x128xf32, #tpu.memory_space<vmem>>, vector<64x128xf32>
    %dot_general3A = arith.constant dense<0.000000e+00> : vector<1000x128xf32>
    %dot_general3A_14 = tpu.matmul %select_n3A, %get3A_13, %dot_general3A {dimension_numbers = #tpu.dot_dimension_numbers<[1], [0], [0], [1], [0, 0, 1, 1], [], []>, precision = #tpu.contract_precision<fp32>, transpose_lhs_hint = false} : vector<1000x64xf32>, vector<64x128xf32>, vector<1000x128xf32> -> vector<1000x128xf32>
    %get3A_15 = arith.constant 0 : index
    %get3A_16 = arith.constant 0 : index
    %get3A_17 = vector.load %arg2[%get3A_15, %get3A_16] : memref<1x128xf32, #tpu.memory_space<vmem>>, vector<1x128xf32>
    %add3A_18 = vector.broadcast %get3A_17 : vector<1x128xf32> to vector<1000x128xf32>
    %add3A_19 = arith.addf %dot_general3A_14, %add3A_18 : vector<1000x128xf32>
    %custom_jvp_call3A_20 = arith.constant 0.000000e+00 : f32
    %max3A_21 = vector.broadcast %custom_jvp_call3A_20 : f32 to vector<1000x128xf32>
    %max3A_22 = arith.maximumf %add3A_19, %max3A_21 : vector<1000x128xf32>
    %sub3A_23 = vector.broadcast %custom_jvp_call3A_20 : f32 to vector<1000x128xf32>
    %sub3A_24 = arith.subf %add3A_19, %sub3A_23 : vector<1000x128xf32>
    %ne3A_25 = arith.cmpf one, %sub3A_24, %sub3A_24 : vector<1000x128xf32>
    %add3A_26 = vector.broadcast %custom_jvp_call3A_20 : f32 to vector<1000x128xf32>
    %add3A_27 = arith.addf %add3A_19, %add3A_26 : vector<1000x128xf32>
    %abs3A_28 = math.absf %sub3A_24 : vector<1000x128xf32>
    %neg3A_29 = arith.constant 0.000000e+00 : f32
    %neg3A_30 = vector.broadcast %neg3A_29 : f32 to vector<1000x128xf32>
    %neg3A_31 = arith.subf %neg3A_30, %abs3A_28 : vector<1000x128xf32>
    %exp3A_32 = math.exp %neg3A_31 : vector<1000x128xf32>
    %log1p3A_33 = math.log1p %exp3A_32 : vector<1000x128xf32>
    %add3A_34 = arith.addf %max3A_22, %log1p3A_33 : vector<1000x128xf32>
    %select_n3A_35 = arith.select %ne3A_25, %add3A_27, %add3A_34 : vector<1000x128xi1>, vector<1000x128xf32>
    %get3A_36 = arith.constant 0 : index
    %get3A_37 = arith.constant 0 : index
    %get3A_38 = vector.load %arg3[%get3A_36, %get3A_37] : memref<128x1xf32, #tpu.memory_space<vmem>>, vector<128x1xf32>
    %dot_general3A_39 = arith.constant dense<0.000000e+00> : vector<1000x1xf32>
    %dot_general3A_40 = tpu.matmul %select_n3A_35, %get3A_38, %dot_general3A_39 {dimension_numbers = #tpu.dot_dimension_numbers<[1], [0], [0], [1], [0, 0, 1, 1], [], []>, precision = #tpu.contract_precision<fp32>, transpose_lhs_hint = false} : vector<1000x128xf32>, vector<128x1xf32>, vector<1000x1xf32> -> vector<1000x1xf32>
    %get3A_41 = arith.constant 0 : index
    %get3A_42 = arith.constant 0 : index
    %get3A_43 = vector.load %arg4[%get3A_41, %get3A_42] : memref<1x1xf32, #tpu.memory_space<vmem>>, vector<1x1xf32>
    %add3A_44 = vector.broadcast %get3A_43 : vector<1x1xf32> to vector<1000x1xf32>
    %add3A_45 = arith.addf %dot_general3A_40, %add3A_44 : vector<1000x1xf32>
    %swap3A = arith.constant 0 : index
    %swap3A_46 = arith.constant 0 : index
    %swap3A_47 = vector.load %arg5[%swap3A, %swap3A_46] : memref<1000x1xf32, #tpu.memory_space<vmem>>, vector<1000x1xf32>
    tpu.vector_store %arg5[%swap3A, %swap3A_46], %add3A_45 {strides = array<i32>} : memref<1000x1xf32, #tpu.memory_space<vmem>>, vector<1000x1xf32>,
    return
  }
}

</mosaic_0001>

<sc_bundles>
// kernel: kernel.19.cloned.1.call-start
scs
__scs_entry_jumppad:
0x0: {  	(pc) =	sbr.rel $0x88, $3  }
0x1: {  	(tag) =	ssettag $0x0;
	lr =	simm.s32 $0x1  }
0x2: {  	[smem:$0x3F85] =	sst lr;
	_ =	strace $0xD0000000  }
0x3: {  	_ = 	snop  }
0x4: {  	_ = 	snop  }
0x5: {  	_ = 	snop  }
0x6: {  	_ = 	snop  }
0x7: {  	_ = 	snop  }
__scs_overlays_trampoline_lowered:
0x8: {  	[smem:$0x3F94] =	sst s0  }
0x9: {  	[smem:$0x3F95] =	sst s1  }
0xa: {  	[smem:$0x3F96] =	sst s2  }
0xb: {  	[smem:$0x3F97] =	sst s3  }
0xc: {  	[smem:$0x3F98] =	sst s4  }
0xd: {  	[smem:$0x3F99] =	sst s5  }
0xe: {  	[smem:$0x3F9A] =	sst s6  }
0xf: {  	[smem:$0x3F9B] =	sst s7  }
0x10: {  	[smem:$0x3F9C] =	sst s8  }
0x11: {  	[smem:$0x3F9D] =	sst s9;
	s0 =	simm.s32 @!p0 $0x0  }
0x12: {  	s1 =	sld [smem:$0x3F83];
	s0 =	simm.s32 @p0 $0x1  }
0x13: {  	[smem:$0x3F9E] =	sst s0;
	s0 =	simm.s32 @!p1 $0x0  }
0x14: {  	s2 =	sld [smem:$0x3F82];
	s0 =	simm.s32 @p1 $0x1  }
0x15: {  	[smem:$0x3F9F] =	sst s0;
	s0 =	simm.s32 @!p2 $0x0  }
0x16: {  	s3 =	sld [smem:$0x3FDB];
	s0 =	simm.s32 @p2 $0x1  }
0x17: {  	s4 =	simm.s32 $0x1BF5;
	[smem:$0x3FA1] =	sst s0  }
0x18: {  	s0 =	sld [smem:$0x3F84];
	_ =	swait.ge [sflag:s4], $0x0  }
0x19: {  	s7 =	sld [smem:$0x3F85]  }
0x1a: {  	s8 =	sadd.s32 $0xFFFFE003, lr  }
0x1b: {  	s9 =	sadd.s32 $0xFFFFFEF7, lr;
	s5 =	simm.s32 $0xFFFFFFFF;
	p2 =	slt.u32 s8, $0xFFFFF086  }
0x1c: {  	p1 =	slt.u32 s9, $0xF7A;
	s5 =	simm.s32 @!p2 $0x0  }
0x1d: {  	s5 =	simm.s32 @p1 $0x1;
	p0 =	seq.s32 s7, s2  }
0x1e: {  	s7 =	smul.u32 @!p0 $0xF7A, s2;
	p2 =	seq.s32 @!p0 s5, $0x0  }
0x1f: {  	s9 =	smul.u32 $0xF7A, s1;
	s8 =	simm.s32 @!p0 $0x1BF5;
	p2 =	por !p2, p0  }
0x20: {  	[sflag:s8] =	ssyncset.s32 @!p0 $0xFFFFF086;
	s6 =	sadd.s32 @!p0 s3, s7;
	s7 =	simm.s32 @!p0 $0x108  }
0x21: {  	s3 =	sadd.s32 s3, s9;
	s6 =	sadd.s32 @!p0 $0x88, s6;
	s7 =	simm.s32 @p2 $0x1082  }
0x22: {  	[simem:s7], [sflag:s8] =	dma.local @!p0 [hbm:s6], $0xF7A  }
0x23: {  	s9 =	sor.u32 $0xD0000000, s2;
	s6 =	simm.s32 $0x108;
	_ =	swait.ge @!p0 [sflag:s8], $0x0  }
0x24: {  	s3 =	sadd.s32 $0x88, s3;
	s6 =	simm.s32 @!p1 $0x1082;
	[sflag:s4] =	ssyncset.s32 $0xFFFFF086  }
0x25: {  	[simem:s6], [sflag:s4] =	dma.local [hbm:s3], $0xF7A  }
0x26: {  	[smem:$0x3F85] =	sst s1;
	(tag) =	ssettag s2;
	_ =	strace s9  }
0x27: {  	s1 =	sld [smem:$0x3F95]  }
0x28: {  	s2 =	sld [smem:$0x3F96]  }
0x29: {  	s4 =	sld [smem:$0x3F98]  }
0x2a: {  	p0 =	seq.s32 s5, $0x0;
	s5 =	sld [smem:$0x3F99]  }
0x2b: {  	s6 =	sld [smem:$0x3F9A]  }
0x2c: {  	s7 =	sld [smem:$0x3F9B]  }
0x2d: {  	s3 =	simm.s32 $0x108;
	s8 =	sld [smem:$0x3F9C]  }
0x2e: {  	s3 =	simm.s32 @!p0 $0x1082;
	s9 =	sld [smem:$0x3F9D]  }
0x2f: {  	lr =	sadd.s32 s0, s3;
	s0 =	sld [smem:$0x3F94]  }
0x30: {  	s3 =	sld [smem:$0x3F97]  }
0x31: {  	[smem:$0x3FA0] =	sst s10  }
0x32: {  	s10 =	sld [smem:$0x3F9E];
	_ =	sdelay $0x3  }
0x33: {  	p0 =	seq.s32 s10, $0x1;
	s10 =	sld [smem:$0x3FA0];
	_ =	sdelay $0x3  }
0x34: {  	[smem:$0x3FA0] =	sst s10  }
0x35: {  	s10 =	sld [smem:$0x3F9F];
	_ =	sdelay $0x3  }
0x36: {  	p1 =	seq.s32 s10, $0x1;
	s10 =	sld [smem:$0x3FA0];
	_ =	sdelay $0x3  }
0x37: {  	[smem:$0x3FA0] =	sst s10  }
0x38: {  	s10 =	sld [smem:$0x3FA1]  }
0x39: {  	_ = 	snop;
	(pc) =	sbr.ind lr, $3  }
0x3a: {  	_ = 	snop  }
0x3b: {  	_ = 	snop  }
0x3c: {  	p2 =	seq.s32 s10, $0x1;
	s10 =	sld [smem:$0x3FA0]  }
0x3d: {  	_ =	shalt  }
0x3e: {  	_ =	shalt  }
0x3f: {  	_ =	shalt  }
0x40: {  	_ =	shalt  }
0x41: {  	_ =	shalt  }
0x42: {  	_ =	shalt  }
0x43: {  	_ =	shalt  }
0x44: {  	_ =	shalt  }
0x45: {  	_ =	shalt  }
0x46: {  	_ =	shalt  }
0x47: {  	_ =	shalt  }
0x48: {  	_ =	shalt  }
0x49: {  	_ =	shalt  }
0x4a: {  	_ =	shalt  }
0x4b: {  	_ =	shalt  }
0x4c: {  	_ =	shalt  }
0x4d: {  	_ =	shalt  }
0x4e: {  	_ =	shalt  }
0x4f: {  	_ =	shalt  }
0x50: {  	_ =	shalt  }
0x51: {  	_ =	shalt  }
0x52: {  	_ =	shalt  }
0x53: {  	_ =	shalt  }
0x54: {  	_ =	shalt  }
0x55: {  	_ =	shalt  }
0x56: {  	_ =	shalt  }
0x57: {  	_ =	shalt  }
0x58: {  	_ =	shalt  }
0x59: {  	_ =	shalt  }
0x5a: {  	_ =	shalt  }
0x5b: {  	_ =	shalt  }
0x5c: {  	_ =	shalt  }
0x5d: {  	_ =	shalt  }
0x5e: {  	_ =	shalt  }
0x5f: {  	_ =	shalt  }
0x60: {  	_ =	shalt  }
0x61: {  	_ =	shalt  }
0x62: {  	_ =	shalt  }
0x63: {  	_ =	shalt  }
0x64: {  	_ =	shalt  }
0x65: {  	_ =	shalt  }
0x66: {  	_ =	shalt  }
0x67: {  	_ =	shalt  }
0x68: {  	_ =	shalt  }
0x69: {  	_ =	shalt  }
0x6a: {  	_ =	shalt  }
0x6b: {  	_ =	shalt  }
0x6c: {  	_ =	shalt  }
0x6d: {  	_ =	shalt  }
0x6e: {  	_ =	shalt  }
0x6f: {  	_ =	shalt  }
0x70: {  	_ =	shalt  }
0x71: {  	_ =	shalt  }
0x72: {  	_ =	shalt  }
0x73: {  	_ =	shalt  }
0x74: {  	_ =	shalt  }
0x75: {  	_ =	shalt  }
0x76: {  	_ =	shalt  }
0x77: {  	_ =	shalt  }
0x78: {  	_ =	shalt  }
0x79: {  	_ =	shalt  }
0x7a: {  	_ =	shalt  }
0x7b: {  	_ =	shalt  }
0x7c: {  	_ =	shalt  }
0x7d: {  	_ =	shalt  }
0x7e: {  	_ =	shalt  }
0x7f: {  	_ =	shalt  }
0x80: {  	_ =	shalt  }
0x81: {  	_ =	shalt  }
0x82: {  	_ =	shalt  }
0x83: {  	_ =	shalt  }
0x84: {  	_ =	shalt  }
0x85: {  	_ =	shalt  }
0x86: {  	_ =	shalt  }
0x87: {  	_ =	shalt  }
.Lfunc_end0:
.L_simem_size_0:
called_computation_lowered:
.L_overlay_start_0:
0x88: {  	s2 =	sld [smem:$0x3FD9]  }
0x89: {  	s3 =	sld [smem:$0x3FFE];
	_ =	sdelay $0x1  }
0x8a: {  	s1 =	srdreg.scid  }
0x8b: {  	s0 =	sand.u32 $0x1, s1  }
0x8c: {  	s16 =	sshll.u32 s0, $0xA;
	s2 =	sadd.s32 s3, s2  }
0x8d: {  	s2 =	sadd.s32 s2, s16  }
0x8e: {  	[smem:$0x3FAC] =	sst s2  }
0x8f: {  	_ = 	snop  }
0x90: {  	(tm) =	ssettm $0x1  }
0x91: {  	s17 =	sld [smem:$0x3FFB];
	_ =	sdelay $0x3  }
0x92: {  	_ =	strace s17  }
0x93: {  	s2 =	sld [smem:$0x3FFC];
	_ =	sdelay $0x3  }
0x94: {  	_ =	strace s2  }
0x95: {  	s2 =	sld [smem:$0x3FFD];
	_ =	sdelay $0x3  }
0x96: {  	_ =	strace s2  }
0x97: {  	_ =	strace $0x8FFFFFFF  }
0x98: {  	s18 =	sld [smem:$0x3FDB];
	_ =	sdelay $0x1  }
0x99: {  	s19 =	simm.s32 $_scs_section_size  }
0x9a: {  	s4 =	simm.s32 $_size__tile_overlayer_lowered;
	s5 =	simm.s32 $_tile_overlayer_lowered  }
0x9b: {  	s22 =	simm.s32 $0x1BFF;
	s21 =	sshll.u32 s5, $0x1;
	s2 =	sadd.s32 s19, s18  }
0x9c: {  	s6 =	simm.s32 $0x0;
	s20 =	sshll.u32 s4, $0x1;
	s4 =	sadd.s32 s21, s2  }
0x9d: {  	[timem:s6], [sflag:s22] =	dma.local [hbm:s4], s20  }
0x9e: {  	_ =	swait.ge [sflag:s22], s20  }
0x9f: {  	s3 =	ssub.s32 $0x0, s20;
	[sflag:s22] =	ssyncset.done $0x0  }
0xa0: {  	[sflag:s22] =	ssyncadd.s32 s3;
	_ =	sdelay $0x1  }
0xa1: {  	s23 =	simm.s32 $0x1B8B  }
0xa2: {  	_ =	swait.ge [sflag:s23], $0x1  }
0xa3: {  	[sflag:s23] =	ssyncset.done $0x0  }
0xa4: {  	s25 =	simm.s32 $0x1B8E;
	s24 =	sld [smem:$0x3FFE];
	[sflag:s23] =	ssyncadd.s32 $0xFFFFFFFF  }
0xa5: {  	s26 =	simm.s32 $execute0_lowered;
	[smem:$0x3FD2] =	sst s25  }
0xa6: {  	s4 =	sshll.u32 s26, $0x1;
	_ =	strace $0x80000046;
	[dreg:$0x1] =	wrdreg $0xFFFFFFFF  }
0xa7: {  	s28 =	simm.s32 $_size_execute0_lowered;
	s2 =	sadd.s32 s2, s4;
	[dreg:$0x0] =	wrdreg $0x0  }
0xa8: {  	s4 =	sshll.u32 s28, $0x1;
	[dreg:$0x2] =	wrdreg s2  }
0xa9: {  	[dreg:$0x3] =	wrdreg s4  }
0xaa: {  	[dreg:$0x4] =	wrdreg $0xC0  }
0xab: {  	_ =	task [dreg:s6], $0x5FFFF  }
0xac: {  	[dreg:$0x1] =	wrdreg $0xFFFFFFFF  }
0xad: {  	[dreg:$0x0] =	wrdreg $0x60  }
0xae: {  	[dreg:$0x2] =	wrdreg s24  }
0xaf: {  	[dreg:$0x3] =	wrdreg $0x9  }
0xb0: {  	_ =	task.clear_ibuf [dreg:s6], $0x4FFFF;
	_ =	strace $0x90000046  }
0xb1: {  	s29 =	simm.s32 $0x9;
	_ =	strace $0x80000048  }
0xb2: {  	_ =	swait.ge [sflag:s29], $0x1  }
0xb3: {  	[sflag:s29] =	ssyncadd.s32 $0xFFFFFFFF  }
0xb4: {  	_ =	strace $0x90000048  }
0xb5: {  	_ =	sfence  }
0xb6: {  	s30 =	sld [smem:$0x0];
	_ =	sdelay $0x2  }
0xb7: {  	s31 =	sshll.u32 s1, $0xD;
	s1 =	sshrl.u32 s1, $0x2  }
0xb8: {  	s3 =	sand.u32 $0x4000, s31;
	s1 =	sadd.s32 s1, s30  }
0xb9: {  	s0 =	sor.u32 s3, s0;
	s1 =	sshll.u32 s1, $0x11  }
0xba: {  	s0 =	sor.u32 s1, s0  }
0xbb: {  	s0 =	sadd.s32 $0x8F2B, s0  }
0xbc: {  	[sflag:s0] =	ssyncadd.remote.s32 $0x1  }
0xbd: {  	_ =	sfence.sel $0xFFFF  }
0xbe: {  	[dreg:$0x0] =	wrdreg $0xFFFFFFFF;
	(pc) =	sbr.abs _section_cstart, $3  }
0xbf: {  	[dreg:$0x1] =	wrdreg $0xFFFFFFFF  }
0xc0: {  	_ =	task.clear_ibuf [dreg:s6], $0x2FFFF;
	_ =	strace $0x9FFFFFFF  }
0xc1: {  	(tm) =	ssettm $0x7FFFFFFF  }
tec
execute0_lowered:
.L_overlay_start_1:
0x0: {  	(tag) =	ssettag $0x1  }
0x1: {  	s0 =	rddreg [dreg:$0x0]  }
0x2: {  	s3 =	srdreg.scid;
	s1 =	stileid.u32;
	s2 =	simm.s32 $0x0  }
0x3: {  	s20 =	simm.s32 $0x100;
	s21 =	simm.s32 $0x6;
	s15 =	smul.u32 $0x61A800, s1  }
0x4: {  	s22 =	simm.s32 $0x4100;
	s23 =	simm.s32 $0x1;
	s17 =	smul.u32 $0xC350, s1  }
0x5: {  	s14 =	sand.u32 $0x1, s3;
	s24 =	sshll.u32 s1, $0x1;
	s19 =	smul.u32 $0xC3500, s1  }
0x6: {  	[smem:$0x7FF] =	sst s2;
	s3 =	sadd.s32 $0x6C00, s0;
	s16 =	smul.u32 $0x30D400, s14  }
0x7: {  	s4 =	sadd.s32 $0xCA200, s0;
	s0 =	sadd.s32 $0x32CC00, s0;
	s18 =	smul.u32 $0x61A8, s14  }
0x8: {  	s5 =	sor.u32 s14, s24;
	s6 =	ssub.s32 $0x2, s14;
	s14 =	smul.u32 $0x61A80, s14  }
0x9: {  	s29 =	simm.s32 $0x0;
	_ =	strace $0x80000047;
	s9 =	smul.u32 $0x61A8, s5  }
0xa: {  	s24 =	simm.s32 $0x3;
	s7 =	smul.u32 $0x30D400, s5;
	s8 =	sshrl.u32 s6, $0x1  }
0xb: {  	s11 =	smul.u32 $0x61A80, s5;
	s31 =	sadd.s32 s19, s0;
	s19 =	simm.s32 $0x5  }
0xc: {  	s12 =	ssub.s32 s6, s8;
	s17 =	sadd.s32 s18, s17;
	s15 =	sadd.s32 s16, s15  }
0xd: {  	s16 =	sadd.s32 s14, s31;
	s10 =	sshrl.u32 s9, $0x3;
	s25 =	sadd.s32 s11, s0  }
0xe: {  	s26 =	sshrl.u32 s7, $0x3;
	s9 =	sadd.s32 $0x6180, s9;
	s11 =	smax.u32 s12, $0x1  }
0xf: {  	s18 =	sadd.s32 $0x180, s17;
	s15 =	sshrl.u32 s15, $0x3;
	s17 =	sadd.s32 $0x100, s17  }
0x10: {  	s5 =	sadd.s32 s4, s10;
	s7 =	sadd.s32 $0x60800, s25;
	s13 =	sadd.s32 s0, s26  }
0x11: {  	s28 =	sshrl.u32 s9, $0x3;
	s30 =	sshll.u32 s9, $0x4;
	s18 =	sshrl.u32 s18, $0x3  }
0x12: {  	s14 =	sadd.s32 s15, s0;
	s15 =	sadd.s32 $0x800, s16;
	s25 =	simm.s32 $0x2  }
0x13: {  	s26 =	simm.s32 $0x4;
	s6 =	sadd.s32 $0x10, s5;
	s8 =	sadd.s32 $0x61000, s13  }
0x14: {  	s9 =	sadd.s32 s4, s28;
	s10 =	sadd.s32 s0, s30;
	s12 =	sadd.s32 $0xC20, s5  }
0x15: {  	s13 =	sadd.s32 $0x60000, s13;
	s16 =	sadd.s32 s18, s4;
	s18 =	simm.s32 $0x80  }
.LBB2_1:
0x16: {  	[tilespmem:s2], [sflag:$0x5] =	stream.linear.gather [hbm4b:s5+s2], $0x80, $0x38;
	[tilespmem:$0x8100] =	vst v63  }
0x17: {  	_ = 	snop  }
0x18: {  	[tilespmem:s18], [sflag:$0x6] =	stream.linear.gather [hbm4b:s6+s2], $0x80, $0x38;
	[tilespmem:$0x8100] =	vst v63  }
0x19: {  	_ =	swait.ge [sflag:s19], $0x80  }
0x1a: {  	[sflag:s19] =	ssyncset.done $0x0  }
0x1b: {  	[sflag:s19] =	ssyncadd.s32 $0xFFFFFF80  }
0x1c: {  	[tilespmem:s20], [sflag:$0x1] =	stream.indirect.gather [hbm4b:s3+s18], $0x80, s2, s18, $0xb8;
	[tilespmem:$0x8100] =	vst v63  }
0x1d: {  	_ =	swait.ge [sflag:s21], $0x80  }
0x1e: {  	[sflag:s21] =	ssyncset.done $0x0  }
0x1f: {  	[sflag:s21] =	ssyncadd.s32 $0xFFFFFF80  }
0x20: {  	[tilespmem:s22], [sflag:$0x2] =	stream.indirect.gather [hbm4b:s3+s18], $0x80, s18, s18, $0xb8;
	[tilespmem:$0x8100] =	vst v63  }
0x21: {  	_ =	swait.ge [sflag:s23], $0x4000  }
0x22: {  	s0 =	sshrl.u32 s17, $0x3;
	[sflag:s23] =	ssyncset.done $0x0  }
0x23: {  	s0 =	sadd.s32 s4, s0;
	[sflag:s23] =	ssyncadd.s32 $0xFFFFC000  }
0x24: {  	[tilespmem:s2], [sflag:$0x5] =	stream.linear.gather [hbm4b:s0+s2], $0x80, $0x38;
	[tilespmem:$0x8100] =	vst v63  }
0x25: {  	s1 =	sadd.s32 $0x0, s14  }
0x26: {  	[hbm4b:s1+s2] =	stream.linear.scatter [tilespmem:s20], [sflag:$0x3], $0x4000, $0x38;
	[tilespmem:$0x8100] =	vst v63  }
0x27: {  	_ =	swait.ge [sflag:s24], $0x4000  }
0x28: {  	[sflag:s24] =	ssyncset.done $0x0  }
0x29: {  	[sflag:s24] =	ssyncadd.s32 $0xFFFFC000  }
0x2a: {  	_ =	swait.ge [sflag:s19], $0x80  }
0x2b: {  	[sflag:s19] =	ssyncset.done $0x0  }
0x2c: {  	[sflag:s19] =	ssyncadd.s32 $0xFFFFFF80  }
0x2d: {  	[tilespmem:s20], [sflag:$0x1] =	stream.indirect.gather [hbm4b:s3+s18], $0x80, s2, s18, $0xb8;
	[tilespmem:$0x8100] =	vst v63  }
0x2e: {  	_ =	swait.ge [sflag:s25], $0x4000  }
0x2f: {  	[sflag:s25] =	ssyncset.done $0x0  }
0x30: {  	[sflag:s25] =	ssyncadd.s32 $0xFFFFC000  }
0x31: {  	[tilespmem:s18], [sflag:$0x6] =	stream.linear.gather [hbm4b:s16+s2], $0x80, $0x38;
	[tilespmem:$0x8100] =	vst v63  }
0x32: {  	s28 =	sadd.s32 $0x0, s15  }
0x33: {  	[hbm4b:s28+s2] =	stream.linear.scatter [tilespmem:s22], [sflag:$0x4], $0x4000, $0x38;
	[tilespmem:$0x8100] =	vst v63  }
0x34: {  	_ =	swait.ge [sflag:s26], $0x4000  }
0x35: {  	[sflag:s26] =	ssyncset.done $0x0  }
0x36: {  	[sflag:s26] =	ssyncadd.s32 $0xFFFFC000  }
0x37: {  	_ =	swait.ge [sflag:s21], $0x80  }
0x38: {  	s30 =	simm.s32 $0x1000;
	[sflag:s21] =	ssyncset.done $0x0  }
0x39: {  	s31 =	sadd.s32 $0x20, s16;
	s0 =	sadd.s32 $0x100, s17;
	[sflag:s21] =	ssyncadd.s32 $0xFFFFFF80  }
.LBB2_2:
0x3a: {  	[tilespmem:s22], [sflag:$0x2] =	stream.indirect.gather [hbm4b:s3+s18], $0x80, s18, s18, $0xb8;
	[tilespmem:$0x8100] =	vst v63  }
0x3b: {  	s1 =	smov.u32 s30  }
0x3c: {  	p0 =	sne.s32 s30, $0x5F000;
	s30 =	sadd.s32 $0x1000, s30;
	_ =	swait.ge [sflag:s23], $0x4000  }
0x3d: {  	s28 =	sshrl.u32 s0, $0x3;
	[sflag:s23] =	ssyncset.done $0x0  }
0x3e: {  	s28 =	sadd.s32 s4, s28;
	[sflag:s23] =	ssyncadd.s32 $0xFFFFC000  }
0x3f: {  	[tilespmem:s2], [sflag:$0x5] =	stream.linear.gather [hbm4b:s28+s2], $0x80, $0x38;
	[tilespmem:$0x8100] =	vst v63  }
0x40: {  	s28 =	sadd.s32 s1, s14  }
0x41: {  	[hbm4b:s28+s2] =	stream.linear.scatter [tilespmem:s20], [sflag:$0x3], $0x4000, $0x38;
	[tilespmem:$0x8100] =	vst v63  }
0x42: {  	_ =	swait.ge [sflag:s24], $0x4000  }
0x43: {  	[sflag:s24] =	ssyncset.done $0x0  }
0x44: {  	[sflag:s24] =	ssyncadd.s32 $0xFFFFC000  }
0x45: {  	_ =	swait.ge [sflag:s19], $0x80  }
0x46: {  	[sflag:s19] =	ssyncset.done $0x0  }
0x47: {  	[sflag:s19] =	ssyncadd.s32 $0xFFFFFF80  }
0x48: {  	[tilespmem:s20], [sflag:$0x1] =	stream.indirect.gather [hbm4b:s3+s18], $0x80, s2, s18, $0xb8;
	[tilespmem:$0x8100] =	vst v63  }
0x49: {  	_ =	swait.ge [sflag:s25], $0x4000  }
0x4a: {  	[sflag:s25] =	ssyncset.done $0x0  }
0x4b: {  	[sflag:s25] =	ssyncadd.s32 $0xFFFFC000  }
0x4c: {  	[tilespmem:s18], [sflag:$0x6] =	stream.linear.gather [hbm4b:s31+s2], $0x80, $0x38;
	[tilespmem:$0x8100] =	vst v63  }
0x4d: {  	s1 =	sadd.s32 s1, s15  }
0x4e: {  	[hbm4b:s1+s2] =	stream.linear.scatter [tilespmem:s22], [sflag:$0x4], $0x4000, $0x38;
	[tilespmem:$0x8100] =	vst v63  }
0x4f: {  	_ =	swait.ge [sflag:s26], $0x4000  }
.Ltmp0:
0x50: {  	[sflag:s26] =	ssyncset.done $0x0;
	(pc) =	sbr.rel @p0 .LBB2_2-.Ltmp0, $4  }
0x51: {  	[sflag:s26] =	ssyncadd.s32 $0xFFFFC000  }
0x52: {  	_ =	swait.ge [sflag:s21], $0x80  }
0x53: {  	[sflag:s21] =	ssyncset.done $0x0  }
0x54: {  	s0 =	sadd.s32 $0x100, s0;
	s31 =	sadd.s32 $0x20, s31;
	[sflag:s21] =	ssyncadd.s32 $0xFFFFFF80  }
0x55: {  	[tilespmem:s22], [sflag:$0x2] =	stream.indirect.gather [hbm4b:s3+s18], $0x80, s18, s18, $0xb8;
	[tilespmem:$0x8100] =	vst v63  }
0x56: {  	_ =	swait.ge [sflag:s23], $0x4000  }
0x57: {  	[sflag:s23] =	ssyncset.done $0x0  }
0x58: {  	[sflag:s23] =	ssyncadd.s32 $0xFFFFC000  }
0x59: {  	[tilespmem:s2], [sflag:$0x5] =	stream.linear.gather [hbm4b:s12+s2], $0x80, $0x38;
	[tilespmem:$0x8100] =	vst v63  }
0x5a: {  	_ = 	snop  }
0x5b: {  	[hbm4b:s13+s2] =	stream.linear.scatter [tilespmem:s20], [sflag:$0x3], $0x4000, $0x38;
	[tilespmem:$0x8100] =	vst v63  }
0x5c: {  	_ =	swait.ge [sflag:s24], $0x4000  }
0x5d: {  	[sflag:s24] =	ssyncset.done $0x0  }
0x5e: {  	[sflag:s24] =	ssyncadd.s32 $0xFFFFC000  }
0x5f: {  	_ =	swait.ge [sflag:s19], $0x80  }
0x60: {  	[sflag:s19] =	ssyncset.done $0x0  }
0x61: {  	[sflag:s19] =	ssyncadd.s32 $0xFFFFFF80  }
0x62: {  	[tilespmem:s20], [sflag:$0x1] =	stream.indirect.gather [hbm4b:s3+s18], $0x80, s2, s18, $0xb8;
	[tilespmem:$0x8100] =	vst v63  }
0x63: {  	_ =	swait.ge [sflag:s25], $0x4000  }
0x64: {  	[sflag:s25] =	ssyncset.done $0x0  }
0x65: {  	[sflag:s25] =	ssyncadd.s32 $0xFFFFC000  }
0x66: {  	[hbm4b:s7+s2] =	stream.linear.scatter [tilespmem:s22], [sflag:$0x4], $0x4000, $0x38;
	[tilespmem:$0x8100] =	vst v63  }
0x67: {  	_ =	swait.ge [sflag:s23], $0x4000  }
0x68: {  	[sflag:s23] =	ssyncset.done $0x0  }
0x69: {  	[sflag:s23] =	ssyncadd.s32 $0xFFFFC000  }
0x6a: {  	[hbm4b:s8+s2] =	stream.linear.scatter [tilespmem:s20], [sflag:$0x3], $0x4000, $0x38;
	[tilespmem:$0x8100] =	vst v63  }
0x6b: {  	_ =	swait.ge [sflag:s26], $0x4000  }
0x6c: {  	[sflag:s26] =	ssyncset.done $0x0  }
0x6d: {  	[sflag:s26] =	ssyncadd.s32 $0xFFFFC000  }
0x6e: {  	[tilespmem:s18], [sflag:$0x6] =	stream.linear.gather [hbm4b:s9+s2], $0x28, $0x38;
	[tilespmem:$0x8100] =	vst v63  }
0x6f: {  	_ =	swait.ge [sflag:s21], $0x28  }
0x70: {  	[sflag:s21] =	ssyncset.done $0x0  }
0x71: {  	s0 =	simm.s32 $0x28;
	[sflag:s21] =	ssyncadd.s32 $0xFFFFFFD8  }
0x72: {  	[tilespmem:s22], [sflag:$0x2] =	stream.indirect.gather [hbm4b:s3+s0], $0x80, s18, s0, $0xb8;
	[tilespmem:$0x8100] =	vst v63  }
0x73: {  	_ =	swait.ge [sflag:s25], $0x1400  }
0x74: {  	[sflag:s25] =	ssyncset.done $0x0  }
0x75: {  	s29 =	sadd.s32 $0x1, s29;
	[sflag:s25] =	ssyncadd.s32 $0xFFFFEC00  }
0x76: {  	[hbm4b:s10+s2] =	stream.linear.scatter [tilespmem:s22], [sflag:$0x4], $0x1400, $0x38;
	[tilespmem:$0x8100] =	vst v63  }
0x77: {  	p0 =	sne.s32 s29, s11;
	_ =	swait.ge [sflag:s26], $0x1400  }
.Ltmp1:
0x78: {  	[sflag:s26] =	ssyncset.done $0x0;
	(pc) =	sbr.rel @p0 .LBB2_1-.Ltmp1, $4  }
0x79: {  	[sflag:s26] =	ssyncadd.s32 $0xFFFFEC00  }
0x7a: {  	_ =	swait.ge [sflag:s24], $0x4000  }
0x7b: {  	[sflag:s24] =	ssyncset.done $0x0  }
0x7c: {  	[sflag:s24] =	ssyncadd.s32 $0xFFFFC000  }
0x7d: {  	_ =	sfence.sel $0x180000  }
0x7e: {  	[bflag:$0x0] =	sbarrier.arrive $0xFFFF  }
0x7f: {  	_ =	strace $0x90000047  }
0x80: {  	s0 =	stileid.u32;
	[bflag:$0x2] =	sbarrier.arrive $0xFFFF  }
0x81: {  	p0 =	sne.s32 s0, $0x0;
	s0 =	rddreg [dreg:$0x1]  }
0x82: {  	s0 =	sadd.s32 @!p0 $0x100000, s0  }
0x83: {  	[sflag:s0] =	ssyncadd.tile.s32 @!p0 $0x1;
	_ =	shalt  }
.Lfunc_end2:
_tile_overlayer_lowered:
.L_overlay_start_2:
0x84: {  	(tag) =	ssettag $0x2  }
0x85: {  	s0 =	rddreg [dreg:$0x0];
	s2 =	stileid.u32  }
0x86: {  	s1 =	rddreg [dreg:$0x1];
	p0 =	sne.s32 s2, $0x0  }
0x87: {  	s3 =	rddreg [dreg:$0x2];
	[bflag:$0x3] =	sbarrier.arrive $0xFFFF;
	s2 =	simm.s32 @!p0 $0x1C07  }
0x88: {  	[timem:s3], [sflag:s2] =	dma.local @!p0 [hbm:s0], s1  }
0x89: {  	s0 =	simm.s32 @!p0 $0x7  }
0x8a: {  	_ =	swait.ge @!p0 [sflag:s0], s1  }
0x8b: {  	s1 =	ssub.s32 @!p0 $0x0, s1;
	[sflag:s0] =	ssyncset.done @!p0 $0x0  }
0x8c: {  	[sflag:s0] =	ssyncadd.s32 @!p0 s1  }
0x8d: {  	[bflag:$0x3] =	sbarrier.arrive $0xFFFF  }
0x8e: {  	_ =	shalt  }

// kernel: kernel.22.cloned.1.call-start
scs
__scs_entry_jumppad:
0x0: {  	(pc) =	sbr.rel $0x88, $3  }
0x1: {  	(tag) =	ssettag $0x0;
	lr =	simm.s32 $0x1  }
0x2: {  	[smem:$0x3F85] =	sst lr;
	_ =	strace $0xD0000000  }
0x3: {  	_ = 	snop  }
0x4: {  	_ = 	snop  }
0x5: {  	_ = 	snop  }
0x6: {  	_ = 	snop  }
0x7: {  	_ = 	snop  }
__scs_overlays_trampoline_lowered:
0x8: {  	[smem:$0x3F94] =	sst s0  }
0x9: {  	[smem:$0x3F95] =	sst s1  }
0xa: {  	[smem:$0x3F96] =	sst s2  }
0xb: {  	[smem:$0x3F97] =	sst s3  }
0xc: {  	[smem:$0x3F98] =	sst s4  }
0xd: {  	[smem:$0x3F99] =	sst s5  }
0xe: {  	[smem:$0x3F9A] =	sst s6  }
0xf: {  	[smem:$0x3F9B] =	sst s7  }
0x10: {  	[smem:$0x3F9C] =	sst s8  }
0x11: {  	[smem:$0x3F9D] =	sst s9;
	s0 =	simm.s32 @!p0 $0x0  }
0x12: {  	s1 =	sld [smem:$0x3F83];
	s0 =	simm.s32 @p0 $0x1  }
0x13: {  	[smem:$0x3F9E] =	sst s0;
	s0 =	simm.s32 @!p1 $0x0  }
0x14: {  	s2 =	sld [smem:$0x3F82];
	s0 =	simm.s32 @p1 $0x1  }
0x15: {  	[smem:$0x3F9F] =	sst s0;
	s0 =	simm.s32 @!p2 $0x0  }
0x16: {  	s3 =	sld [smem:$0x3FDB];
	s0 =	simm.s32 @p2 $0x1  }
0x17: {  	s4 =	simm.s32 $0x1BF5;
	[smem:$0x3FA1] =	sst s0  }
0x18: {  	s0 =	sld [smem:$0x3F84];
	_ =	swait.ge [sflag:s4], $0x0  }
0x19: {  	s7 =	sld [smem:$0x3F85]  }
0x1a: {  	s8 =	sadd.s32 $0xFFFFE003, lr  }
0x1b: {  	s9 =	sadd.s32 $0xFFFFFEF7, lr;
	s5 =	simm.s32 $0xFFFFFFFF;
	p2 =	slt.u32 s8, $0xFFFFF086  }
0x1c: {  	p1 =	slt.u32 s9, $0xF7A;
	s5 =	simm.s32 @!p2 $0x0  }
0x1d: {  	s5 =	simm.s32 @p1 $0x1;
	p0 =	seq.s32 s7, s2  }
0x1e: {  	s7 =	smul.u32 @!p0 $0xF7A, s2;
	p2 =	seq.s32 @!p0 s5, $0x0  }
0x1f: {  	s9 =	smul.u32 $0xF7A, s1;
	s8 =	simm.s32 @!p0 $0x1BF5;
	p2 =	por !p2, p0  }
0x20: {  	[sflag:s8] =	ssyncset.s32 @!p0 $0xFFFFF086;
	s6 =	sadd.s32 @!p0 s3, s7;
	s7 =	simm.s32 @!p0 $0x108  }
0x21: {  	s3 =	sadd.s32 s3, s9;
	s6 =	sadd.s32 @!p0 $0x88, s6;
	s7 =	simm.s32 @p2 $0x1082  }
0x22: {  	[simem:s7], [sflag:s8] =	dma.local @!p0 [hbm:s6], $0xF7A  }
0x23: {  	s9 =	sor.u32 $0xD0000000, s2;
	s6 =	simm.s32 $0x108;
	_ =	swait.ge @!p0 [sflag:s8], $0x0  }
0x24: {  	s3 =	sadd.s32 $0x88, s3;
	s6 =	simm.s32 @!p1 $0x1082;
	[sflag:s4] =	ssyncset.s32 $0xFFFFF086  }
0x25: {  	[simem:s6], [sflag:s4] =	dma.local [hbm:s3], $0xF7A  }
0x26: {  	[smem:$0x3F85] =	sst s1;
	(tag) =	ssettag s2;
	_ =	strace s9  }
0x27: {  	s1 =	sld [smem:$0x3F95]  }
0x28: {  	s2 =	sld [smem:$0x3F96]  }
0x29: {  	s4 =	sld [smem:$0x3F98]  }
0x2a: {  	p0 =	seq.s32 s5, $0x0;
	s5 =	sld [smem:$0x3F99]  }
0x2b: {  	s6 =	sld [smem:$0x3F9A]  }
0x2c: {  	s7 =	sld [smem:$0x3F9B]  }
0x2d: {  	s3 =	simm.s32 $0x108;
	s8 =	sld [smem:$0x3F9C]  }
0x2e: {  	s3 =	simm.s32 @!p0 $0x1082;
	s9 =	sld [smem:$0x3F9D]  }
0x2f: {  	lr =	sadd.s32 s0, s3;
	s0 =	sld [smem:$0x3F94]  }
0x30: {  	s3 =	sld [smem:$0x3F97]  }
0x31: {  	[smem:$0x3FA0] =	sst s10  }
0x32: {  	s10 =	sld [smem:$0x3F9E];
	_ =	sdelay $0x3  }
0x33: {  	p0 =	seq.s32 s10, $0x1;
	s10 =	sld [smem:$0x3FA0];
	_ =	sdelay $0x3  }
0x34: {  	[smem:$0x3FA0] =	sst s10  }
0x35: {  	s10 =	sld [smem:$0x3F9F];
	_ =	sdelay $0x3  }
0x36: {  	p1 =	seq.s32 s10, $0x1;
	s10 =	sld [smem:$0x3FA0];
	_ =	sdelay $0x3  }
0x37: {  	[smem:$0x3FA0] =	sst s10  }
0x38: {  	s10 =	sld [smem:$0x3FA1]  }
0x39: {  	_ = 	snop;
	(pc) =	sbr.ind lr, $3  }
0x3a: {  	_ = 	snop  }
0x3b: {  	_ = 	snop  }
0x3c: {  	p2 =	seq.s32 s10, $0x1;
	s10 =	sld [smem:$0x3FA0]  }
0x3d: {  	_ =	shalt  }
0x3e: {  	_ =	shalt  }
0x3f: {  	_ =	shalt  }
0x40: {  	_ =	shalt  }
0x41: {  	_ =	shalt  }
0x42: {  	_ =	shalt  }
0x43: {  	_ =	shalt  }
0x44: {  	_ =	shalt  }
0x45: {  	_ =	shalt  }
0x46: {  	_ =	shalt  }
0x47: {  	_ =	shalt  }
0x48: {  	_ =	shalt  }
0x49: {  	_ =	shalt  }
0x4a: {  	_ =	shalt  }
0x4b: {  	_ =	shalt  }
0x4c: {  	_ =	shalt  }
0x4d: {  	_ =	shalt  }
0x4e: {  	_ =	shalt  }
0x4f: {  	_ =	shalt  }
0x50: {  	_ =	shalt  }
0x51: {  	_ =	shalt  }
0x52: {  	_ =	shalt  }
0x53: {  	_ =	shalt  }
0x54: {  	_ =	shalt  }
0x55: {  	_ =	shalt  }
0x56: {  	_ =	shalt  }
0x57: {  	_ =	shalt  }
0x58: {  	_ =	shalt  }
0x59: {  	_ =	shalt  }
0x5a: {  	_ =	shalt  }
0x5b: {  	_ =	shalt  }
0x5c: {  	_ =	shalt  }
0x5d: {  	_ =	shalt  }
0x5e: {  	_ =	shalt  }
0x5f: {  	_ =	shalt  }
0x60: {  	_ =	shalt  }
0x61: {  	_ =	shalt  }
0x62: {  	_ =	shalt  }
0x63: {  	_ =	shalt  }
0x64: {  	_ =	shalt  }
0x65: {  	_ =	shalt  }
0x66: {  	_ =	shalt  }
0x67: {  	_ =	shalt  }
0x68: {  	_ =	shalt  }
0x69: {  	_ =	shalt  }
0x6a: {  	_ =	shalt  }
0x6b: {  	_ =	shalt  }
0x6c: {  	_ =	shalt  }
0x6d: {  	_ =	shalt  }
0x6e: {  	_ =	shalt  }
0x6f: {  	_ =	shalt  }
0x70: {  	_ =	shalt  }
0x71: {  	_ =	shalt  }
0x72: {  	_ =	shalt  }
0x73: {  	_ =	shalt  }
0x74: {  	_ =	shalt  }
0x75: {  	_ =	shalt  }
0x76: {  	_ =	shalt  }
0x77: {  	_ =	shalt  }
0x78: {  	_ =	shalt  }
0x79: {  	_ =	shalt  }
0x7a: {  	_ =	shalt  }
0x7b: {  	_ =	shalt  }
0x7c: {  	_ =	shalt  }
0x7d: {  	_ =	shalt  }
0x7e: {  	_ =	shalt  }
0x7f: {  	_ =	shalt  }
0x80: {  	_ =	shalt  }
0x81: {  	_ =	shalt  }
0x82: {  	_ =	shalt  }
0x83: {  	_ =	shalt  }
0x84: {  	_ =	shalt  }
0x85: {  	_ =	shalt  }
0x86: {  	_ =	shalt  }
0x87: {  	_ =	shalt  }
.Lfunc_end0:
.L_simem_size_0:
called_computation.1_lowered:
.L_overlay_start_0:
0x88: {  	s2 =	sld [smem:$0x3FD9]  }
0x89: {  	s3 =	sld [smem:$0x3FFE];
	_ =	sdelay $0x1  }
0x8a: {  	s1 =	srdreg.scid  }
0x8b: {  	s0 =	sand.u32 $0x1, s1  }
0x8c: {  	s16 =	sshll.u32 s0, $0xA;
	s2 =	sadd.s32 s3, s2  }
0x8d: {  	s2 =	sadd.s32 s2, s16  }
0x8e: {  	[smem:$0x3FAC] =	sst s2  }
0x8f: {  	_ = 	snop  }
0x90: {  	(tm) =	ssettm $0x1  }
0x91: {  	s17 =	sld [smem:$0x3FFB];
	_ =	sdelay $0x3  }
0x92: {  	_ =	strace s17  }
0x93: {  	s2 =	sld [smem:$0x3FFC];
	_ =	sdelay $0x3  }
0x94: {  	_ =	strace s2  }
0x95: {  	s2 =	sld [smem:$0x3FFD];
	_ =	sdelay $0x3  }
0x96: {  	_ =	strace s2  }
0x97: {  	_ =	strace $0x8FFFFFFF  }
0x98: {  	s18 =	sld [smem:$0x3FDB];
	_ =	sdelay $0x1  }
0x99: {  	s19 =	simm.s32 $_scs_section_size  }
0x9a: {  	s4 =	simm.s32 $_size__tile_overlayer_lowered;
	s5 =	simm.s32 $_tile_overlayer_lowered  }
0x9b: {  	s22 =	simm.s32 $0x1BFF;
	s21 =	sshll.u32 s5, $0x1;
	s2 =	sadd.s32 s19, s18  }
0x9c: {  	s6 =	simm.s32 $0x0;
	s20 =	sshll.u32 s4, $0x1;
	s4 =	sadd.s32 s21, s2  }
0x9d: {  	[timem:s6], [sflag:s22] =	dma.local [hbm:s4], s20  }
0x9e: {  	_ =	swait.ge [sflag:s22], s20  }
0x9f: {  	s3 =	ssub.s32 $0x0, s20;
	[sflag:s22] =	ssyncset.done $0x0  }
0xa0: {  	[sflag:s22] =	ssyncadd.s32 s3;
	_ =	sdelay $0x1  }
0xa1: {  	s23 =	simm.s32 $0x1B8B  }
0xa2: {  	_ =	swait.ge [sflag:s23], $0x1  }
0xa3: {  	[sflag:s23] =	ssyncset.done $0x0  }
0xa4: {  	s25 =	simm.s32 $0x1B8E;
	s24 =	sld [smem:$0x3FFE];
	[sflag:s23] =	ssyncadd.s32 $0xFFFFFFFF  }
0xa5: {  	s26 =	simm.s32 $execute0_lowered;
	[smem:$0x3FD2] =	sst s25  }
0xa6: {  	s4 =	sshll.u32 s26, $0x1;
	_ =	strace $0x80000049;
	[dreg:$0x1] =	wrdreg $0xFFFFFFFF  }
0xa7: {  	s28 =	simm.s32 $_size_execute0_lowered;
	s2 =	sadd.s32 s2, s4;
	[dreg:$0x0] =	wrdreg $0x0  }
0xa8: {  	s4 =	sshll.u32 s28, $0x1;
	[dreg:$0x2] =	wrdreg s2  }
0xa9: {  	[dreg:$0x3] =	wrdreg s4  }
0xaa: {  	[dreg:$0x4] =	wrdreg $0xC0  }
0xab: {  	_ =	task [dreg:s6], $0x5FFFF  }
0xac: {  	[dreg:$0x1] =	wrdreg $0xFFFFFFFF  }
0xad: {  	[dreg:$0x0] =	wrdreg $0x60  }
0xae: {  	[dreg:$0x2] =	wrdreg s24  }
0xaf: {  	[dreg:$0x3] =	wrdreg $0x9  }
0xb0: {  	_ =	task.clear_ibuf [dreg:s6], $0x4FFFF;
	_ =	strace $0x90000049  }
0xb1: {  	s29 =	simm.s32 $0x9;
	_ =	strace $0x8000004B  }
0xb2: {  	_ =	swait.ge [sflag:s29], $0x1  }
0xb3: {  	[sflag:s29] =	ssyncadd.s32 $0xFFFFFFFF  }
0xb4: {  	_ =	strace $0x9000004B  }
0xb5: {  	_ =	sfence  }
0xb6: {  	s30 =	sld [smem:$0x0];
	_ =	sdelay $0x2  }
0xb7: {  	s31 =	sshll.u32 s1, $0xD;
	s1 =	sshrl.u32 s1, $0x2  }
0xb8: {  	s3 =	sand.u32 $0x4000, s31;
	s1 =	sadd.s32 s1, s30  }
0xb9: {  	s0 =	sor.u32 s3, s0;
	s1 =	sshll.u32 s1, $0x11  }
0xba: {  	s0 =	sor.u32 s1, s0  }
0xbb: {  	s0 =	sadd.s32 $0x8F2B, s0  }
0xbc: {  	[sflag:s0] =	ssyncadd.remote.s32 $0x1  }
0xbd: {  	_ =	sfence.sel $0xFFFF  }
0xbe: {  	[dreg:$0x0] =	wrdreg $0xFFFFFFFF;
	(pc) =	sbr.abs _section_cstart, $3  }
0xbf: {  	[dreg:$0x1] =	wrdreg $0xFFFFFFFF  }
0xc0: {  	_ =	task.clear_ibuf [dreg:s6], $0x2FFFF;
	_ =	strace $0x9FFFFFFF  }
0xc1: {  	(tm) =	ssettm $0x7FFFFFFF  }
tec
execute0_lowered:
.L_overlay_start_1:
0x0: {  	(tag) =	ssettag $0x1  }
0x1: {  	s0 =	rddreg [dreg:$0x0]  }
0x2: {  	s3 =	srdreg.scid;
	s1 =	stileid.u32;
	s2 =	simm.s32 $0x0  }
0x3: {  	s20 =	simm.s32 $0x100;
	s21 =	simm.s32 $0x6;
	s15 =	smul.u32 $0x61A800, s1  }
0x4: {  	s22 =	simm.s32 $0x4100;
	s23 =	simm.s32 $0x1;
	s17 =	smul.u32 $0xC350, s1  }
0x5: {  	s14 =	sand.u32 $0x1, s3;
	s24 =	sshll.u32 s1, $0x1;
	s19 =	smul.u32 $0xC3500, s1  }
0x6: {  	[smem:$0x7FF] =	sst s2;
	s3 =	sadd.s32 $0x6C00, s0;
	s16 =	smul.u32 $0x30D400, s14  }
0x7: {  	s4 =	sadd.s32 $0xCA200, s0;
	s0 =	sadd.s32 $0x32CC00, s0;
	s18 =	smul.u32 $0x61A8, s14  }
0x8: {  	s5 =	sor.u32 s14, s24;
	s6 =	ssub.s32 $0x2, s14;
	s14 =	smul.u32 $0x61A80, s14  }
0x9: {  	s29 =	simm.s32 $0x0;
	_ =	strace $0x8000004A;
	s9 =	smul.u32 $0x61A8, s5  }
0xa: {  	s24 =	simm.s32 $0x3;
	s7 =	smul.u32 $0x30D400, s5;
	s8 =	sshrl.u32 s6, $0x1  }
0xb: {  	s11 =	smul.u32 $0x61A80, s5;
	s31 =	sadd.s32 s19, s0;
	s19 =	simm.s32 $0x5  }
0xc: {  	s12 =	ssub.s32 s6, s8;
	s17 =	sadd.s32 s18, s17;
	s15 =	sadd.s32 s16, s15  }
0xd: {  	s16 =	sadd.s32 s14, s31;
	s10 =	sshrl.u32 s9, $0x3;
	s25 =	sadd.s32 s11, s0  }
0xe: {  	s26 =	sshrl.u32 s7, $0x3;
	s9 =	sadd.s32 $0x6180, s9;
	s11 =	smax.u32 s12, $0x1  }
0xf: {  	s18 =	sadd.s32 $0x180, s17;
	s15 =	sshrl.u32 s15, $0x3;
	s17 =	sadd.s32 $0x100, s17  }
0x10: {  	s5 =	sadd.s32 s4, s10;
	s7 =	sadd.s32 $0x60800, s25;
	s13 =	sadd.s32 s0, s26  }
0x11: {  	s28 =	sshrl.u32 s9, $0x3;
	s30 =	sshll.u32 s9, $0x4;
	s18 =	sshrl.u32 s18, $0x3  }
0x12: {  	s14 =	sadd.s32 s15, s0;
	s15 =	sadd.s32 $0x800, s16;
	s25 =	simm.s32 $0x2  }
0x13: {  	s26 =	simm.s32 $0x4;
	s6 =	sadd.s32 $0x10, s5;
	s8 =	sadd.s32 $0x61000, s13  }
0x14: {  	s9 =	sadd.s32 s4, s28;
	s10 =	sadd.s32 s0, s30;
	s12 =	sadd.s32 $0xC20, s5  }
0x15: {  	s13 =	sadd.s32 $0x60000, s13;
	s16 =	sadd.s32 s18, s4;
	s18 =	simm.s32 $0x80  }
.LBB2_1:
0x16: {  	[tilespmem:s2], [sflag:$0x5] =	stream.linear.gather [hbm4b:s5+s2], $0x80, $0x38;
	[tilespmem:$0x8100] =	vst v63  }
0x17: {  	_ = 	snop  }
0x18: {  	[tilespmem:s18], [sflag:$0x6] =	stream.linear.gather [hbm4b:s6+s2], $0x80, $0x38;
	[tilespmem:$0x8100] =	vst v63  }
0x19: {  	_ =	swait.ge [sflag:s19], $0x80  }
0x1a: {  	[sflag:s19] =	ssyncset.done $0x0  }
0x1b: {  	[sflag:s19] =	ssyncadd.s32 $0xFFFFFF80  }
0x1c: {  	[tilespmem:s20], [sflag:$0x1] =	stream.indirect.gather [hbm4b:s3+s18], $0x80, s2, s18, $0xb8;
	[tilespmem:$0x8100] =	vst v63  }
0x1d: {  	_ =	swait.ge [sflag:s21], $0x80  }
0x1e: {  	[sflag:s21] =	ssyncset.done $0x0  }
0x1f: {  	[sflag:s21] =	ssyncadd.s32 $0xFFFFFF80  }
0x20: {  	[tilespmem:s22], [sflag:$0x2] =	stream.indirect.gather [hbm4b:s3+s18], $0x80, s18, s18, $0xb8;
	[tilespmem:$0x8100] =	vst v63  }
0x21: {  	_ =	swait.ge [sflag:s23], $0x4000  }
0x22: {  	s0 =	sshrl.u32 s17, $0x3;
	[sflag:s23] =	ssyncset.done $0x0  }
0x23: {  	s0 =	sadd.s32 s4, s0;
	[sflag:s23] =	ssyncadd.s32 $0xFFFFC000  }
0x24: {  	[tilespmem:s2], [sflag:$0x5] =	stream.linear.gather [hbm4b:s0+s2], $0x80, $0x38;
	[tilespmem:$0x8100] =	vst v63  }
0x25: {  	s1 =	sadd.s32 $0x0, s14  }
0x26: {  	[hbm4b:s1+s2] =	stream.linear.scatter [tilespmem:s20], [sflag:$0x3], $0x4000, $0x38;
	[tilespmem:$0x8100] =	vst v63  }
0x27: {  	_ =	swait.ge [sflag:s24], $0x4000  }
0x28: {  	[sflag:s24] =	ssyncset.done $0x0  }
0x29: {  	[sflag:s24] =	ssyncadd.s32 $0xFFFFC000  }
0x2a: {  	_ =	swait.ge [sflag:s19], $0x80  }
0x2b: {  	[sflag:s19] =	ssyncset.done $0x0  }
0x2c: {  	[sflag:s19] =	ssyncadd.s32 $0xFFFFFF80  }
0x2d: {  	[tilespmem:s20], [sflag:$0x1] =	stream.indirect.gather [hbm4b:s3+s18], $0x80, s2, s18, $0xb8;
	[tilespmem:$0x8100] =	vst v63  }
0x2e: {  	_ =	swait.ge [sflag:s25], $0x4000  }
0x2f: {  	[sflag:s25] =	ssyncset.done $0x0  }
0x30: {  	[sflag:s25] =	ssyncadd.s32 $0xFFFFC000  }
0x31: {  	[tilespmem:s18], [sflag:$0x6] =	stream.linear.gather [hbm4b:s16+s2], $0x80, $0x38;
	[tilespmem:$0x8100] =	vst v63  }
0x32: {  	s28 =	sadd.s32 $0x0, s15  }
0x33: {  	[hbm4b:s28+s2] =	stream.linear.scatter [tilespmem:s22], [sflag:$0x4], $0x4000, $0x38;
	[tilespmem:$0x8100] =	vst v63  }
0x34: {  	_ =	swait.ge [sflag:s26], $0x4000  }
0x35: {  	[sflag:s26] =	ssyncset.done $0x0  }
0x36: {  	[sflag:s26] =	ssyncadd.s32 $0xFFFFC000  }
0x37: {  	_ =	swait.ge [sflag:s21], $0x80  }
0x38: {  	s30 =	simm.s32 $0x1000;
	[sflag:s21] =	ssyncset.done $0x0  }
0x39: {  	s31 =	sadd.s32 $0x20, s16;
	s0 =	sadd.s32 $0x100, s17;
	[sflag:s21] =	ssyncadd.s32 $0xFFFFFF80  }
.LBB2_2:
0x3a: {  	[tilespmem:s22], [sflag:$0x2] =	stream.indirect.gather [hbm4b:s3+s18], $0x80, s18, s18, $0xb8;
	[tilespmem:$0x8100] =	vst v63  }
0x3b: {  	s1 =	smov.u32 s30  }
0x3c: {  	p0 =	sne.s32 s30, $0x5F000;
	s30 =	sadd.s32 $0x1000, s30;
	_ =	swait.ge [sflag:s23], $0x4000  }
0x3d: {  	s28 =	sshrl.u32 s0, $0x3;
	[sflag:s23] =	ssyncset.done $0x0  }
0x3e: {  	s28 =	sadd.s32 s4, s28;
	[sflag:s23] =	ssyncadd.s32 $0xFFFFC000  }
0x3f: {  	[tilespmem:s2], [sflag:$0x5] =	stream.linear.gather [hbm4b:s28+s2], $0x80, $0x38;
	[tilespmem:$0x8100] =	vst v63  }
0x40: {  	s28 =	sadd.s32 s1, s14  }
0x41: {  	[hbm4b:s28+s2] =	stream.linear.scatter [tilespmem:s20], [sflag:$0x3], $0x4000, $0x38;
	[tilespmem:$0x8100] =	vst v63  }
0x42: {  	_ =	swait.ge [sflag:s24], $0x4000  }
0x43: {  	[sflag:s24] =	ssyncset.done $0x0  }
0x44: {  	[sflag:s24] =	ssyncadd.s32 $0xFFFFC000  }
0x45: {  	_ =	swait.ge [sflag:s19], $0x80  }
0x46: {  	[sflag:s19] =	ssyncset.done $0x0  }
0x47: {  	[sflag:s19] =	ssyncadd.s32 $0xFFFFFF80  }
0x48: {  	[tilespmem:s20], [sflag:$0x1] =	stream.indirect.gather [hbm4b:s3+s18], $0x80, s2, s18, $0xb8;
	[tilespmem:$0x8100] =	vst v63  }
0x49: {  	_ =	swait.ge [sflag:s25], $0x4000  }
0x4a: {  	[sflag:s25] =	ssyncset.done $0x0  }
0x4b: {  	[sflag:s25] =	ssyncadd.s32 $0xFFFFC000  }
0x4c: {  	[tilespmem:s18], [sflag:$0x6] =	stream.linear.gather [hbm4b:s31+s2], $0x80, $0x38;
	[tilespmem:$0x8100] =	vst v63  }
0x4d: {  	s1 =	sadd.s32 s1, s15  }
0x4e: {  	[hbm4b:s1+s2] =	stream.linear.scatter [tilespmem:s22], [sflag:$0x4], $0x4000, $0x38;
	[tilespmem:$0x8100] =	vst v63  }
0x4f: {  	_ =	swait.ge [sflag:s26], $0x4000  }
.Ltmp0:
0x50: {  	[sflag:s26] =	ssyncset.done $0x0;
	(pc) =	sbr.rel @p0 .LBB2_2-.Ltmp0, $4  }
0x51: {  	[sflag:s26] =	ssyncadd.s32 $0xFFFFC000  }
0x52: {  	_ =	swait.ge [sflag:s21], $0x80  }
0x53: {  	[sflag:s21] =	ssyncset.done $0x0  }
0x54: {  	s0 =	sadd.s32 $0x100, s0;
	s31 =	sadd.s32 $0x20, s31;
	[sflag:s21] =	ssyncadd.s32 $0xFFFFFF80  }
0x55: {  	[tilespmem:s22], [sflag:$0x2] =	stream.indirect.gather [hbm4b:s3+s18], $0x80, s18, s18, $0xb8;
	[tilespmem:$0x8100] =	vst v63  }
0x56: {  	_ =	swait.ge [sflag:s23], $0x4000  }
0x57: {  	[sflag:s23] =	ssyncset.done $0x0  }
0x58: {  	[sflag:s23] =	ssyncadd.s32 $0xFFFFC000  }
0x59: {  	[tilespmem:s2], [sflag:$0x5] =	stream.linear.gather [hbm4b:s12+s2], $0x80, $0x38;
	[tilespmem:$0x8100] =	vst v63  }
0x5a: {  	_ = 	snop  }
0x5b: {  	[hbm4b:s13+s2] =	stream.linear.scatter [tilespmem:s20], [sflag:$0x3], $0x4000, $0x38;
	[tilespmem:$0x8100] =	vst v63  }
0x5c: {  	_ =	swait.ge [sflag:s24], $0x4000  }
0x5d: {  	[sflag:s24] =	ssyncset.done $0x0  }
0x5e: {  	[sflag:s24] =	ssyncadd.s32 $0xFFFFC000  }
0x5f: {  	_ =	swait.ge [sflag:s19], $0x80  }
0x60: {  	[sflag:s19] =	ssyncset.done $0x0  }
0x61: {  	[sflag:s19] =	ssyncadd.s32 $0xFFFFFF80  }
0x62: {  	[tilespmem:s20], [sflag:$0x1] =	stream.indirect.gather [hbm4b:s3+s18], $0x80, s2, s18, $0xb8;
	[tilespmem:$0x8100] =	vst v63  }
0x63: {  	_ =	swait.ge [sflag:s25], $0x4000  }
0x64: {  	[sflag:s25] =	ssyncset.done $0x0  }
0x65: {  	[sflag:s25] =	ssyncadd.s32 $0xFFFFC000  }
0x66: {  	[hbm4b:s7+s2] =	stream.linear.scatter [tilespmem:s22], [sflag:$0x4], $0x4000, $0x38;
	[tilespmem:$0x8100] =	vst v63  }
0x67: {  	_ =	swait.ge [sflag:s23], $0x4000  }
0x68: {  	[sflag:s23] =	ssyncset.done $0x0  }
0x69: {  	[sflag:s23] =	ssyncadd.s32 $0xFFFFC000  }
0x6a: {  	[hbm4b:s8+s2] =	stream.linear.scatter [tilespmem:s20], [sflag:$0x3], $0x4000, $0x38;
	[tilespmem:$0x8100] =	vst v63  }
0x6b: {  	_ =	swait.ge [sflag:s26], $0x4000  }
0x6c: {  	[sflag:s26] =	ssyncset.done $0x0  }
0x6d: {  	[sflag:s26] =	ssyncadd.s32 $0xFFFFC000  }
0x6e: {  	[tilespmem:s18], [sflag:$0x6] =	stream.linear.gather [hbm4b:s9+s2], $0x28, $0x38;
	[tilespmem:$0x8100] =	vst v63  }
0x6f: {  	_ =	swait.ge [sflag:s21], $0x28  }
0x70: {  	[sflag:s21] =	ssyncset.done $0x0  }
0x71: {  	s0 =	simm.s32 $0x28;
	[sflag:s21] =	ssyncadd.s32 $0xFFFFFFD8  }
0x72: {  	[tilespmem:s22], [sflag:$0x2] =	stream.indirect.gather [hbm4b:s3+s0], $0x80, s18, s0, $0xb8;
	[tilespmem:$0x8100] =	vst v63  }
0x73: {  	_ =	swait.ge [sflag:s25], $0x1400  }
0x74: {  	[sflag:s25] =	ssyncset.done $0x0  }
0x75: {  	s29 =	sadd.s32 $0x1, s29;
	[sflag:s25] =	ssyncadd.s32 $0xFFFFEC00  }
0x76: {  	[hbm4b:s10+s2] =	stream.linear.scatter [tilespmem:s22], [sflag:$0x4], $0x1400, $0x38;
	[tilespmem:$0x8100] =	vst v63  }
0x77: {  	p0 =	sne.s32 s29, s11;
	_ =	swait.ge [sflag:s26], $0x1400  }
.Ltmp1:
0x78: {  	[sflag:s26] =	ssyncset.done $0x0;
	(pc) =	sbr.rel @p0 .LBB2_1-.Ltmp1, $4  }
0x79: {  	[sflag:s26] =	ssyncadd.s32 $0xFFFFEC00  }
0x7a: {  	_ =	swait.ge [sflag:s24], $0x4000  }
0x7b: {  	[sflag:s24] =	ssyncset.done $0x0  }
0x7c: {  	[sflag:s24] =	ssyncadd.s32 $0xFFFFC000  }
0x7d: {  	_ =	sfence.sel $0x180000  }
0x7e: {  	[bflag:$0x0] =	sbarrier.arrive $0xFFFF  }
0x7f: {  	_ =	strace $0x9000004A  }
0x80: {  	s0 =	stileid.u32;
	[bflag:$0x2] =	sbarrier.arrive $0xFFFF  }
0x81: {  	p0 =	sne.s32 s0, $0x0;
	s0 =	rddreg [dreg:$0x1]  }
0x82: {  	s0 =	sadd.s32 @!p0 $0x100000, s0  }
0x83: {  	[sflag:s0] =	ssyncadd.tile.s32 @!p0 $0x1;
	_ =	shalt  }
.Lfunc_end2:
_tile_overlayer_lowered:
.L_overlay_start_2:
0x84: {  	(tag) =	ssettag $0x2  }
0x85: {  	s0 =	rddreg [dreg:$0x0];
	s2 =	stileid.u32  }
0x86: {  	s1 =	rddreg [dreg:$0x1];
	p0 =	sne.s32 s2, $0x0  }
0x87: {  	s3 =	rddreg [dreg:$0x2];
	[bflag:$0x3] =	sbarrier.arrive $0xFFFF;
	s2 =	simm.s32 @!p0 $0x1C07  }
0x88: {  	[timem:s3], [sflag:s2] =	dma.local @!p0 [hbm:s0], s1  }
0x89: {  	s0 =	simm.s32 @!p0 $0x7  }
0x8a: {  	_ =	swait.ge @!p0 [sflag:s0], s1  }
0x8b: {  	s1 =	ssub.s32 @!p0 $0x0, s1;
	[sflag:s0] =	ssyncset.done @!p0 $0x0  }
0x8c: {  	[sflag:s0] =	ssyncadd.s32 @!p0 s1  }
0x8d: {  	[bflag:$0x3] =	sbarrier.arrive $0xFFFF  }
0x8e: {  	_ =	shalt  }

// kernel: kernel.25.cloned.1.call-start
scs
__scs_entry_jumppad:
0x0: {  	(pc) =	sbr.rel $0x88, $3  }
0x1: {  	(tag) =	ssettag $0x0;
	lr =	simm.s32 $0x1  }
0x2: {  	[smem:$0x3F85] =	sst lr;
	_ =	strace $0xD0000000  }
0x3: {  	_ = 	snop  }
0x4: {  	_ = 	snop  }
0x5: {  	_ = 	snop  }
0x6: {  	_ = 	snop  }
0x7: {  	_ = 	snop  }
__scs_overlays_trampoline_lowered:
0x8: {  	[smem:$0x3F94] =	sst s0  }
0x9: {  	[smem:$0x3F95] =	sst s1  }
0xa: {  	[smem:$0x3F96] =	sst s2  }
0xb: {  	[smem:$0x3F97] =	sst s3  }
0xc: {  	[smem:$0x3F98] =	sst s4  }
0xd: {  	[smem:$0x3F99] =	sst s5  }
0xe: {  	[smem:$0x3F9A] =	sst s6  }
0xf: {  	[smem:$0x3F9B] =	sst s7  }
0x10: {  	[smem:$0x3F9C] =	sst s8  }
0x11: {  	[smem:$0x3F9D] =	sst s9;
	s0 =	simm.s32 @!p0 $0x0  }
0x12: {  	s1 =	sld [smem:$0x3F83];
	s0 =	simm.s32 @p0 $0x1  }
0x13: {  	[smem:$0x3F9E] =	sst s0;
	s0 =	simm.s32 @!p1 $0x0  }
0x14: {  	s2 =	sld [smem:$0x3F82];
	s0 =	simm.s32 @p1 $0x1  }
0x15: {  	[smem:$0x3F9F] =	sst s0;
	s0 =	simm.s32 @!p2 $0x0  }
0x16: {  	s3 =	sld [smem:$0x3FDB];
	s0 =	simm.s32 @p2 $0x1  }
0x17: {  	s4 =	simm.s32 $0x1BF5;
	[smem:$0x3FA1] =	sst s0  }
0x18: {  	s0 =	sld [smem:$0x3F84];
	_ =	swait.ge [sflag:s4], $0x0  }
0x19: {  	s7 =	sld [smem:$0x3F85]  }
0x1a: {  	s8 =	sadd.s32 $0xFFFFE003, lr  }
0x1b: {  	s9 =	sadd.s32 $0xFFFFFEF7, lr;
	s5 =	simm.s32 $0xFFFFFFFF;
	p2 =	slt.u32 s8, $0xFFFFF086  }
0x1c: {  	p1 =	slt.u32 s9, $0xF7A;
	s5 =	simm.s32 @!p2 $0x0  }
0x1d: {  	s5 =	simm.s32 @p1 $0x1;
	p0 =	seq.s32 s7, s2  }
0x1e: {  	s7 =	smul.u32 @!p0 $0xF7A, s2;
	p2 =	seq.s32 @!p0 s5, $0x0  }
0x1f: {  	s9 =	smul.u32 $0xF7A, s1;
	s8 =	simm.s32 @!p0 $0x1BF5;
	p2 =	por !p2, p0  }
0x20: {  	[sflag:s8] =	ssyncset.s32 @!p0 $0xFFFFF086;
	s6 =	sadd.s32 @!p0 s3, s7;
	s7 =	simm.s32 @!p0 $0x108  }
0x21: {  	s3 =	sadd.s32 s3, s9;
	s6 =	sadd.s32 @!p0 $0x88, s6;
	s7 =	simm.s32 @p2 $0x1082  }
0x22: {  	[simem:s7], [sflag:s8] =	dma.local @!p0 [hbm:s6], $0xF7A  }
0x23: {  	s9 =	sor.u32 $0xD0000000, s2;
	s6 =	simm.s32 $0x108;
	_ =	swait.ge @!p0 [sflag:s8], $0x0  }
0x24: {  	s3 =	sadd.s32 $0x88, s3;
	s6 =	simm.s32 @!p1 $0x1082;
	[sflag:s4] =	ssyncset.s32 $0xFFFFF086  }
0x25: {  	[simem:s6], [sflag:s4] =	dma.local [hbm:s3], $0xF7A  }
0x26: {  	[smem:$0x3F85] =	sst s1;
	(tag) =	ssettag s2;
	_ =	strace s9  }
0x27: {  	s1 =	sld [smem:$0x3F95]  }
0x28: {  	s2 =	sld [smem:$0x3F96]  }
0x29: {  	s4 =	sld [smem:$0x3F98]  }
0x2a: {  	p0 =	seq.s32 s5, $0x0;
	s5 =	sld [smem:$0x3F99]  }
0x2b: {  	s6 =	sld [smem:$0x3F9A]  }
0x2c: {  	s7 =	sld [smem:$0x3F9B]  }
0x2d: {  	s3 =	simm.s32 $0x108;
	s8 =	sld [smem:$0x3F9C]  }
0x2e: {  	s3 =	simm.s32 @!p0 $0x1082;
	s9 =	sld [smem:$0x3F9D]  }
0x2f: {  	lr =	sadd.s32 s0, s3;
	s0 =	sld [smem:$0x3F94]  }
0x30: {  	s3 =	sld [smem:$0x3F97]  }
0x31: {  	[smem:$0x3FA0] =	sst s10  }
0x32: {  	s10 =	sld [smem:$0x3F9E];
	_ =	sdelay $0x3  }
0x33: {  	p0 =	seq.s32 s10, $0x1;
	s10 =	sld [smem:$0x3FA0];
	_ =	sdelay $0x3  }
0x34: {  	[smem:$0x3FA0] =	sst s10  }
0x35: {  	s10 =	sld [smem:$0x3F9F];
	_ =	sdelay $0x3  }
0x36: {  	p1 =	seq.s32 s10, $0x1;
	s10 =	sld [smem:$0x3FA0];
	_ =	sdelay $0x3  }
0x37: {  	[smem:$0x3FA0] =	sst s10  }
0x38: {  	s10 =	sld [smem:$0x3FA1]  }
0x39: {  	_ = 	snop;
	(pc) =	sbr.ind lr, $3  }
0x3a: {  	_ = 	snop  }
0x3b: {  	_ = 	snop  }
0x3c: {  	p2 =	seq.s32 s10, $0x1;
	s10 =	sld [smem:$0x3FA0]  }
0x3d: {  	_ =	shalt  }
0x3e: {  	_ =	shalt  }
0x3f: {  	_ =	shalt  }
0x40: {  	_ =	shalt  }
0x41: {  	_ =	shalt  }
0x42: {  	_ =	shalt  }
0x43: {  	_ =	shalt  }
0x44: {  	_ =	shalt  }
0x45: {  	_ =	shalt  }
0x46: {  	_ =	shalt  }
0x47: {  	_ =	shalt  }
0x48: {  	_ =	shalt  }
0x49: {  	_ =	shalt  }
0x4a: {  	_ =	shalt  }
0x4b: {  	_ =	shalt  }
0x4c: {  	_ =	shalt  }
0x4d: {  	_ =	shalt  }
0x4e: {  	_ =	shalt  }
0x4f: {  	_ =	shalt  }
0x50: {  	_ =	shalt  }
0x51: {  	_ =	shalt  }
0x52: {  	_ =	shalt  }
0x53: {  	_ =	shalt  }
0x54: {  	_ =	shalt  }
0x55: {  	_ =	shalt  }
0x56: {  	_ =	shalt  }
0x57: {  	_ =	shalt  }
0x58: {  	_ =	shalt  }
0x59: {  	_ =	shalt  }
0x5a: {  	_ =	shalt  }
0x5b: {  	_ =	shalt  }
0x5c: {  	_ =	shalt  }
0x5d: {  	_ =	shalt  }
0x5e: {  	_ =	shalt  }
0x5f: {  	_ =	shalt  }
0x60: {  	_ =	shalt  }
0x61: {  	_ =	shalt  }
0x62: {  	_ =	shalt  }
0x63: {  	_ =	shalt  }
0x64: {  	_ =	shalt  }
0x65: {  	_ =	shalt  }
0x66: {  	_ =	shalt  }
0x67: {  	_ =	shalt  }
0x68: {  	_ =	shalt  }
0x69: {  	_ =	shalt  }
0x6a: {  	_ =	shalt  }
0x6b: {  	_ =	shalt  }
0x6c: {  	_ =	shalt  }
0x6d: {  	_ =	shalt  }
0x6e: {  	_ =	shalt  }
0x6f: {  	_ =	shalt  }
0x70: {  	_ =	shalt  }
0x71: {  	_ =	shalt  }
0x72: {  	_ =	shalt  }
0x73: {  	_ =	shalt  }
0x74: {  	_ =	shalt  }
0x75: {  	_ =	shalt  }
0x76: {  	_ =	shalt  }
0x77: {  	_ =	shalt  }
0x78: {  	_ =	shalt  }
0x79: {  	_ =	shalt  }
0x7a: {  	_ =	shalt  }
0x7b: {  	_ =	shalt  }
0x7c: {  	_ =	shalt  }
0x7d: {  	_ =	shalt  }
0x7e: {  	_ =	shalt  }
0x7f: {  	_ =	shalt  }
0x80: {  	_ =	shalt  }
0x81: {  	_ =	shalt  }
0x82: {  	_ =	shalt  }
0x83: {  	_ =	shalt  }
0x84: {  	_ =	shalt  }
0x85: {  	_ =	shalt  }
0x86: {  	_ =	shalt  }
0x87: {  	_ =	shalt  }
.Lfunc_end0:
.L_simem_size_0:
called_computation.2_lowered:
.L_overlay_start_0:
0x88: {  	s2 =	sld [smem:$0x3FD9]  }
0x89: {  	s3 =	sld [smem:$0x3FFE];
	_ =	sdelay $0x1  }
0x8a: {  	s1 =	srdreg.scid  }
0x8b: {  	s0 =	sand.u32 $0x1, s1  }
0x8c: {  	s16 =	sshll.u32 s0, $0xA;
	s2 =	sadd.s32 s3, s2  }
0x8d: {  	s2 =	sadd.s32 s2, s16  }
0x8e: {  	[smem:$0x3FAC] =	sst s2  }
0x8f: {  	_ = 	snop  }
0x90: {  	(tm) =	ssettm $0x1  }
0x91: {  	s17 =	sld [smem:$0x3FFB];
	_ =	sdelay $0x3  }
0x92: {  	_ =	strace s17  }
0x93: {  	s2 =	sld [smem:$0x3FFC];
	_ =	sdelay $0x3  }
0x94: {  	_ =	strace s2  }
0x95: {  	s2 =	sld [smem:$0x3FFD];
	_ =	sdelay $0x3  }
0x96: {  	_ =	strace s2  }
0x97: {  	_ =	strace $0x8FFFFFFF  }
0x98: {  	s18 =	sld [smem:$0x3FDB];
	_ =	sdelay $0x1  }
0x99: {  	s19 =	simm.s32 $_scs_section_size  }
0x9a: {  	s4 =	simm.s32 $_size__tile_overlayer_lowered;
	s5 =	simm.s32 $_tile_overlayer_lowered  }
0x9b: {  	s22 =	simm.s32 $0x1BFF;
	s21 =	sshll.u32 s5, $0x1;
	s2 =	sadd.s32 s19, s18  }
0x9c: {  	s6 =	simm.s32 $0x0;
	s20 =	sshll.u32 s4, $0x1;
	s4 =	sadd.s32 s21, s2  }
0x9d: {  	[timem:s6], [sflag:s22] =	dma.local [hbm:s4], s20  }
0x9e: {  	_ =	swait.ge [sflag:s22], s20  }
0x9f: {  	s3 =	ssub.s32 $0x0, s20;
	[sflag:s22] =	ssyncset.done $0x0  }
0xa0: {  	[sflag:s22] =	ssyncadd.s32 s3;
	_ =	sdelay $0x1  }
0xa1: {  	s23 =	simm.s32 $0x1B8B  }
0xa2: {  	_ =	swait.ge [sflag:s23], $0x1  }
0xa3: {  	[sflag:s23] =	ssyncset.done $0x0  }
0xa4: {  	s25 =	simm.s32 $0x1B8E;
	s24 =	sld [smem:$0x3FFE];
	[sflag:s23] =	ssyncadd.s32 $0xFFFFFFFF  }
0xa5: {  	s26 =	simm.s32 $execute0_lowered;
	[smem:$0x3FD2] =	sst s25  }
0xa6: {  	s4 =	sshll.u32 s26, $0x1;
	_ =	strace $0x8000004C;
	[dreg:$0x1] =	wrdreg $0xFFFFFFFF  }
0xa7: {  	s28 =	simm.s32 $_size_execute0_lowered;
	s2 =	sadd.s32 s2, s4;
	[dreg:$0x0] =	wrdreg $0x0  }
0xa8: {  	s4 =	sshll.u32 s28, $0x1;
	[dreg:$0x2] =	wrdreg s2  }
0xa9: {  	[dreg:$0x3] =	wrdreg s4  }
0xaa: {  	[dreg:$0x4] =	wrdreg $0xC0  }
0xab: {  	_ =	task [dreg:s6], $0x5FFFF  }
0xac: {  	[dreg:$0x1] =	wrdreg $0xFFFFFFFF  }
0xad: {  	[dreg:$0x0] =	wrdreg $0x60  }
0xae: {  	[dreg:$0x2] =	wrdreg s24  }
0xaf: {  	[dreg:$0x3] =	wrdreg $0x9  }
0xb0: {  	_ =	task.clear_ibuf [dreg:s6], $0x4FFFF;
	_ =	strace $0x9000004C  }
0xb1: {  	s29 =	simm.s32 $0x9;
	_ =	strace $0x8000004E  }
0xb2: {  	_ =	swait.ge [sflag:s29], $0x1  }
0xb3: {  	[sflag:s29] =	ssyncadd.s32 $0xFFFFFFFF  }
0xb4: {  	_ =	strace $0x9000004E  }
0xb5: {  	_ =	sfence  }
0xb6: {  	s30 =	sld [smem:$0x0];
	_ =	sdelay $0x2  }
0xb7: {  	s31 =	sshll.u32 s1, $0xD;
	s1 =	sshrl.u32 s1, $0x2  }
0xb8: {  	s3 =	sand.u32 $0x4000, s31;
	s1 =	sadd.s32 s1, s30  }
0xb9: {  	s0 =	sor.u32 s3, s0;
	s1 =	sshll.u32 s1, $0x11  }
0xba: {  	s0 =	sor.u32 s1, s0  }
0xbb: {  	s0 =	sadd.s32 $0x8F2B, s0  }
0xbc: {  	[sflag:s0] =	ssyncadd.remote.s32 $0x1  }
0xbd: {  	_ =	sfence.sel $0xFFFF  }
0xbe: {  	[dreg:$0x0] =	wrdreg $0xFFFFFFFF;
	(pc) =	sbr.abs _section_cstart, $3  }
0xbf: {  	[dreg:$0x1] =	wrdreg $0xFFFFFFFF  }
0xc0: {  	_ =	task.clear_ibuf [dreg:s6], $0x2FFFF;
	_ =	strace $0x9FFFFFFF  }
0xc1: {  	(tm) =	ssettm $0x7FFFFFFF  }
tec
execute0_lowered:
.L_overlay_start_1:
0x0: {  	(tag) =	ssettag $0x1  }
0x1: {  	s0 =	rddreg [dreg:$0x0]  }
0x2: {  	s3 =	srdreg.scid;
	s1 =	stileid.u32;
	s2 =	simm.s32 $0x0  }
0x3: {  	s20 =	simm.s32 $0x100;
	s21 =	simm.s32 $0x6;
	s15 =	smul.u32 $0x61A800, s1  }
0x4: {  	s22 =	simm.s32 $0x4100;
	s23 =	simm.s32 $0x1;
	s17 =	smul.u32 $0xC350, s1  }
0x5: {  	s14 =	sand.u32 $0x1, s3;
	s24 =	sshll.u32 s1, $0x1;
	s19 =	smul.u32 $0xC3500, s1  }
0x6: {  	[smem:$0x7FF] =	sst s2;
	s3 =	sadd.s32 $0x6C00, s0;
	s16 =	smul.u32 $0x30D400, s14  }
0x7: {  	s4 =	sadd.s32 $0xCA200, s0;
	s0 =	sadd.s32 $0x32CC00, s0;
	s18 =	smul.u32 $0x61A8, s14  }
0x8: {  	s5 =	sor.u32 s14, s24;
	s6 =	ssub.s32 $0x2, s14;
	s14 =	smul.u32 $0x61A80, s14  }
0x9: {  	s29 =	simm.s32 $0x0;
	_ =	strace $0x8000004D;
	s9 =	smul.u32 $0x61A8, s5  }
0xa: {  	s24 =	simm.s32 $0x3;
	s7 =	smul.u32 $0x30D400, s5;
	s8 =	sshrl.u32 s6, $0x1  }
0xb: {  	s11 =	smul.u32 $0x61A80, s5;
	s31 =	sadd.s32 s19, s0;
	s19 =	simm.s32 $0x5  }
0xc: {  	s12 =	ssub.s32 s6, s8;
	s17 =	sadd.s32 s18, s17;
	s15 =	sadd.s32 s16, s15  }
0xd: {  	s16 =	sadd.s32 s14, s31;
	s10 =	sshrl.u32 s9, $0x3;
	s25 =	sadd.s32 s11, s0  }
0xe: {  	s26 =	sshrl.u32 s7, $0x3;
	s9 =	sadd.s32 $0x6180, s9;
	s11 =	smax.u32 s12, $0x1  }
0xf: {  	s18 =	sadd.s32 $0x180, s17;
	s15 =	sshrl.u32 s15, $0x3;
	s17 =	sadd.s32 $0x100, s17  }
0x10: {  	s5 =	sadd.s32 s4, s10;
	s7 =	sadd.s32 $0x60800, s25;
	s13 =	sadd.s32 s0, s26  }
0x11: {  	s28 =	sshrl.u32 s9, $0x3;
	s30 =	sshll.u32 s9, $0x4;
	s18 =	sshrl.u32 s18, $0x3  }
0x12: {  	s14 =	sadd.s32 s15, s0;
	s15 =	sadd.s32 $0x800, s16;
	s25 =	simm.s32 $0x2  }
0x13: {  	s26 =	simm.s32 $0x4;
	s6 =	sadd.s32 $0x10, s5;
	s8 =	sadd.s32 $0x61000, s13  }
0x14: {  	s9 =	sadd.s32 s4, s28;
	s10 =	sadd.s32 s0, s30;
	s12 =	sadd.s32 $0xC20, s5  }
0x15: {  	s13 =	sadd.s32 $0x60000, s13;
	s16 =	sadd.s32 s18, s4;
	s18 =	simm.s32 $0x80  }
.LBB2_1:
0x16: {  	[tilespmem:s2], [sflag:$0x5] =	stream.linear.gather [hbm4b:s5+s2], $0x80, $0x38;
	[tilespmem:$0x8100] =	vst v63  }
0x17: {  	_ = 	snop  }
0x18: {  	[tilespmem:s18], [sflag:$0x6] =	stream.linear.gather [hbm4b:s6+s2], $0x80, $0x38;
	[tilespmem:$0x8100] =	vst v63  }
0x19: {  	_ =	swait.ge [sflag:s19], $0x80  }
0x1a: {  	[sflag:s19] =	ssyncset.done $0x0  }
0x1b: {  	[sflag:s19] =	ssyncadd.s32 $0xFFFFFF80  }
0x1c: {  	[tilespmem:s20], [sflag:$0x1] =	stream.indirect.gather [hbm4b:s3+s18], $0x80, s2, s18, $0xb8;
	[tilespmem:$0x8100] =	vst v63  }
0x1d: {  	_ =	swait.ge [sflag:s21], $0x80  }
0x1e: {  	[sflag:s21] =	ssyncset.done $0x0  }
0x1f: {  	[sflag:s21] =	ssyncadd.s32 $0xFFFFFF80  }
0x20: {  	[tilespmem:s22], [sflag:$0x2] =	stream.indirect.gather [hbm4b:s3+s18], $0x80, s18, s18, $0xb8;
	[tilespmem:$0x8100] =	vst v63  }
0x21: {  	_ =	swait.ge [sflag:s23], $0x4000  }
0x22: {  	s0 =	sshrl.u32 s17, $0x3;
	[sflag:s23] =	ssyncset.done $0x0  }
0x23: {  	s0 =	sadd.s32 s4, s0;
	[sflag:s23] =	ssyncadd.s32 $0xFFFFC000  }
0x24: {  	[tilespmem:s2], [sflag:$0x5] =	stream.linear.gather [hbm4b:s0+s2], $0x80, $0x38;
	[tilespmem:$0x8100] =	vst v63  }
0x25: {  	s1 =	sadd.s32 $0x0, s14  }
0x26: {  	[hbm4b:s1+s2] =	stream.linear.scatter [tilespmem:s20], [sflag:$0x3], $0x4000, $0x38;
	[tilespmem:$0x8100] =	vst v63  }
0x27: {  	_ =	swait.ge [sflag:s24], $0x4000  }
0x28: {  	[sflag:s24] =	ssyncset.done $0x0  }
0x29: {  	[sflag:s24] =	ssyncadd.s32 $0xFFFFC000  }
0x2a: {  	_ =	swait.ge [sflag:s19], $0x80  }
0x2b: {  	[sflag:s19] =	ssyncset.done $0x0  }
0x2c: {  	[sflag:s19] =	ssyncadd.s32 $0xFFFFFF80  }
0x2d: {  	[tilespmem:s20], [sflag:$0x1] =	stream.indirect.gather [hbm4b:s3+s18], $0x80, s2, s18, $0xb8;
	[tilespmem:$0x8100] =	vst v63  }
0x2e: {  	_ =	swait.ge [sflag:s25], $0x4000  }
0x2f: {  	[sflag:s25] =	ssyncset.done $0x0  }
0x30: {  	[sflag:s25] =	ssyncadd.s32 $0xFFFFC000  }
0x31: {  	[tilespmem:s18], [sflag:$0x6] =	stream.linear.gather [hbm4b:s16+s2], $0x80, $0x38;
	[tilespmem:$0x8100] =	vst v63  }
0x32: {  	s28 =	sadd.s32 $0x0, s15  }
0x33: {  	[hbm4b:s28+s2] =	stream.linear.scatter [tilespmem:s22], [sflag:$0x4], $0x4000, $0x38;
	[tilespmem:$0x8100] =	vst v63  }
0x34: {  	_ =	swait.ge [sflag:s26], $0x4000  }
0x35: {  	[sflag:s26] =	ssyncset.done $0x0  }
0x36: {  	[sflag:s26] =	ssyncadd.s32 $0xFFFFC000  }
0x37: {  	_ =	swait.ge [sflag:s21], $0x80  }
0x38: {  	s30 =	simm.s32 $0x1000;
	[sflag:s21] =	ssyncset.done $0x0  }
0x39: {  	s31 =	sadd.s32 $0x20, s16;
	s0 =	sadd.s32 $0x100, s17;
	[sflag:s21] =	ssyncadd.s32 $0xFFFFFF80  }
.LBB2_2:
0x3a: {  	[tilespmem:s22], [sflag:$0x2] =	stream.indirect.gather [hbm4b:s3+s18], $0x80, s18, s18, $0xb8;
	[tilespmem:$0x8100] =	vst v63  }
0x3b: {  	s1 =	smov.u32 s30  }
0x3c: {  	p0 =	sne.s32 s30, $0x5F000;
	s30 =	sadd.s32 $0x1000, s30;
	_ =	swait.ge [sflag:s23], $0x4000  }
0x3d: {  	s28 =	sshrl.u32 s0, $0x3;
	[sflag:s23] =	ssyncset.done $0x0  }
0x3e: {  	s28 =	sadd.s32 s4, s28;
	[sflag:s23] =	ssyncadd.s32 $0xFFFFC000  }
0x3f: {  	[tilespmem:s2], [sflag:$0x5] =	stream.linear.gather [hbm4b:s28+s2], $0x80, $0x38;
	[tilespmem:$0x8100] =	vst v63  }
0x40: {  	s28 =	sadd.s32 s1, s14  }
0x41: {  	[hbm4b:s28+s2] =	stream.linear.scatter [tilespmem:s20], [sflag:$0x3], $0x4000, $0x38;
	[tilespmem:$0x8100] =	vst v63  }
0x42: {  	_ =	swait.ge [sflag:s24], $0x4000  }
0x43: {  	[sflag:s24] =	ssyncset.done $0x0  }
0x44: {  	[sflag:s24] =	ssyncadd.s32 $0xFFFFC000  }
0x45: {  	_ =	swait.ge [sflag:s19], $0x80  }
0x46: {  	[sflag:s19] =	ssyncset.done $0x0  }
0x47: {  	[sflag:s19] =	ssyncadd.s32 $0xFFFFFF80  }
0x48: {  	[tilespmem:s20], [sflag:$0x1] =	stream.indirect.gather [hbm4b:s3+s18], $0x80, s2, s18, $0xb8;
	[tilespmem:$0x8100] =	vst v63  }
0x49: {  	_ =	swait.ge [sflag:s25], $0x4000  }
0x4a: {  	[sflag:s25] =	ssyncset.done $0x0  }
0x4b: {  	[sflag:s25] =	ssyncadd.s32 $0xFFFFC000  }
0x4c: {  	[tilespmem:s18], [sflag:$0x6] =	stream.linear.gather [hbm4b:s31+s2], $0x80, $0x38;
	[tilespmem:$0x8100] =	vst v63  }
0x4d: {  	s1 =	sadd.s32 s1, s15  }
0x4e: {  	[hbm4b:s1+s2] =	stream.linear.scatter [tilespmem:s22], [sflag:$0x4], $0x4000, $0x38;
	[tilespmem:$0x8100] =	vst v63  }
0x4f: {  	_ =	swait.ge [sflag:s26], $0x4000  }
.Ltmp0:
0x50: {  	[sflag:s26] =	ssyncset.done $0x0;
	(pc) =	sbr.rel @p0 .LBB2_2-.Ltmp0, $4  }
0x51: {  	[sflag:s26] =	ssyncadd.s32 $0xFFFFC000  }
0x52: {  	_ =	swait.ge [sflag:s21], $0x80  }
0x53: {  	[sflag:s21] =	ssyncset.done $0x0  }
0x54: {  	s0 =	sadd.s32 $0x100, s0;
	s31 =	sadd.s32 $0x20, s31;
	[sflag:s21] =	ssyncadd.s32 $0xFFFFFF80  }
0x55: {  	[tilespmem:s22], [sflag:$0x2] =	stream.indirect.gather [hbm4b:s3+s18], $0x80, s18, s18, $0xb8;
	[tilespmem:$0x8100] =	vst v63  }
0x56: {  	_ =	swait.ge [sflag:s23], $0x4000  }
0x57: {  	[sflag:s23] =	ssyncset.done $0x0  }
0x58: {  	[sflag:s23] =	ssyncadd.s32 $0xFFFFC000  }
0x59: {  	[tilespmem:s2], [sflag:$0x5] =	stream.linear.gather [hbm4b:s12+s2], $0x80, $0x38;
	[tilespmem:$0x8100] =	vst v63  }
0x5a: {  	_ = 	snop  }
0x5b: {  	[hbm4b:s13+s2] =	stream.linear.scatter [tilespmem:s20], [sflag:$0x3], $0x4000, $0x38;
	[tilespmem:$0x8100] =	vst v63  }
0x5c: {  	_ =	swait.ge [sflag:s24], $0x4000  }
0x5d: {  	[sflag:s24] =	ssyncset.done $0x0  }
0x5e: {  	[sflag:s24] =	ssyncadd.s32 $0xFFFFC000  }
0x5f: {  	_ =	swait.ge [sflag:s19], $0x80  }
0x60: {  	[sflag:s19] =	ssyncset.done $0x0  }
0x61: {  	[sflag:s19] =	ssyncadd.s32 $0xFFFFFF80  }
0x62: {  	[tilespmem:s20], [sflag:$0x1] =	stream.indirect.gather [hbm4b:s3+s18], $0x80, s2, s18, $0xb8;
	[tilespmem:$0x8100] =	vst v63  }
0x63: {  	_ =	swait.ge [sflag:s25], $0x4000  }
0x64: {  	[sflag:s25] =	ssyncset.done $0x0  }
0x65: {  	[sflag:s25] =	ssyncadd.s32 $0xFFFFC000  }
0x66: {  	[hbm4b:s7+s2] =	stream.linear.scatter [tilespmem:s22], [sflag:$0x4], $0x4000, $0x38;
	[tilespmem:$0x8100] =	vst v63  }
0x67: {  	_ =	swait.ge [sflag:s23], $0x4000  }
0x68: {  	[sflag:s23] =	ssyncset.done $0x0  }
0x69: {  	[sflag:s23] =	ssyncadd.s32 $0xFFFFC000  }
0x6a: {  	[hbm4b:s8+s2] =	stream.linear.scatter [tilespmem:s20], [sflag:$0x3], $0x4000, $0x38;
	[tilespmem:$0x8100] =	vst v63  }
0x6b: {  	_ =	swait.ge [sflag:s26], $0x4000  }
0x6c: {  	[sflag:s26] =	ssyncset.done $0x0  }
0x6d: {  	[sflag:s26] =	ssyncadd.s32 $0xFFFFC000  }
0x6e: {  	[tilespmem:s18], [sflag:$0x6] =	stream.linear.gather [hbm4b:s9+s2], $0x28, $0x38;
	[tilespmem:$0x8100] =	vst v63  }
0x6f: {  	_ =	swait.ge [sflag:s21], $0x28  }
0x70: {  	[sflag:s21] =	ssyncset.done $0x0  }
0x71: {  	s0 =	simm.s32 $0x28;
	[sflag:s21] =	ssyncadd.s32 $0xFFFFFFD8  }
0x72: {  	[tilespmem:s22], [sflag:$0x2] =	stream.indirect.gather [hbm4b:s3+s0], $0x80, s18, s0, $0xb8;
	[tilespmem:$0x8100] =	vst v63  }
0x73: {  	_ =	swait.ge [sflag:s25], $0x1400  }
0x74: {  	[sflag:s25] =	ssyncset.done $0x0  }
0x75: {  	s29 =	sadd.s32 $0x1, s29;
	[sflag:s25] =	ssyncadd.s32 $0xFFFFEC00  }
0x76: {  	[hbm4b:s10+s2] =	stream.linear.scatter [tilespmem:s22], [sflag:$0x4], $0x1400, $0x38;
	[tilespmem:$0x8100] =	vst v63  }
0x77: {  	p0 =	sne.s32 s29, s11;
	_ =	swait.ge [sflag:s26], $0x1400  }
.Ltmp1:
0x78: {  	[sflag:s26] =	ssyncset.done $0x0;
	(pc) =	sbr.rel @p0 .LBB2_1-.Ltmp1, $4  }
0x79: {  	[sflag:s26] =	ssyncadd.s32 $0xFFFFEC00  }
0x7a: {  	_ =	swait.ge [sflag:s24], $0x4000  }
0x7b: {  	[sflag:s24] =	ssyncset.done $0x0  }
0x7c: {  	[sflag:s24] =	ssyncadd.s32 $0xFFFFC000  }
0x7d: {  	_ =	sfence.sel $0x180000  }
0x7e: {  	[bflag:$0x0] =	sbarrier.arrive $0xFFFF  }
0x7f: {  	_ =	strace $0x9000004D  }
0x80: {  	s0 =	stileid.u32;
	[bflag:$0x2] =	sbarrier.arrive $0xFFFF  }
0x81: {  	p0 =	sne.s32 s0, $0x0;
	s0 =	rddreg [dreg:$0x1]  }
0x82: {  	s0 =	sadd.s32 @!p0 $0x100000, s0  }
0x83: {  	[sflag:s0] =	ssyncadd.tile.s32 @!p0 $0x1;
	_ =	shalt  }
.Lfunc_end2:
_tile_overlayer_lowered:
.L_overlay_start_2:
0x84: {  	(tag) =	ssettag $0x2  }
0x85: {  	s0 =	rddreg [dreg:$0x0];
	s2 =	stileid.u32  }
0x86: {  	s1 =	rddreg [dreg:$0x1];
	p0 =	sne.s32 s2, $0x0  }
0x87: {  	s3 =	rddreg [dreg:$0x2];
	[bflag:$0x3] =	sbarrier.arrive $0xFFFF;
	s2 =	simm.s32 @!p0 $0x1C07  }
0x88: {  	[timem:s3], [sflag:s2] =	dma.local @!p0 [hbm:s0], s1  }
0x89: {  	s0 =	simm.s32 @!p0 $0x7  }
0x8a: {  	_ =	swait.ge @!p0 [sflag:s0], s1  }
0x8b: {  	s1 =	ssub.s32 @!p0 $0x0, s1;
	[sflag:s0] =	ssyncset.done @!p0 $0x0  }
0x8c: {  	[sflag:s0] =	ssyncadd.s32 @!p0 s1  }
0x8d: {  	[bflag:$0x3] =	sbarrier.arrive $0xFFFF  }
0x8e: {  	_ =	shalt  }

</sc_bundles>
